<compile_context>
chip_gen: v7x
topology: tpu7x:2x2x1
jax: 0.10.2.dev20260603
libtpu: 0.0.44.dev20260713+nightly
codegen_flags: <defaults>
</compile_context>

<pallas_src>
import functools

import jax
import jax.numpy as jnp
from jax import lax
from jax.experimental import pallas as pl
from jax.experimental.pallas import tpu as pltpu
from jax.experimental.pallas import tpu_sc as plsc

N_NODES = 10000
N_EDGES = 320000
D = 128

NC = 2
NS = 16
NW = NC * NS

EPR = 128
STAGE_ROWS = 64
ROWS_SC0 = 128
ROWS_SC1 = 32
N_ROWS = NS * (ROWS_SC0 + ROWS_SC1)
E_PAD = N_ROWS * EPR
SC1_BASE = NS * ROWS_SC0
DUMMY_DST = 10008
N_ACC = 10112
ROWS_PER_TILE_Z = N_ACC // NS
ROWS_PER_TILE_O = 624


def _build_agg():
    mesh = plsc.VectorSubcoreMesh(core_axis_name="c", subcore_axis_name="s")

    @functools.partial(
        pl.kernel,
        mesh=mesh,
        out_type=jax.ShapeDtypeStruct((NC, N_NODES, D), jnp.float32),
        scratch_types=[
            pltpu.VMEM((STAGE_ROWS, EPR), jnp.int32),
            pltpu.VMEM((STAGE_ROWS, EPR), jnp.int32),
            pltpu.VMEM((EPR, D), jnp.float32),
            pltpu.VMEM((EPR, D), jnp.float32),
            pltpu.VMEM_SHARED((N_ACC, D), jnp.float32),
            pltpu.SemaphoreType.DMA,
            pltpu.SemaphoreType.DMA,
            pltpu.SemaphoreType.DMA,
            pltpu.SemaphoreType.DMA,
        ],
    )
    def agg(src_hbm, dst_hbm, x_hbm, z128_hbm, sum_out,
            src_v, dst_v, msgs0_v, msgs1_v, acc_s, sem0, sem1, sem2, sem3):
        cid = lax.axis_index("c")
        sid = lax.axis_index("s")

        zb = sid * ROWS_PER_TILE_Z
        pltpu.sync_copy(z128_hbm.at[pl.ds(zb, ROWS_PER_TILE_Z)],
                        acc_s.at[pl.ds(zb, ROWS_PER_TILE_Z)])
        plsc.subcore_barrier()

        def run_stage(eb, rows):
            nh = rows // 2
            pltpu.sync_copy(src_hbm.at[pl.ds(eb, rows)],
                            src_v.at[pl.ds(0, rows)])
            pltpu.sync_copy(dst_hbm.at[pl.ds(eb, rows)],
                            dst_v.at[pl.ds(0, rows)])
            pltpu.async_copy(x_hbm.at[src_v.at[0]], msgs0_v, sem0)
            pltpu.async_copy(x_hbm.at[src_v.at[1]], msgs1_v, sem1)

            def body(i, carry):
                j0 = 2 * i
                j1 = j0 + 1
                pltpu.make_async_copy(x_hbm.at[src_v.at[j0]], msgs0_v,
                                      sem0).wait()
                s0 = pltpu.async_copy(msgs0_v, acc_s.at[dst_v.at[j0]], sem2,
                                      add=True)
                pltpu.make_async_copy(x_hbm.at[src_v.at[j1]], msgs1_v,
                                      sem1).wait()
                s1 = pltpu.async_copy(msgs1_v, acc_s.at[dst_v.at[j1]], sem3,
                                      add=True)
                s0.wait()

                @pl.when(i < nh - 1)
                def _():
                    pltpu.async_copy(x_hbm.at[src_v.at[j0 + 2]], msgs0_v, sem0)

                s1.wait()

                @pl.when(i < nh - 1)
                def _():
                    pltpu.async_copy(x_hbm.at[src_v.at[j1 + 2]], msgs1_v, sem1)

                return carry

            lax.fori_loop(0, nh, body, 0)

        @pl.when(cid == 0)
        def _():
            for st in range(ROWS_SC0 // STAGE_ROWS):
                run_stage(sid * ROWS_SC0 + st * STAGE_ROWS, STAGE_ROWS)

        @pl.when(cid == 1)
        def _():
            run_stage(SC1_BASE + sid * ROWS_SC1, ROWS_SC1)

        plsc.subcore_barrier()

        ob = sid * ROWS_PER_TILE_O

        @pl.when(sid < NS - 1)
        def _():
            pltpu.sync_copy(acc_s.at[pl.ds(ob, ROWS_PER_TILE_O)],
                            sum_out.at[cid, pl.ds(ob, ROWS_PER_TILE_O)])

        @pl.when(sid == NS - 1)
        def _():
            tb = (NS - 1) * ROWS_PER_TILE_O
            tail = N_NODES - tb
            pltpu.sync_copy(acc_s.at[pl.ds(tb, tail)],
                            sum_out.at[cid, pl.ds(tb, tail)])

    return agg


def _build_cnt():
    mesh = plsc.VectorSubcoreMesh(core_axis_name="c", subcore_axis_name="s")

    @functools.partial(
        pl.kernel,
        mesh=mesh,
        out_type=jax.ShapeDtypeStruct((NC, N_NODES, D), jnp.float32),
        scratch_types=[
            pltpu.VMEM((STAGE_ROWS, EPR), jnp.int32),
            pltpu.VMEM((EPR, D), jnp.float32),
            pltpu.VMEM_SHARED((N_ACC, D), jnp.float32),
            pltpu.SemaphoreType.DMA,
        ],
    )
    def cnt(dst_hbm, ones_hbm, z128_hbm, cnt_out, dst_v, ones_v, cnt_s, semc):
        cid = lax.axis_index("c")
        sid = lax.axis_index("s")

        zb = sid * ROWS_PER_TILE_Z
        pltpu.sync_copy(z128_hbm.at[pl.ds(zb, ROWS_PER_TILE_Z)],
                        cnt_s.at[pl.ds(zb, ROWS_PER_TILE_Z)])
        pltpu.sync_copy(ones_hbm, ones_v)
        plsc.subcore_barrier()

        def run_stage(eb, rows):
            pltpu.sync_copy(dst_hbm.at[pl.ds(eb, rows)],
                            dst_v.at[pl.ds(0, rows)])

            def body(j, carry):
                pltpu.async_copy(ones_v, cnt_s.at[dst_v.at[j]], semc,
                                 add=True)
                return carry

            lax.fori_loop(0, rows, body, 0)

            def drain(j, carry):
                pltpu.make_async_copy(ones_hbm, ones_v, semc).wait()
                return carry

            lax.fori_loop(0, rows, drain, 0)

        @pl.when(cid == 0)
        def _():
            for st in range(ROWS_SC0 // STAGE_ROWS):
                run_stage(sid * ROWS_SC0 + st * STAGE_ROWS, STAGE_ROWS)

        @pl.when(cid == 1)
        def _():
            run_stage(SC1_BASE + sid * ROWS_SC1, ROWS_SC1)

        plsc.subcore_barrier()

        ob = sid * ROWS_PER_TILE_O

        @pl.when(sid < NS - 1)
        def _():
            pltpu.sync_copy(cnt_s.at[pl.ds(ob, ROWS_PER_TILE_O)],
                            cnt_out.at[cid, pl.ds(ob, ROWS_PER_TILE_O)])

        @pl.when(sid == NS - 1)
        def _():
            tb = (NS - 1) * ROWS_PER_TILE_O
            tail = N_NODES - tb
            pltpu.sync_copy(cnt_s.at[pl.ds(tb, tail)],
                            cnt_out.at[cid, pl.ds(tb, tail)])

    return cnt


_agg = _build_agg()
_cnt = _build_cnt()

_BR = 1000


def _dense1_body(sum_ref, cnt_ref, x_ref, wl_ref, bl_ref, wr_ref, out_ref):
    s = sum_ref[0] + sum_ref[1]
    c = cnt_ref[0][:, :1] + cnt_ref[1][:, :1]
    mean = s / jnp.maximum(c, 1.0)
    h = mean @ wl_ref[...].T + bl_ref[...] + x_ref[...] @ wr_ref[...].T
    out_ref[...] = jnp.tanh(h)


def _dense1(sum_parts, cnt_parts, x, Wl, bl, Wr):
    return pl.pallas_call(
        _dense1_body,
        grid=(N_NODES // _BR,),
        in_specs=[
            pl.BlockSpec((NC, _BR, D), lambda i: (0, i, 0)),
            pl.BlockSpec((NC, _BR, D), lambda i: (0, i, 0)),
            pl.BlockSpec((_BR, D), lambda i: (i, 0)),
            pl.BlockSpec((D, D), lambda i: (0, 0)),
            pl.BlockSpec((1, D), lambda i: (0, 0)),
            pl.BlockSpec((D, D), lambda i: (0, 0)),
        ],
        out_specs=pl.BlockSpec((_BR, D), lambda i: (i, 0)),
        out_shape=jax.ShapeDtypeStruct((N_NODES, D), jnp.float32),
    )(sum_parts, cnt_parts, x, Wl, bl, Wr)


def _dense2_body(sum_ref, cnt_ref, h_ref, wl_ref, bl_ref, wr_ref,
                 wo_ref, bo_ref, out_ref):
    s = sum_ref[0] + sum_ref[1]
    c = cnt_ref[0][:, :1] + cnt_ref[1][:, :1]
    mean = s / jnp.maximum(c, 1.0)
    h2 = mean @ wl_ref[...].T + bl_ref[...] + h_ref[...] @ wr_ref[...].T
    logits = h2 @ wo_ref[...].T + bo_ref[...]
    out_ref[...] = jax.nn.softmax(logits, axis=1)


def _dense2(sum_parts, cnt_parts, h, Wl, bl, Wr, Wout, bout):
    return pl.pallas_call(
        _dense2_body,
        grid=(N_NODES // _BR,),
        in_specs=[
            pl.BlockSpec((NC, _BR, D), lambda i: (0, i, 0)),
            pl.BlockSpec((NC, _BR, D), lambda i: (0, i, 0)),
            pl.BlockSpec((_BR, D), lambda i: (i, 0)),
            pl.BlockSpec((D, D), lambda i: (0, 0)),
            pl.BlockSpec((1, D), lambda i: (0, 0)),
            pl.BlockSpec((D, D), lambda i: (0, 0)),
            pl.BlockSpec((64, D), lambda i: (0, 0)),
            pl.BlockSpec((1, 64), lambda i: (0, 0)),
        ],
        out_specs=pl.BlockSpec((_BR, 64), lambda i: (i, 0)),
        out_shape=jax.ShapeDtypeStruct((N_NODES, 64), jnp.float32),
    )(sum_parts, cnt_parts, h, Wl, bl, Wr, Wout, bout)


def kernel(x, edge_index, Wl1, bl1, Wr1, Wl2, bl2, Wr2, Wout, bout):
    src = edge_index[0].astype(jnp.int32)
    dst = edge_index[1].astype(jnp.int32)
    pad = E_PAD - N_EDGES
    src_p = jnp.concatenate([src, jnp.zeros((pad,), jnp.int32)]).reshape(N_ROWS, EPR)
    dst_p = jnp.concatenate([dst, jnp.full((pad,), DUMMY_DST, jnp.int32)]).reshape(N_ROWS, EPR)
    z128 = jnp.zeros((N_ACC, D), jnp.float32)
    bl1_2d = bl1.reshape(1, D)
    bl2_2d = bl2.reshape(1, D)
    bout_2d = bout.reshape(1, 64)

    ones_rows = jnp.ones((EPR, D), jnp.float32)
    cnt1 = _cnt(dst_p, ones_rows, z128)
    sum1 = _agg(src_p, dst_p, x, z128)
    h1 = _dense1(sum1, cnt1, x, Wl1, bl1_2d, Wr1)
    sum2 = _agg(src_p, dst_p, h1, z128)
    out = _dense2(sum2, cnt1, h1, Wl2, bl2_2d, Wr2, Wout, bout_2d)
    return out

# --- scband reference (transcript-rebuilt; emitter-appended) ---
"""Pipeline reference for scband-homo-gnn-5729486373618 (READ-ONLY COPY).

The authoritative reference and input builder live on the scoring server;
editing this copy changes nothing except your own understanding.
"""

import jax, jax.numpy as jnp
import numpy as np

N_NODES = 10000
N_EDGES = 320000
D_FEAT = 128
HIDDEN = 128
OUT = 64


def setup_inputs(seed: int = 0) -> dict:
    key = jax.random.key(seed)
    ks = jax.random.split(key, 12)
    x = jax.random.normal(ks[0], (N_NODES, D_FEAT), dtype=jnp.float32)
    edge_index = jax.random.randint(ks[1], (2, N_EDGES), 0, N_NODES, dtype=jnp.int64)
    s1 = 1.0 / np.sqrt(D_FEAT)
    s2 = 1.0 / np.sqrt(HIDDEN)
    Wl1 = jax.random.uniform(ks[2], (HIDDEN, D_FEAT), jnp.float32, -s1, s1)
    bl1 = jax.random.uniform(ks[3], (HIDDEN,), jnp.float32, -s1, s1)
    Wr1 = jax.random.uniform(ks[4], (HIDDEN, D_FEAT), jnp.float32, -s1, s1)
    Wl2 = jax.random.uniform(ks[5], (HIDDEN, HIDDEN), jnp.float32, -s2, s2)
    bl2 = jax.random.uniform(ks[6], (HIDDEN,), jnp.float32, -s2, s2)
    Wr2 = jax.random.uniform(ks[7], (HIDDEN, HIDDEN), jnp.float32, -s2, s2)
    Wout = jax.random.uniform(ks[8], (OUT, HIDDEN), jnp.float32, -s2, s2)
    bout = jax.random.uniform(ks[9], (OUT,), jnp.float32, -s2, s2)
    return {"x": x, "edge_index": edge_index, "Wl1": Wl1, "bl1": bl1, "Wr1": Wr1,
            "Wl2": Wl2, "bl2": bl2, "Wr2": Wr2, "Wout": Wout, "bout": bout}


def sage_conv(x, edge_index, Wl, bl, Wr):
    # PyG SAGEConv (aggr='mean'): out = lin_l(mean_{j in N(i)} x_j) + lin_r(x_i)
    src = edge_index[0]
    dst = edge_index[1]
    msgs = jnp.take(x, src, axis=0)
    summed = jax.ops.segment_sum(msgs, dst, num_segments=N_NODES)
    counts = jax.ops.segment_sum(jnp.ones((msgs.shape[0],), dtype=x.dtype), dst, num_segments=N_NODES)
    mean = summed / jnp.clip(counts, 1.0, None)[:, None]
    return mean @ Wl.T + bl + x @ Wr.T


def reference(x, edge_index, Wl1, bl1, Wr1, Wl2, bl2, Wr2, Wout, bout):
    h = sage_conv(x, edge_index, Wl1, bl1, Wr1)
    h = jnp.tanh(h)
    h = sage_conv(h, edge_index, Wl2, bl2, Wr2)
    out = h @ Wout.T + bout
    return jax.nn.softmax(out, axis=1)

if __name__ == "__main__":
    import jax
    _d = setup_inputs()
    print(jax.jit(kernel)(*tuple(_d.values())))

</pallas_src>

<mosaic_0001>
#map = affine_map<(d0, d1) -> (0, 0)>
#map1 = affine_map<(d0, d1) -> (0, 0, 0)>
module attributes {stable_mosaic.version = 14 : i64} {
  func.func @cnt(%arg0: i32, %arg1: i32, %arg2: memref<2560x128xi32, #tpu.memory_space<hbm>>, %arg3: memref<128x128xf32, #tpu.memory_space<hbm>>, %arg4: memref<10112x128xf32, #tpu.memory_space<hbm>>, %arg5: memref<2x10000x128xf32, #tpu.memory_space<hbm>>, %arg6: memref<64x128xi32, #tpu.memory_space<vmem>>, %arg7: memref<128x128xf32, #tpu.memory_space<vmem>>, %arg8: memref<10112x128xf32, #tpu.memory_space<vmem_shared>>, %arg9: memref<!tpu.dma_semaphore, #tpu.memory_space<semaphore_mem>>) attributes {dimension_semantics = [#tpu.dimension_semantics<core_parallel>, #tpu.dimension_semantics<subcore_parallel>], iteration_bounds = array<i64: 2, 16>, scalar_prefetch = 0 : i64, scratch_operands = 4 : i64, tpu.core_type = #tpu.core_type<sc_vector_subcore>, window_params = [{transform_indices = #map}, {transform_indices = #map}, {transform_indices = #map}, {transform_indices = #map1}]} {
    %mul3A = arith.constant 632 : i32
    %mul3A_0 = arith.muli %arg1, %mul3A : i32
    "tpu.region"() ({
      %run_scoped3A = tpu.sem_alloc : memref<!tpu.dma_semaphore, #tpu.memory_space<semaphore_mem>>
      %dma_start3A = arith.constant 0 : i32
      %dma_start3A_20 = tpu.memref_slice %arg8[%mul3A_0, %dma_start3A] : memref<10112x128xf32, #tpu.memory_space<vmem_shared>> -> memref<632x128xf32, #tpu.memory_space<vmem_shared>>
      %dma_start3A_21 = arith.constant 0 : i32
      %dma_start3A_22 = tpu.memref_slice %arg4[%mul3A_0, %dma_start3A_21] : memref<10112x128xf32, #tpu.memory_space<hbm>> -> memref<632x128xf32, #tpu.memory_space<hbm>>
      tpu.enqueue_dma source(%dma_start3A_22 : memref<632x128xf32, #tpu.memory_space<hbm>>) target(%dma_start3A_20 : memref<632x128xf32, #tpu.memory_space<vmem_shared>>) target_semaphore(%run_scoped3A : memref<!tpu.dma_semaphore, #tpu.memory_space<semaphore_mem>>)
      %dma_wait3A = arith.constant 0 : i32
      %dma_wait3A_23 = tpu.memref_slice %arg8[%mul3A_0, %dma_wait3A] : memref<10112x128xf32, #tpu.memory_space<vmem_shared>> -> memref<632x128xf32, #tpu.memory_space<vmem_shared>>
      %dma_wait3A_24 = arith.constant 0 : i32
      %dma_wait3A_25 = tpu.memref_slice %arg4[%mul3A_0, %dma_wait3A_24] : memref<10112x128xf32, #tpu.memory_space<hbm>> -> memref<632x128xf32, #tpu.memory_space<hbm>>
      tpu.wait_dma2 semaphore(%run_scoped3A : memref<!tpu.dma_semaphore, #tpu.memory_space<semaphore_mem>>) src(%dma_wait3A_25 : memref<632x128xf32, #tpu.memory_space<hbm>>) dst(%dma_wait3A_23 : memref<632x128xf32, #tpu.memory_space<vmem_shared>>)
      tpu.yield
    }) : () -> ()
    "tpu.region"() ({
      %run_scoped3A = tpu.sem_alloc : memref<!tpu.dma_semaphore, #tpu.memory_space<semaphore_mem>>
      tpu.enqueue_dma source(%arg3 : memref<128x128xf32, #tpu.memory_space<hbm>>) target(%arg7 : memref<128x128xf32, #tpu.memory_space<vmem>>) target_semaphore(%run_scoped3A : memref<!tpu.dma_semaphore, #tpu.memory_space<semaphore_mem>>)
      tpu.wait_dma2 semaphore(%run_scoped3A : memref<!tpu.dma_semaphore, #tpu.memory_space<semaphore_mem>>) src(%arg3 : memref<128x128xf32, #tpu.memory_space<hbm>>) dst(%arg7 : memref<128x128xf32, #tpu.memory_space<vmem>>)
      tpu.yield
    }) : () -> ()
    %barrier3A = arith.constant 0 : index
    tpu.barrier barrier_id(%barrier3A)
    %eq3A = arith.constant 0 : i32
    %eq3A_1 = arith.cmpi eq, %arg0, %eq3A : i32
    %convert_element_type3A = arith.extui %eq3A_1 : i1 to i32
    %cond3A = arith.constant 0 : i32
    %cond3A_2 = arith.cmpi ne, %convert_element_type3A, %cond3A : i32
    scf.if %cond3A_2 {
      %mul3A_20 = arith.constant 128 : i32
      %mul3A_21 = arith.muli %arg1, %mul3A_20 : i32
      %add3A = arith.constant 0 : i32
      %add3A_22 = arith.addi %mul3A_21, %add3A : i32
      "tpu.region"() ({
        %run_scoped3A = tpu.sem_alloc : memref<!tpu.dma_semaphore, #tpu.memory_space<semaphore_mem>>
        %dma_start3A = arith.constant 0 : i32
        %dma_start3A_50 = arith.constant 0 : i32
        %dma_start3A_51 = tpu.memref_slice %arg6[%dma_start3A, %dma_start3A_50] : memref<64x128xi32, #tpu.memory_space<vmem>> -> memref<64x128xi32, #tpu.memory_space<vmem>>
        %dma_start3A_52 = arith.constant 0 : i32
        %dma_start3A_53 = tpu.memref_slice %arg2[%add3A_22, %dma_start3A_52] : memref<2560x128xi32, #tpu.memory_space<hbm>> -> memref<64x128xi32, #tpu.memory_space<hbm>>
        %dma_start3A_54 = arith.constant 0 : i32
        %dma_start3A_55 = arith.constant 0 : i32
        %dma_start3A_56 = tpu.memref_slice %arg6[%dma_start3A_54, %dma_start3A_55] : memref<64x128xi32, #tpu.memory_space<vmem>> -> memref<64x128xi32, #tpu.memory_space<vmem>>
        %dma_start3A_57 = arith.constant 0 : i32
        %dma_start3A_58 = tpu.memref_slice %arg2[%add3A_22, %dma_start3A_57] : memref<2560x128xi32, #tpu.memory_space<hbm>> -> memref<64x128xi32, #tpu.memory_space<hbm>>
        tpu.enqueue_dma source(%dma_start3A_58 : memref<64x128xi32, #tpu.memory_space<hbm>>) target(%dma_start3A_56 : memref<64x128xi32, #tpu.memory_space<vmem>>) target_semaphore(%run_scoped3A : memref<!tpu.dma_semaphore, #tpu.memory_space<semaphore_mem>>)
        %dma_wait3A = arith.constant 0 : i32
        %dma_wait3A_59 = arith.constant 0 : i32
        %dma_wait3A_60 = tpu.memref_slice %arg6[%dma_wait3A, %dma_wait3A_59] : memref<64x128xi32, #tpu.memory_space<vmem>> -> memref<64x128xi32, #tpu.memory_space<vmem>>
        %dma_wait3A_61 = arith.constant 0 : i32
        %dma_wait3A_62 = tpu.memref_slice %arg2[%add3A_22, %dma_wait3A_61] : memref<2560x128xi32, #tpu.memory_space<hbm>> -> memref<64x128xi32, #tpu.memory_space<hbm>>
        %dma_wait3A_63 = arith.constant 0 : i32
        %dma_wait3A_64 = arith.constant 0 : i32
        %dma_wait3A_65 = tpu.memref_slice %arg6[%dma_wait3A_63, %dma_wait3A_64] : memref<64x128xi32, #tpu.memory_space<vmem>> -> memref<64x128xi32, #tpu.memory_space<vmem>>
        %dma_wait3A_66 = arith.constant 0 : i32
        %dma_wait3A_67 = tpu.memref_slice %arg2[%add3A_22, %dma_wait3A_66] : memref<2560x128xi32, #tpu.memory_space<hbm>> -> memref<64x128xi32, #tpu.memory_space<hbm>>
        tpu.wait_dma2 semaphore(%run_scoped3A : memref<!tpu.dma_semaphore, #tpu.memory_space<semaphore_mem>>) src(%dma_wait3A_67 : memref<64x128xi32, #tpu.memory_space<hbm>>) dst(%dma_wait3A_65 : memref<64x128xi32, #tpu.memory_space<vmem>>)
        tpu.yield
      }) : () -> ()
      %scan3A = arith.constant 0 : i32
      %scan3A_23 = arith.constant 0 : i32
      %scan3A_24 = arith.constant 64 : i32
      %scan3A_25 = arith.addi %scan3A_23, %scan3A_24 : i32
      %scan3A_26 = arith.constant 1 : i32
      scf.for %scan3A_50 = %scan3A_23 to %scan3A_25 step %scan3A_26  : i32 {
        %dma_start3A = arith.constant 0 : i32
        %dma_start3A_51 = tpu.memref_slice %arg6[%scan3A_50, %dma_start3A] : memref<64x128xi32, #tpu.memory_space<vmem>> -> memref<1x128xi32, #tpu.memory_space<vmem>>
        %dma_start3A_52 = tpu.memref_squeeze %dma_start3A_51 : memref<1x128xi32, #tpu.memory_space<vmem>> -> memref<128xi32, #tpu.memory_space<vmem>>
        %dma_start3A_53 = arith.constant 0 : i32
        %dma_start3A_54 = arith.constant 0 : i32
        %dma_start3A_55 = tpu.memref_slice %arg8[%dma_start3A_53, %dma_start3A_54] : memref<10112x128xf32, #tpu.memory_space<vmem_shared>> -> memref<10112x128xf32, #tpu.memory_space<vmem_shared>>
        tpu.enqueue_indirect_dma source(%arg7 : memref<128x128xf32, #tpu.memory_space<vmem>>) target(%dma_start3A_55 : memref<10112x128xf32, #tpu.memory_space<vmem_shared>>) offsets(%dma_start3A_52 : memref<128xi32, #tpu.memory_space<vmem>>) semaphore(%arg9 : memref<!tpu.dma_semaphore, #tpu.memory_space<semaphore_mem>>) {add = true}
      }
      %scan3A_27 = arith.constant 64 : i32
      %scan3A_28 = arith.constant 0 : i32
      %scan3A_29 = arith.constant 0 : i32
      %scan3A_30 = arith.constant 64 : i32
      %scan3A_31 = arith.addi %scan3A_29, %scan3A_30 : i32
      %scan3A_32 = arith.constant 1 : i32
      scf.for %scan3A_50 = %scan3A_29 to %scan3A_31 step %scan3A_32  : i32 {
        tpu.wait_dma2 semaphore(%arg9 : memref<!tpu.dma_semaphore, #tpu.memory_space<semaphore_mem>>) src(%arg3 : memref<128x128xf32, #tpu.memory_space<hbm>>) dst(%arg7 : memref<128x128xf32, #tpu.memory_space<vmem>>)
      }
      %scan3A_33 = arith.constant 64 : i32
      %mul3A_34 = arith.constant 128 : i32
      %mul3A_35 = arith.muli %arg1, %mul3A_34 : i32
      %add3A_36 = arith.constant 64 : i32
      %add3A_37 = arith.addi %mul3A_35, %add3A_36 : i32
      "tpu.region"() ({
        %run_scoped3A = tpu.sem_alloc : memref<!tpu.dma_semaphore, #tpu.memory_space<semaphore_mem>>
        %dma_start3A = arith.constant 0 : i32
        %dma_start3A_50 = arith.constant 0 : i32
        %dma_start3A_51 = tpu.memref_slice %arg6[%dma_start3A, %dma_start3A_50] : memref<64x128xi32, #tpu.memory_space<vmem>> -> memref<64x128xi32, #tpu.memory_space<vmem>>
        %dma_start3A_52 = arith.constant 0 : i32
        %dma_start3A_53 = tpu.memref_slice %arg2[%add3A_37, %dma_start3A_52] : memref<2560x128xi32, #tpu.memory_space<hbm>> -> memref<64x128xi32, #tpu.memory_space<hbm>>
        %dma_start3A_54 = arith.constant 0 : i32
        %dma_start3A_55 = arith.constant 0 : i32
        %dma_start3A_56 = tpu.memref_slice %arg6[%dma_start3A_54, %dma_start3A_55] : memref<64x128xi32, #tpu.memory_space<vmem>> -> memref<64x128xi32, #tpu.memory_space<vmem>>
        %dma_start3A_57 = arith.constant 0 : i32
        %dma_start3A_58 = tpu.memref_slice %arg2[%add3A_37, %dma_start3A_57] : memref<2560x128xi32, #tpu.memory_space<hbm>> -> memref<64x128xi32, #tpu.memory_space<hbm>>
        tpu.enqueue_dma source(%dma_start3A_58 : memref<64x128xi32, #tpu.memory_space<hbm>>) target(%dma_start3A_56 : memref<64x128xi32, #tpu.memory_space<vmem>>) target_semaphore(%run_scoped3A : memref<!tpu.dma_semaphore, #tpu.memory_space<semaphore_mem>>)
        %dma_wait3A = arith.constant 0 : i32
        %dma_wait3A_59 = arith.constant 0 : i32
        %dma_wait3A_60 = tpu.memref_slice %arg6[%dma_wait3A, %dma_wait3A_59] : memref<64x128xi32, #tpu.memory_space<vmem>> -> memref<64x128xi32, #tpu.memory_space<vmem>>
        %dma_wait3A_61 = arith.constant 0 : i32
        %dma_wait3A_62 = tpu.memref_slice %arg2[%add3A_37, %dma_wait3A_61] : memref<2560x128xi32, #tpu.memory_space<hbm>> -> memref<64x128xi32, #tpu.memory_space<hbm>>
        %dma_wait3A_63 = arith.constant 0 : i32
        %dma_wait3A_64 = arith.constant 0 : i32
        %dma_wait3A_65 = tpu.memref_slice %arg6[%dma_wait3A_63, %dma_wait3A_64] : memref<64x128xi32, #tpu.memory_space<vmem>> -> memref<64x128xi32, #tpu.memory_space<vmem>>
        %dma_wait3A_66 = arith.constant 0 : i32
        %dma_wait3A_67 = tpu.memref_slice %arg2[%add3A_37, %dma_wait3A_66] : memref<2560x128xi32, #tpu.memory_space<hbm>> -> memref<64x128xi32, #tpu.memory_space<hbm>>
        tpu.wait_dma2 semaphore(%run_scoped3A : memref<!tpu.dma_semaphore, #tpu.memory_space<semaphore_mem>>) src(%dma_wait3A_67 : memref<64x128xi32, #tpu.memory_space<hbm>>) dst(%dma_wait3A_65 : memref<64x128xi32, #tpu.memory_space<vmem>>)
        tpu.yield
      }) : () -> ()
      %scan3A_38 = arith.constant 0 : i32
      %scan3A_39 = arith.constant 0 : i32
      %scan3A_40 = arith.constant 64 : i32
      %scan3A_41 = arith.addi %scan3A_39, %scan3A_40 : i32
      %scan3A_42 = arith.constant 1 : i32
      scf.for %scan3A_50 = %scan3A_39 to %scan3A_41 step %scan3A_42  : i32 {
        %dma_start3A = arith.constant 0 : i32
        %dma_start3A_51 = tpu.memref_slice %arg6[%scan3A_50, %dma_start3A] : memref<64x128xi32, #tpu.memory_space<vmem>> -> memref<1x128xi32, #tpu.memory_space<vmem>>
        %dma_start3A_52 = tpu.memref_squeeze %dma_start3A_51 : memref<1x128xi32, #tpu.memory_space<vmem>> -> memref<128xi32, #tpu.memory_space<vmem>>
        %dma_start3A_53 = arith.constant 0 : i32
        %dma_start3A_54 = arith.constant 0 : i32
        %dma_start3A_55 = tpu.memref_slice %arg8[%dma_start3A_53, %dma_start3A_54] : memref<10112x128xf32, #tpu.memory_space<vmem_shared>> -> memref<10112x128xf32, #tpu.memory_space<vmem_shared>>
        tpu.enqueue_indirect_dma source(%arg7 : memref<128x128xf32, #tpu.memory_space<vmem>>) target(%dma_start3A_55 : memref<10112x128xf32, #tpu.memory_space<vmem_shared>>) offsets(%dma_start3A_52 : memref<128xi32, #tpu.memory_space<vmem>>) semaphore(%arg9 : memref<!tpu.dma_semaphore, #tpu.memory_space<semaphore_mem>>) {add = true}
      }
      %scan3A_43 = arith.constant 64 : i32
      %scan3A_44 = arith.constant 0 : i32
      %scan3A_45 = arith.constant 0 : i32
      %scan3A_46 = arith.constant 64 : i32
      %scan3A_47 = arith.addi %scan3A_45, %scan3A_46 : i32
      %scan3A_48 = arith.constant 1 : i32
      scf.for %scan3A_50 = %scan3A_45 to %scan3A_47 step %scan3A_48  : i32 {
        tpu.wait_dma2 semaphore(%arg9 : memref<!tpu.dma_semaphore, #tpu.memory_space<semaphore_mem>>) src(%arg3 : memref<128x128xf32, #tpu.memory_space<hbm>>) dst(%arg7 : memref<128x128xf32, #tpu.memory_space<vmem>>)
      }
      %scan3A_49 = arith.constant 64 : i32
    } else {
    }
    %eq3A_3 = arith.constant 1 : i32
    %eq3A_4 = arith.cmpi eq, %arg0, %eq3A_3 : i32
    %convert_element_type3A_5 = arith.extui %eq3A_4 : i1 to i32
    %cond3A_6 = arith.constant 0 : i32
    %cond3A_7 = arith.cmpi ne, %convert_element_type3A_5, %cond3A_6 : i32
    scf.if %cond3A_7 {
      %mul3A_20 = arith.constant 32 : i32
      %mul3A_21 = arith.muli %arg1, %mul3A_20 : i32
      %add3A = arith.constant 2048 : i32
      %add3A_22 = arith.addi %add3A, %mul3A_21 : i32
      "tpu.region"() ({
        %run_scoped3A = tpu.sem_alloc : memref<!tpu.dma_semaphore, #tpu.memory_space<semaphore_mem>>
        %dma_start3A = arith.constant 0 : i32
        %dma_start3A_34 = arith.constant 0 : i32
        %dma_start3A_35 = tpu.memref_slice %arg6[%dma_start3A, %dma_start3A_34] : memref<64x128xi32, #tpu.memory_space<vmem>> -> memref<32x128xi32, #tpu.memory_space<vmem>>
        %dma_start3A_36 = arith.constant 0 : i32
        %dma_start3A_37 = tpu.memref_slice %arg2[%add3A_22, %dma_start3A_36] : memref<2560x128xi32, #tpu.memory_space<hbm>> -> memref<32x128xi32, #tpu.memory_space<hbm>>
        %dma_start3A_38 = arith.constant 0 : i32
        %dma_start3A_39 = arith.constant 0 : i32
        %dma_start3A_40 = tpu.memref_slice %arg6[%dma_start3A_38, %dma_start3A_39] : memref<64x128xi32, #tpu.memory_space<vmem>> -> memref<32x128xi32, #tpu.memory_space<vmem>>
        %dma_start3A_41 = arith.constant 0 : i32
        %dma_start3A_42 = tpu.memref_slice %arg2[%add3A_22, %dma_start3A_41] : memref<2560x128xi32, #tpu.memory_space<hbm>> -> memref<32x128xi32, #tpu.memory_space<hbm>>
        tpu.enqueue_dma source(%dma_start3A_42 : memref<32x128xi32, #tpu.memory_space<hbm>>) target(%dma_start3A_40 : memref<32x128xi32, #tpu.memory_space<vmem>>) target_semaphore(%run_scoped3A : memref<!tpu.dma_semaphore, #tpu.memory_space<semaphore_mem>>)
        %dma_wait3A = arith.constant 0 : i32
        %dma_wait3A_43 = arith.constant 0 : i32
        %dma_wait3A_44 = tpu.memref_slice %arg6[%dma_wait3A, %dma_wait3A_43] : memref<64x128xi32, #tpu.memory_space<vmem>> -> memref<32x128xi32, #tpu.memory_space<vmem>>
        %dma_wait3A_45 = arith.constant 0 : i32
        %dma_wait3A_46 = tpu.memref_slice %arg2[%add3A_22, %dma_wait3A_45] : memref<2560x128xi32, #tpu.memory_space<hbm>> -> memref<32x128xi32, #tpu.memory_space<hbm>>
        %dma_wait3A_47 = arith.constant 0 : i32
        %dma_wait3A_48 = arith.constant 0 : i32
        %dma_wait3A_49 = tpu.memref_slice %arg6[%dma_wait3A_47, %dma_wait3A_48] : memref<64x128xi32, #tpu.memory_space<vmem>> -> memref<32x128xi32, #tpu.memory_space<vmem>>
        %dma_wait3A_50 = arith.constant 0 : i32
        %dma_wait3A_51 = tpu.memref_slice %arg2[%add3A_22, %dma_wait3A_50] : memref<2560x128xi32, #tpu.memory_space<hbm>> -> memref<32x128xi32, #tpu.memory_space<hbm>>
        tpu.wait_dma2 semaphore(%run_scoped3A : memref<!tpu.dma_semaphore, #tpu.memory_space<semaphore_mem>>) src(%dma_wait3A_51 : memref<32x128xi32, #tpu.memory_space<hbm>>) dst(%dma_wait3A_49 : memref<32x128xi32, #tpu.memory_space<vmem>>)
        tpu.yield
      }) : () -> ()
      %scan3A = arith.constant 0 : i32
      %scan3A_23 = arith.constant 0 : i32
      %scan3A_24 = arith.constant 32 : i32
      %scan3A_25 = arith.addi %scan3A_23, %scan3A_24 : i32
      %scan3A_26 = arith.constant 1 : i32
      scf.for %scan3A_34 = %scan3A_23 to %scan3A_25 step %scan3A_26  : i32 {
        %dma_start3A = arith.constant 0 : i32
        %dma_start3A_35 = tpu.memref_slice %arg6[%scan3A_34, %dma_start3A] : memref<64x128xi32, #tpu.memory_space<vmem>> -> memref<1x128xi32, #tpu.memory_space<vmem>>
        %dma_start3A_36 = tpu.memref_squeeze %dma_start3A_35 : memref<1x128xi32, #tpu.memory_space<vmem>> -> memref<128xi32, #tpu.memory_space<vmem>>
        %dma_start3A_37 = arith.constant 0 : i32
        %dma_start3A_38 = arith.constant 0 : i32
        %dma_start3A_39 = tpu.memref_slice %arg8[%dma_start3A_37, %dma_start3A_38] : memref<10112x128xf32, #tpu.memory_space<vmem_shared>> -> memref<10112x128xf32, #tpu.memory_space<vmem_shared>>
        tpu.enqueue_indirect_dma source(%arg7 : memref<128x128xf32, #tpu.memory_space<vmem>>) target(%dma_start3A_39 : memref<10112x128xf32, #tpu.memory_space<vmem_shared>>) offsets(%dma_start3A_36 : memref<128xi32, #tpu.memory_space<vmem>>) semaphore(%arg9 : memref<!tpu.dma_semaphore, #tpu.memory_space<semaphore_mem>>) {add = true}
      }
      %scan3A_27 = arith.constant 32 : i32
      %scan3A_28 = arith.constant 0 : i32
      %scan3A_29 = arith.constant 0 : i32
      %scan3A_30 = arith.constant 32 : i32
      %scan3A_31 = arith.addi %scan3A_29, %scan3A_30 : i32
      %scan3A_32 = arith.constant 1 : i32
      scf.for %scan3A_34 = %scan3A_29 to %scan3A_31 step %scan3A_32  : i32 {
        tpu.wait_dma2 semaphore(%arg9 : memref<!tpu.dma_semaphore, #tpu.memory_space<semaphore_mem>>) src(%arg3 : memref<128x128xf32, #tpu.memory_space<hbm>>) dst(%arg7 : memref<128x128xf32, #tpu.memory_space<vmem>>)
      }
      %scan3A_33 = arith.constant 32 : i32
    } else {
    }
    %barrier3A_8 = arith.constant 0 : index
    tpu.barrier barrier_id(%barrier3A_8)
    %mul3A_9 = arith.constant 624 : i32
    %mul3A_10 = arith.muli %arg1, %mul3A_9 : i32
    %lt3A = arith.constant 15 : i32
    %lt3A_11 = arith.cmpi slt, %arg1, %lt3A : i32
    %convert_element_type3A_12 = arith.extui %lt3A_11 : i1 to i32
    %cond3A_13 = arith.constant 0 : i32
    %cond3A_14 = arith.cmpi ne, %convert_element_type3A_12, %cond3A_13 : i32
    scf.if %cond3A_14 {
      "tpu.region"() ({
        %run_scoped3A = tpu.sem_alloc : memref<!tpu.dma_semaphore, #tpu.memory_space<semaphore_mem>>
        %dma_start3A = arith.constant 0 : i32
        %dma_start3A_20 = tpu.memref_slice %arg5[%arg0, %mul3A_10, %dma_start3A] : memref<2x10000x128xf32, #tpu.memory_space<hbm>> -> memref<1x624x128xf32, #tpu.memory_space<hbm>>
        %dma_start3A_21 = tpu.memref_squeeze %dma_start3A_20 : memref<1x624x128xf32, #tpu.memory_space<hbm>> -> memref<624x128xf32, #tpu.memory_space<hbm>>
        %dma_start3A_22 = arith.constant 0 : i32
        %dma_start3A_23 = tpu.memref_slice %arg8[%mul3A_10, %dma_start3A_22] : memref<10112x128xf32, #tpu.memory_space<vmem_shared>> -> memref<624x128xf32, #tpu.memory_space<vmem_shared>>
        tpu.enqueue_dma source(%dma_start3A_23 : memref<624x128xf32, #tpu.memory_space<vmem_shared>>) target(%dma_start3A_21 : memref<624x128xf32, #tpu.memory_space<hbm>>) target_semaphore(%run_scoped3A : memref<!tpu.dma_semaphore, #tpu.memory_space<semaphore_mem>>)
        %dma_wait3A = arith.constant 0 : i32
        %dma_wait3A_24 = tpu.memref_slice %arg5[%arg0, %mul3A_10, %dma_wait3A] : memref<2x10000x128xf32, #tpu.memory_space<hbm>> -> memref<1x624x128xf32, #tpu.memory_space<hbm>>
        %dma_wait3A_25 = tpu.memref_squeeze %dma_wait3A_24 : memref<1x624x128xf32, #tpu.memory_space<hbm>> -> memref<624x128xf32, #tpu.memory_space<hbm>>
        %dma_wait3A_26 = arith.constant 0 : i32
        %dma_wait3A_27 = tpu.memref_slice %arg8[%mul3A_10, %dma_wait3A_26] : memref<10112x128xf32, #tpu.memory_space<vmem_shared>> -> memref<624x128xf32, #tpu.memory_space<vmem_shared>>
        tpu.wait_dma2 semaphore(%run_scoped3A : memref<!tpu.dma_semaphore, #tpu.memory_space<semaphore_mem>>) src(%dma_wait3A_27 : memref<624x128xf32, #tpu.memory_space<vmem_shared>>) dst(%dma_wait3A_25 : memref<624x128xf32, #tpu.memory_space<hbm>>)
        tpu.yield
      }) : () -> ()
    } else {
    }
    %eq3A_15 = arith.constant 15 : i32
    %eq3A_16 = arith.cmpi eq, %arg1, %eq3A_15 : i32
    %convert_element_type3A_17 = arith.extui %eq3A_16 : i1 to i32
    %cond3A_18 = arith.constant 0 : i32
    %cond3A_19 = arith.cmpi ne, %convert_element_type3A_17, %cond3A_18 : i32
    scf.if %cond3A_19 {
      "tpu.region"() ({
        %run_scoped3A = tpu.sem_alloc : memref<!tpu.dma_semaphore, #tpu.memory_space<semaphore_mem>>
        %dma_start3A = arith.constant 9360 : i32
        %dma_start3A_20 = arith.constant 0 : i32
        %dma_start3A_21 = tpu.memref_slice %arg5[%arg0, %dma_start3A, %dma_start3A_20] : memref<2x10000x128xf32, #tpu.memory_space<hbm>> -> memref<1x640x128xf32, #tpu.memory_space<hbm>>
        %dma_start3A_22 = tpu.memref_squeeze %dma_start3A_21 : memref<1x640x128xf32, #tpu.memory_space<hbm>> -> memref<640x128xf32, #tpu.memory_space<hbm>>
        %dma_start3A_23 = arith.constant 9360 : i32
        %dma_start3A_24 = arith.constant 0 : i32
        %dma_start3A_25 = tpu.memref_slice %arg8[%dma_start3A_23, %dma_start3A_24] : memref<10112x128xf32, #tpu.memory_space<vmem_shared>> -> memref<640x128xf32, #tpu.memory_space<vmem_shared>>
        tpu.enqueue_dma source(%dma_start3A_25 : memref<640x128xf32, #tpu.memory_space<vmem_shared>>) target(%dma_start3A_22 : memref<640x128xf32, #tpu.memory_space<hbm>>) target_semaphore(%run_scoped3A : memref<!tpu.dma_semaphore, #tpu.memory_space<semaphore_mem>>)
        %dma_wait3A = arith.constant 9360 : i32
        %dma_wait3A_26 = arith.constant 0 : i32
        %dma_wait3A_27 = tpu.memref_slice %arg5[%arg0, %dma_wait3A, %dma_wait3A_26] : memref<2x10000x128xf32, #tpu.memory_space<hbm>> -> memref<1x640x128xf32, #tpu.memory_space<hbm>>
        %dma_wait3A_28 = tpu.memref_squeeze %dma_wait3A_27 : memref<1x640x128xf32, #tpu.memory_space<hbm>> -> memref<640x128xf32, #tpu.memory_space<hbm>>
        %dma_wait3A_29 = arith.constant 9360 : i32
        %dma_wait3A_30 = arith.constant 0 : i32
        %dma_wait3A_31 = tpu.memref_slice %arg8[%dma_wait3A_29, %dma_wait3A_30] : memref<10112x128xf32, #tpu.memory_space<vmem_shared>> -> memref<640x128xf32, #tpu.memory_space<vmem_shared>>
        tpu.wait_dma2 semaphore(%run_scoped3A : memref<!tpu.dma_semaphore, #tpu.memory_space<semaphore_mem>>) src(%dma_wait3A_31 : memref<640x128xf32, #tpu.memory_space<vmem_shared>>) dst(%dma_wait3A_28 : memref<640x128xf32, #tpu.memory_space<hbm>>)
        tpu.yield
      }) : () -> ()
    } else {
    }
    return
  }
}

#map = affine_map<(d0, d1) -> (0, 0)>
#map1 = affine_map<(d0, d1) -> (0, 0, 0)>
module attributes {stable_mosaic.version = 14 : i64} {
  func.func @agg(%arg0: i32, %arg1: i32, %arg2: memref<2560x128xi32, #tpu.memory_space<hbm>>, %arg3: memref<2560x128xi32, #tpu.memory_space<hbm>>, %arg4: memref<10000x128xf32, #tpu.memory_space<hbm>>, %arg5: memref<10112x128xf32, #tpu.memory_space<hbm>>, %arg6: memref<2x10000x128xf32, #tpu.memory_space<hbm>>, %arg7: memref<64x128xi32, #tpu.memory_space<vmem>>, %arg8: memref<64x128xi32, #tpu.memory_space<vmem>>, %arg9: memref<128x128xf32, #tpu.memory_space<vmem>>, %arg10: memref<128x128xf32, #tpu.memory_space<vmem>>, %arg11: memref<10112x128xf32, #tpu.memory_space<vmem_shared>>, %arg12: memref<!tpu.dma_semaphore, #tpu.memory_space<semaphore_mem>>, %arg13: memref<!tpu.dma_semaphore, #tpu.memory_space<semaphore_mem>>, %arg14: memref<!tpu.dma_semaphore, #tpu.memory_space<semaphore_mem>>, %arg15: memref<!tpu.dma_semaphore, #tpu.memory_space<semaphore_mem>>) attributes {dimension_semantics = [#tpu.dimension_semantics<core_parallel>, #tpu.dimension_semantics<subcore_parallel>], iteration_bounds = array<i64: 2, 16>, scalar_prefetch = 0 : i64, scratch_operands = 9 : i64, tpu.core_type = #tpu.core_type<sc_vector_subcore>, window_params = [{transform_indices = #map}, {transform_indices = #map}, {transform_indices = #map}, {transform_indices = #map}, {transform_indices = #map1}]} {
    %mul3A = arith.constant 632 : i32
    %mul3A_0 = arith.muli %arg1, %mul3A : i32
    "tpu.region"() ({
      %run_scoped3A = tpu.sem_alloc : memref<!tpu.dma_semaphore, #tpu.memory_space<semaphore_mem>>
      %dma_start3A = arith.constant 0 : i32
      %dma_start3A_20 = tpu.memref_slice %arg11[%mul3A_0, %dma_start3A] : memref<10112x128xf32, #tpu.memory_space<vmem_shared>> -> memref<632x128xf32, #tpu.memory_space<vmem_shared>>
      %dma_start3A_21 = arith.constant 0 : i32
      %dma_start3A_22 = tpu.memref_slice %arg5[%mul3A_0, %dma_start3A_21] : memref<10112x128xf32, #tpu.memory_space<hbm>> -> memref<632x128xf32, #tpu.memory_space<hbm>>
      tpu.enqueue_dma source(%dma_start3A_22 : memref<632x128xf32, #tpu.memory_space<hbm>>) target(%dma_start3A_20 : memref<632x128xf32, #tpu.memory_space<vmem_shared>>) target_semaphore(%run_scoped3A : memref<!tpu.dma_semaphore, #tpu.memory_space<semaphore_mem>>)
      %dma_wait3A = arith.constant 0 : i32
      %dma_wait3A_23 = tpu.memref_slice %arg11[%mul3A_0, %dma_wait3A] : memref<10112x128xf32, #tpu.memory_space<vmem_shared>> -> memref<632x128xf32, #tpu.memory_space<vmem_shared>>
      %dma_wait3A_24 = arith.constant 0 : i32
      %dma_wait3A_25 = tpu.memref_slice %arg5[%mul3A_0, %dma_wait3A_24] : memref<10112x128xf32, #tpu.memory_space<hbm>> -> memref<632x128xf32, #tpu.memory_space<hbm>>
      tpu.wait_dma2 semaphore(%run_scoped3A : memref<!tpu.dma_semaphore, #tpu.memory_space<semaphore_mem>>) src(%dma_wait3A_25 : memref<632x128xf32, #tpu.memory_space<hbm>>) dst(%dma_wait3A_23 : memref<632x128xf32, #tpu.memory_space<vmem_shared>>)
      tpu.yield
    }) : () -> ()
    %barrier3A = arith.constant 0 : index
    tpu.barrier barrier_id(%barrier3A)
    %eq3A = arith.constant 0 : i32
    %eq3A_1 = arith.cmpi eq, %arg0, %eq3A : i32
    %convert_element_type3A = arith.extui %eq3A_1 : i1 to i32
    %cond3A = arith.constant 0 : i32
    %cond3A_2 = arith.cmpi ne, %convert_element_type3A, %cond3A : i32
    scf.if %cond3A_2 {
      %mul3A_20 = arith.constant 128 : i32
      %mul3A_21 = arith.muli %arg1, %mul3A_20 : i32
      %add3A = arith.constant 0 : i32
      %add3A_22 = arith.addi %mul3A_21, %add3A : i32
      "tpu.region"() ({
        %run_scoped3A = tpu.sem_alloc : memref<!tpu.dma_semaphore, #tpu.memory_space<semaphore_mem>>
        %dma_start3A_65 = arith.constant 0 : i32
        %dma_start3A_66 = arith.constant 0 : i32
        %dma_start3A_67 = tpu.memref_slice %arg7[%dma_start3A_65, %dma_start3A_66] : memref<64x128xi32, #tpu.memory_space<vmem>> -> memref<64x128xi32, #tpu.memory_space<vmem>>
        %dma_start3A_68 = arith.constant 0 : i32
        %dma_start3A_69 = tpu.memref_slice %arg2[%add3A_22, %dma_start3A_68] : memref<2560x128xi32, #tpu.memory_space<hbm>> -> memref<64x128xi32, #tpu.memory_space<hbm>>
        %dma_start3A_70 = arith.constant 0 : i32
        %dma_start3A_71 = arith.constant 0 : i32
        %dma_start3A_72 = tpu.memref_slice %arg7[%dma_start3A_70, %dma_start3A_71] : memref<64x128xi32, #tpu.memory_space<vmem>> -> memref<64x128xi32, #tpu.memory_space<vmem>>
        %dma_start3A_73 = arith.constant 0 : i32
        %dma_start3A_74 = tpu.memref_slice %arg2[%add3A_22, %dma_start3A_73] : memref<2560x128xi32, #tpu.memory_space<hbm>> -> memref<64x128xi32, #tpu.memory_space<hbm>>
        tpu.enqueue_dma source(%dma_start3A_74 : memref<64x128xi32, #tpu.memory_space<hbm>>) target(%dma_start3A_72 : memref<64x128xi32, #tpu.memory_space<vmem>>) target_semaphore(%run_scoped3A : memref<!tpu.dma_semaphore, #tpu.memory_space<semaphore_mem>>)
        %dma_wait3A = arith.constant 0 : i32
        %dma_wait3A_75 = arith.constant 0 : i32
        %dma_wait3A_76 = tpu.memref_slice %arg7[%dma_wait3A, %dma_wait3A_75] : memref<64x128xi32, #tpu.memory_space<vmem>> -> memref<64x128xi32, #tpu.memory_space<vmem>>
        %dma_wait3A_77 = arith.constant 0 : i32
        %dma_wait3A_78 = tpu.memref_slice %arg2[%add3A_22, %dma_wait3A_77] : memref<2560x128xi32, #tpu.memory_space<hbm>> -> memref<64x128xi32, #tpu.memory_space<hbm>>
        %dma_wait3A_79 = arith.constant 0 : i32
        %dma_wait3A_80 = arith.constant 0 : i32
        %dma_wait3A_81 = tpu.memref_slice %arg7[%dma_wait3A_79, %dma_wait3A_80] : memref<64x128xi32, #tpu.memory_space<vmem>> -> memref<64x128xi32, #tpu.memory_space<vmem>>
        %dma_wait3A_82 = arith.constant 0 : i32
        %dma_wait3A_83 = tpu.memref_slice %arg2[%add3A_22, %dma_wait3A_82] : memref<2560x128xi32, #tpu.memory_space<hbm>> -> memref<64x128xi32, #tpu.memory_space<hbm>>
        tpu.wait_dma2 semaphore(%run_scoped3A : memref<!tpu.dma_semaphore, #tpu.memory_space<semaphore_mem>>) src(%dma_wait3A_83 : memref<64x128xi32, #tpu.memory_space<hbm>>) dst(%dma_wait3A_81 : memref<64x128xi32, #tpu.memory_space<vmem>>)
        tpu.yield
      }) : () -> ()
      "tpu.region"() ({
        %run_scoped3A = tpu.sem_alloc : memref<!tpu.dma_semaphore, #tpu.memory_space<semaphore_mem>>
        %dma_start3A_65 = arith.constant 0 : i32
        %dma_start3A_66 = arith.constant 0 : i32
        %dma_start3A_67 = tpu.memref_slice %arg8[%dma_start3A_65, %dma_start3A_66] : memref<64x128xi32, #tpu.memory_space<vmem>> -> memref<64x128xi32, #tpu.memory_space<vmem>>
        %dma_start3A_68 = arith.constant 0 : i32
        %dma_start3A_69 = tpu.memref_slice %arg3[%add3A_22, %dma_start3A_68] : memref<2560x128xi32, #tpu.memory_space<hbm>> -> memref<64x128xi32, #tpu.memory_space<hbm>>
        %dma_start3A_70 = arith.constant 0 : i32
        %dma_start3A_71 = arith.constant 0 : i32
        %dma_start3A_72 = tpu.memref_slice %arg8[%dma_start3A_70, %dma_start3A_71] : memref<64x128xi32, #tpu.memory_space<vmem>> -> memref<64x128xi32, #tpu.memory_space<vmem>>
        %dma_start3A_73 = arith.constant 0 : i32
        %dma_start3A_74 = tpu.memref_slice %arg3[%add3A_22, %dma_start3A_73] : memref<2560x128xi32, #tpu.memory_space<hbm>> -> memref<64x128xi32, #tpu.memory_space<hbm>>
        tpu.enqueue_dma source(%dma_start3A_74 : memref<64x128xi32, #tpu.memory_space<hbm>>) target(%dma_start3A_72 : memref<64x128xi32, #tpu.memory_space<vmem>>) target_semaphore(%run_scoped3A : memref<!tpu.dma_semaphore, #tpu.memory_space<semaphore_mem>>)
        %dma_wait3A = arith.constant 0 : i32
        %dma_wait3A_75 = arith.constant 0 : i32
        %dma_wait3A_76 = tpu.memref_slice %arg8[%dma_wait3A, %dma_wait3A_75] : memref<64x128xi32, #tpu.memory_space<vmem>> -> memref<64x128xi32, #tpu.memory_space<vmem>>
        %dma_wait3A_77 = arith.constant 0 : i32
        %dma_wait3A_78 = tpu.memref_slice %arg3[%add3A_22, %dma_wait3A_77] : memref<2560x128xi32, #tpu.memory_space<hbm>> -> memref<64x128xi32, #tpu.memory_space<hbm>>
        %dma_wait3A_79 = arith.constant 0 : i32
        %dma_wait3A_80 = arith.constant 0 : i32
        %dma_wait3A_81 = tpu.memref_slice %arg8[%dma_wait3A_79, %dma_wait3A_80] : memref<64x128xi32, #tpu.memory_space<vmem>> -> memref<64x128xi32, #tpu.memory_space<vmem>>
        %dma_wait3A_82 = arith.constant 0 : i32
        %dma_wait3A_83 = tpu.memref_slice %arg3[%add3A_22, %dma_wait3A_82] : memref<2560x128xi32, #tpu.memory_space<hbm>> -> memref<64x128xi32, #tpu.memory_space<hbm>>
        tpu.wait_dma2 semaphore(%run_scoped3A : memref<!tpu.dma_semaphore, #tpu.memory_space<semaphore_mem>>) src(%dma_wait3A_83 : memref<64x128xi32, #tpu.memory_space<hbm>>) dst(%dma_wait3A_81 : memref<64x128xi32, #tpu.memory_space<vmem>>)
        tpu.yield
      }) : () -> ()
      %dma_start3A = arith.constant 0 : i32
      %dma_start3A_23 = arith.constant 0 : i32
      %dma_start3A_24 = tpu.memref_slice %arg7[%dma_start3A, %dma_start3A_23] : memref<64x128xi32, #tpu.memory_space<vmem>> -> memref<1x128xi32, #tpu.memory_space<vmem>>
      %dma_start3A_25 = tpu.memref_squeeze %dma_start3A_24 : memref<1x128xi32, #tpu.memory_space<vmem>> -> memref<128xi32, #tpu.memory_space<vmem>>
      %dma_start3A_26 = arith.constant 0 : i32
      %dma_start3A_27 = arith.constant 0 : i32
      %dma_start3A_28 = tpu.memref_slice %arg4[%dma_start3A_26, %dma_start3A_27] : memref<10000x128xf32, #tpu.memory_space<hbm>> -> memref<10000x128xf32, #tpu.memory_space<hbm>>
      tpu.enqueue_indirect_dma source(%dma_start3A_28 : memref<10000x128xf32, #tpu.memory_space<hbm>>) target(%arg9 : memref<128x128xf32, #tpu.memory_space<vmem>>) offsets(%dma_start3A_25 : memref<128xi32, #tpu.memory_space<vmem>>) semaphore(%arg12 : memref<!tpu.dma_semaphore, #tpu.memory_space<semaphore_mem>>)
      %dma_start3A_29 = arith.constant 1 : i32
      %dma_start3A_30 = arith.constant 0 : i32
      %dma_start3A_31 = tpu.memref_slice %arg7[%dma_start3A_29, %dma_start3A_30] : memref<64x128xi32, #tpu.memory_space<vmem>> -> memref<1x128xi32, #tpu.memory_space<vmem>>
      %dma_start3A_32 = tpu.memref_squeeze %dma_start3A_31 : memref<1x128xi32, #tpu.memory_space<vmem>> -> memref<128xi32, #tpu.memory_space<vmem>>
      %dma_start3A_33 = arith.constant 0 : i32
      %dma_start3A_34 = arith.constant 0 : i32
      %dma_start3A_35 = tpu.memref_slice %arg4[%dma_start3A_33, %dma_start3A_34] : memref<10000x128xf32, #tpu.memory_space<hbm>> -> memref<10000x128xf32, #tpu.memory_space<hbm>>
      tpu.enqueue_indirect_dma source(%dma_start3A_35 : memref<10000x128xf32, #tpu.memory_space<hbm>>) target(%arg10 : memref<128x128xf32, #tpu.memory_space<vmem>>) offsets(%dma_start3A_32 : memref<128xi32, #tpu.memory_space<vmem>>) semaphore(%arg13 : memref<!tpu.dma_semaphore, #tpu.memory_space<semaphore_mem>>)
      %scan3A = arith.constant 0 : i32
      %scan3A_36 = arith.constant 0 : i32
      %scan3A_37 = arith.constant 32 : i32
      %scan3A_38 = arith.addi %scan3A_36, %scan3A_37 : i32
      %scan3A_39 = arith.constant 1 : i32
      scf.for %scan3A_65 = %scan3A_36 to %scan3A_38 step %scan3A_39  : i32 {
        %mul3A_66 = arith.constant 2 : i32
        %mul3A_67 = arith.muli %mul3A_66, %scan3A_65 : i32
        %add3A_68 = arith.constant 1 : i32
        %add3A_69 = arith.addi %mul3A_67, %add3A_68 : i32
        %dma_wait3A = arith.constant 0 : i32
        %dma_wait3A_70 = tpu.memref_slice %arg7[%mul3A_67, %dma_wait3A] : memref<64x128xi32, #tpu.memory_space<vmem>> -> memref<1x128xi32, #tpu.memory_space<vmem>>
        %dma_wait3A_71 = tpu.memref_squeeze %dma_wait3A_70 : memref<1x128xi32, #tpu.memory_space<vmem>> -> memref<128xi32, #tpu.memory_space<vmem>>
        %dma_wait3A_72 = arith.constant 0 : i32
        %dma_wait3A_73 = arith.constant 0 : i32
        %dma_wait3A_74 = tpu.memref_slice %arg4[%dma_wait3A_72, %dma_wait3A_73] : memref<10000x128xf32, #tpu.memory_space<hbm>> -> memref<10000x128xf32, #tpu.memory_space<hbm>>
        tpu.wait_indirect_dma semaphore(%arg12 : memref<!tpu.dma_semaphore, #tpu.memory_space<semaphore_mem>>) src(%dma_wait3A_74 : memref<10000x128xf32, #tpu.memory_space<hbm>>) dst(%arg9 : memref<128x128xf32, #tpu.memory_space<vmem>>)
        %dma_start3A_75 = arith.constant 0 : i32
        %dma_start3A_76 = tpu.memref_slice %arg8[%mul3A_67, %dma_start3A_75] : memref<64x128xi32, #tpu.memory_space<vmem>> -> memref<1x128xi32, #tpu.memory_space<vmem>>
        %dma_start3A_77 = tpu.memref_squeeze %dma_start3A_76 : memref<1x128xi32, #tpu.memory_space<vmem>> -> memref<128xi32, #tpu.memory_space<vmem>>
        %dma_start3A_78 = arith.constant 0 : i32
        %dma_start3A_79 = arith.constant 0 : i32
        %dma_start3A_80 = tpu.memref_slice %arg11[%dma_start3A_78, %dma_start3A_79] : memref<10112x128xf32, #tpu.memory_space<vmem_shared>> -> memref<10112x128xf32, #tpu.memory_space<vmem_shared>>
        tpu.enqueue_indirect_dma source(%arg9 : memref<128x128xf32, #tpu.memory_space<vmem>>) target(%dma_start3A_80 : memref<10112x128xf32, #tpu.memory_space<vmem_shared>>) offsets(%dma_start3A_77 : memref<128xi32, #tpu.memory_space<vmem>>) semaphore(%arg14 : memref<!tpu.dma_semaphore, #tpu.memory_space<semaphore_mem>>) {add = true}
        %dma_wait3A_81 = arith.constant 0 : i32
        %dma_wait3A_82 = tpu.memref_slice %arg7[%add3A_69, %dma_wait3A_81] : memref<64x128xi32, #tpu.memory_space<vmem>> -> memref<1x128xi32, #tpu.memory_space<vmem>>
        %dma_wait3A_83 = tpu.memref_squeeze %dma_wait3A_82 : memref<1x128xi32, #tpu.memory_space<vmem>> -> memref<128xi32, #tpu.memory_space<vmem>>
        %dma_wait3A_84 = arith.constant 0 : i32
        %dma_wait3A_85 = arith.constant 0 : i32
        %dma_wait3A_86 = tpu.memref_slice %arg4[%dma_wait3A_84, %dma_wait3A_85] : memref<10000x128xf32, #tpu.memory_space<hbm>> -> memref<10000x128xf32, #tpu.memory_space<hbm>>
        tpu.wait_indirect_dma semaphore(%arg13 : memref<!tpu.dma_semaphore, #tpu.memory_space<semaphore_mem>>) src(%dma_wait3A_86 : memref<10000x128xf32, #tpu.memory_space<hbm>>) dst(%arg10 : memref<128x128xf32, #tpu.memory_space<vmem>>)
        %dma_start3A_87 = arith.constant 0 : i32
        %dma_start3A_88 = tpu.memref_slice %arg8[%add3A_69, %dma_start3A_87] : memref<64x128xi32, #tpu.memory_space<vmem>> -> memref<1x128xi32, #tpu.memory_space<vmem>>
        %dma_start3A_89 = tpu.memref_squeeze %dma_start3A_88 : memref<1x128xi32, #tpu.memory_space<vmem>> -> memref<128xi32, #tpu.memory_space<vmem>>
        %dma_start3A_90 = arith.constant 0 : i32
        %dma_start3A_91 = arith.constant 0 : i32
        %dma_start3A_92 = tpu.memref_slice %arg11[%dma_start3A_90, %dma_start3A_91] : memref<10112x128xf32, #tpu.memory_space<vmem_shared>> -> memref<10112x128xf32, #tpu.memory_space<vmem_shared>>
        tpu.enqueue_indirect_dma source(%arg10 : memref<128x128xf32, #tpu.memory_space<vmem>>) target(%dma_start3A_92 : memref<10112x128xf32, #tpu.memory_space<vmem_shared>>) offsets(%dma_start3A_89 : memref<128xi32, #tpu.memory_space<vmem>>) semaphore(%arg15 : memref<!tpu.dma_semaphore, #tpu.memory_space<semaphore_mem>>) {add = true}
        %dma_wait3A_93 = arith.constant 0 : i32
        %dma_wait3A_94 = tpu.memref_slice %arg8[%mul3A_67, %dma_wait3A_93] : memref<64x128xi32, #tpu.memory_space<vmem>> -> memref<1x128xi32, #tpu.memory_space<vmem>>
        %dma_wait3A_95 = tpu.memref_squeeze %dma_wait3A_94 : memref<1x128xi32, #tpu.memory_space<vmem>> -> memref<128xi32, #tpu.memory_space<vmem>>
        %dma_wait3A_96 = arith.constant 0 : i32
        %dma_wait3A_97 = arith.constant 0 : i32
        %dma_wait3A_98 = tpu.memref_slice %arg11[%dma_wait3A_96, %dma_wait3A_97] : memref<10112x128xf32, #tpu.memory_space<vmem_shared>> -> memref<10112x128xf32, #tpu.memory_space<vmem_shared>>
        tpu.wait_indirect_dma semaphore(%arg14 : memref<!tpu.dma_semaphore, #tpu.memory_space<semaphore_mem>>) src(%arg9 : memref<128x128xf32, #tpu.memory_space<vmem>>) dst(%dma_wait3A_98 : memref<10112x128xf32, #tpu.memory_space<vmem_shared>>)
        %lt3A_99 = arith.constant 31 : i32
        %lt3A_100 = arith.cmpi slt, %scan3A_65, %lt3A_99 : i32
        %convert_element_type3A_101 = arith.extui %lt3A_100 : i1 to i32
        %cond3A_102 = arith.constant 0 : i32
        %cond3A_103 = arith.cmpi ne, %convert_element_type3A_101, %cond3A_102 : i32
        scf.if %cond3A_103 {
          %add3A_115 = arith.constant 2 : i32
          %add3A_116 = arith.addi %mul3A_67, %add3A_115 : i32
          %dma_start3A_117 = arith.constant 0 : i32
          %dma_start3A_118 = tpu.memref_slice %arg7[%add3A_116, %dma_start3A_117] : memref<64x128xi32, #tpu.memory_space<vmem>> -> memref<1x128xi32, #tpu.memory_space<vmem>>
          %dma_start3A_119 = tpu.memref_squeeze %dma_start3A_118 : memref<1x128xi32, #tpu.memory_space<vmem>> -> memref<128xi32, #tpu.memory_space<vmem>>
          %dma_start3A_120 = arith.constant 0 : i32
          %dma_start3A_121 = arith.constant 0 : i32
          %dma_start3A_122 = tpu.memref_slice %arg4[%dma_start3A_120, %dma_start3A_121] : memref<10000x128xf32, #tpu.memory_space<hbm>> -> memref<10000x128xf32, #tpu.memory_space<hbm>>
          tpu.enqueue_indirect_dma source(%dma_start3A_122 : memref<10000x128xf32, #tpu.memory_space<hbm>>) target(%arg9 : memref<128x128xf32, #tpu.memory_space<vmem>>) offsets(%dma_start3A_119 : memref<128xi32, #tpu.memory_space<vmem>>) semaphore(%arg12 : memref<!tpu.dma_semaphore, #tpu.memory_space<semaphore_mem>>)
        } else {
        }
        %dma_wait3A_104 = arith.constant 0 : i32
        %dma_wait3A_105 = tpu.memref_slice %arg8[%add3A_69, %dma_wait3A_104] : memref<64x128xi32, #tpu.memory_space<vmem>> -> memref<1x128xi32, #tpu.memory_space<vmem>>
        %dma_wait3A_106 = tpu.memref_squeeze %dma_wait3A_105 : memref<1x128xi32, #tpu.memory_space<vmem>> -> memref<128xi32, #tpu.memory_space<vmem>>
        %dma_wait3A_107 = arith.constant 0 : i32
        %dma_wait3A_108 = arith.constant 0 : i32
        %dma_wait3A_109 = tpu.memref_slice %arg11[%dma_wait3A_107, %dma_wait3A_108] : memref<10112x128xf32, #tpu.memory_space<vmem_shared>> -> memref<10112x128xf32, #tpu.memory_space<vmem_shared>>
        tpu.wait_indirect_dma semaphore(%arg15 : memref<!tpu.dma_semaphore, #tpu.memory_space<semaphore_mem>>) src(%arg10 : memref<128x128xf32, #tpu.memory_space<vmem>>) dst(%dma_wait3A_109 : memref<10112x128xf32, #tpu.memory_space<vmem_shared>>)
        %lt3A_110 = arith.constant 31 : i32
        %lt3A_111 = arith.cmpi slt, %scan3A_65, %lt3A_110 : i32
        %convert_element_type3A_112 = arith.extui %lt3A_111 : i1 to i32
        %cond3A_113 = arith.constant 0 : i32
        %cond3A_114 = arith.cmpi ne, %convert_element_type3A_112, %cond3A_113 : i32
        scf.if %cond3A_114 {
          %add3A_115 = arith.constant 2 : i32
          %add3A_116 = arith.addi %add3A_69, %add3A_115 : i32
          %dma_start3A_117 = arith.constant 0 : i32
          %dma_start3A_118 = tpu.memref_slice %arg7[%add3A_116, %dma_start3A_117] : memref<64x128xi32, #tpu.memory_space<vmem>> -> memref<1x128xi32, #tpu.memory_space<vmem>>
          %dma_start3A_119 = tpu.memref_squeeze %dma_start3A_118 : memref<1x128xi32, #tpu.memory_space<vmem>> -> memref<128xi32, #tpu.memory_space<vmem>>
          %dma_start3A_120 = arith.constant 0 : i32
          %dma_start3A_121 = arith.constant 0 : i32
          %dma_start3A_122 = tpu.memref_slice %arg4[%dma_start3A_120, %dma_start3A_121] : memref<10000x128xf32, #tpu.memory_space<hbm>> -> memref<10000x128xf32, #tpu.memory_space<hbm>>
          tpu.enqueue_indirect_dma source(%dma_start3A_122 : memref<10000x128xf32, #tpu.memory_space<hbm>>) target(%arg10 : memref<128x128xf32, #tpu.memory_space<vmem>>) offsets(%dma_start3A_119 : memref<128xi32, #tpu.memory_space<vmem>>) semaphore(%arg13 : memref<!tpu.dma_semaphore, #tpu.memory_space<semaphore_mem>>)
        } else {
        }
      }
      %scan3A_40 = arith.constant 32 : i32
      %mul3A_41 = arith.constant 128 : i32
      %mul3A_42 = arith.muli %arg1, %mul3A_41 : i32
      %add3A_43 = arith.constant 64 : i32
      %add3A_44 = arith.addi %mul3A_42, %add3A_43 : i32
      "tpu.region"() ({
        %run_scoped3A = tpu.sem_alloc : memref<!tpu.dma_semaphore, #tpu.memory_space<semaphore_mem>>
        %dma_start3A_65 = arith.constant 0 : i32
        %dma_start3A_66 = arith.constant 0 : i32
        %dma_start3A_67 = tpu.memref_slice %arg7[%dma_start3A_65, %dma_start3A_66] : memref<64x128xi32, #tpu.memory_space<vmem>> -> memref<64x128xi32, #tpu.memory_space<vmem>>
        %dma_start3A_68 = arith.constant 0 : i32
        %dma_start3A_69 = tpu.memref_slice %arg2[%add3A_44, %dma_start3A_68] : memref<2560x128xi32, #tpu.memory_space<hbm>> -> memref<64x128xi32, #tpu.memory_space<hbm>>
        %dma_start3A_70 = arith.constant 0 : i32
        %dma_start3A_71 = arith.constant 0 : i32
        %dma_start3A_72 = tpu.memref_slice %arg7[%dma_start3A_70, %dma_start3A_71] : memref<64x128xi32, #tpu.memory_space<vmem>> -> memref<64x128xi32, #tpu.memory_space<vmem>>
        %dma_start3A_73 = arith.constant 0 : i32
        %dma_start3A_74 = tpu.memref_slice %arg2[%add3A_44, %dma_start3A_73] : memref<2560x128xi32, #tpu.memory_space<hbm>> -> memref<64x128xi32, #tpu.memory_space<hbm>>
        tpu.enqueue_dma source(%dma_start3A_74 : memref<64x128xi32, #tpu.memory_space<hbm>>) target(%dma_start3A_72 : memref<64x128xi32, #tpu.memory_space<vmem>>) target_semaphore(%run_scoped3A : memref<!tpu.dma_semaphore, #tpu.memory_space<semaphore_mem>>)
        %dma_wait3A = arith.constant 0 : i32
        %dma_wait3A_75 = arith.constant 0 : i32
        %dma_wait3A_76 = tpu.memref_slice %arg7[%dma_wait3A, %dma_wait3A_75] : memref<64x128xi32, #tpu.memory_space<vmem>> -> memref<64x128xi32, #tpu.memory_space<vmem>>
        %dma_wait3A_77 = arith.constant 0 : i32
        %dma_wait3A_78 = tpu.memref_slice %arg2[%add3A_44, %dma_wait3A_77] : memref<2560x128xi32, #tpu.memory_space<hbm>> -> memref<64x128xi32, #tpu.memory_space<hbm>>
        %dma_wait3A_79 = arith.constant 0 : i32
        %dma_wait3A_80 = arith.constant 0 : i32
        %dma_wait3A_81 = tpu.memref_slice %arg7[%dma_wait3A_79, %dma_wait3A_80] : memref<64x128xi32, #tpu.memory_space<vmem>> -> memref<64x128xi32, #tpu.memory_space<vmem>>
        %dma_wait3A_82 = arith.constant 0 : i32
        %dma_wait3A_83 = tpu.memref_slice %arg2[%add3A_44, %dma_wait3A_82] : memref<2560x128xi32, #tpu.memory_space<hbm>> -> memref<64x128xi32, #tpu.memory_space<hbm>>
        tpu.wait_dma2 semaphore(%run_scoped3A : memref<!tpu.dma_semaphore, #tpu.memory_space<semaphore_mem>>) src(%dma_wait3A_83 : memref<64x128xi32, #tpu.memory_space<hbm>>) dst(%dma_wait3A_81 : memref<64x128xi32, #tpu.memory_space<vmem>>)
        tpu.yield
      }) : () -> ()
      "tpu.region"() ({
        %run_scoped3A = tpu.sem_alloc : memref<!tpu.dma_semaphore, #tpu.memory_space<semaphore_mem>>
        %dma_start3A_65 = arith.constant 0 : i32
        %dma_start3A_66 = arith.constant 0 : i32
        %dma_start3A_67 = tpu.memref_slice %arg8[%dma_start3A_65, %dma_start3A_66] : memref<64x128xi32, #tpu.memory_space<vmem>> -> memref<64x128xi32, #tpu.memory_space<vmem>>
        %dma_start3A_68 = arith.constant 0 : i32
        %dma_start3A_69 = tpu.memref_slice %arg3[%add3A_44, %dma_start3A_68] : memref<2560x128xi32, #tpu.memory_space<hbm>> -> memref<64x128xi32, #tpu.memory_space<hbm>>
        %dma_start3A_70 = arith.constant 0 : i32
        %dma_start3A_71 = arith.constant 0 : i32
        %dma_start3A_72 = tpu.memref_slice %arg8[%dma_start3A_70, %dma_start3A_71] : memref<64x128xi32, #tpu.memory_space<vmem>> -> memref<64x128xi32, #tpu.memory_space<vmem>>
        %dma_start3A_73 = arith.constant 0 : i32
        %dma_start3A_74 = tpu.memref_slice %arg3[%add3A_44, %dma_start3A_73] : memref<2560x128xi32, #tpu.memory_space<hbm>> -> memref<64x128xi32, #tpu.memory_space<hbm>>
        tpu.enqueue_dma source(%dma_start3A_74 : memref<64x128xi32, #tpu.memory_space<hbm>>) target(%dma_start3A_72 : memref<64x128xi32, #tpu.memory_space<vmem>>) target_semaphore(%run_scoped3A : memref<!tpu.dma_semaphore, #tpu.memory_space<semaphore_mem>>)
        %dma_wait3A = arith.constant 0 : i32
        %dma_wait3A_75 = arith.constant 0 : i32
        %dma_wait3A_76 = tpu.memref_slice %arg8[%dma_wait3A, %dma_wait3A_75] : memref<64x128xi32, #tpu.memory_space<vmem>> -> memref<64x128xi32, #tpu.memory_space<vmem>>
        %dma_wait3A_77 = arith.constant 0 : i32
        %dma_wait3A_78 = tpu.memref_slice %arg3[%add3A_44, %dma_wait3A_77] : memref<2560x128xi32, #tpu.memory_space<hbm>> -> memref<64x128xi32, #tpu.memory_space<hbm>>
        %dma_wait3A_79 = arith.constant 0 : i32
        %dma_wait3A_80 = arith.constant 0 : i32
        %dma_wait3A_81 = tpu.memref_slice %arg8[%dma_wait3A_79, %dma_wait3A_80] : memref<64x128xi32, #tpu.memory_space<vmem>> -> memref<64x128xi32, #tpu.memory_space<vmem>>
        %dma_wait3A_82 = arith.constant 0 : i32
        %dma_wait3A_83 = tpu.memref_slice %arg3[%add3A_44, %dma_wait3A_82] : memref<2560x128xi32, #tpu.memory_space<hbm>> -> memref<64x128xi32, #tpu.memory_space<hbm>>
        tpu.wait_dma2 semaphore(%run_scoped3A : memref<!tpu.dma_semaphore, #tpu.memory_space<semaphore_mem>>) src(%dma_wait3A_83 : memref<64x128xi32, #tpu.memory_space<hbm>>) dst(%dma_wait3A_81 : memref<64x128xi32, #tpu.memory_space<vmem>>)
        tpu.yield
      }) : () -> ()
      %dma_start3A_45 = arith.constant 0 : i32
      %dma_start3A_46 = arith.constant 0 : i32
      %dma_start3A_47 = tpu.memref_slice %arg7[%dma_start3A_45, %dma_start3A_46] : memref<64x128xi32, #tpu.memory_space<vmem>> -> memref<1x128xi32, #tpu.memory_space<vmem>>
      %dma_start3A_48 = tpu.memref_squeeze %dma_start3A_47 : memref<1x128xi32, #tpu.memory_space<vmem>> -> memref<128xi32, #tpu.memory_space<vmem>>
      %dma_start3A_49 = arith.constant 0 : i32
      %dma_start3A_50 = arith.constant 0 : i32
      %dma_start3A_51 = tpu.memref_slice %arg4[%dma_start3A_49, %dma_start3A_50] : memref<10000x128xf32, #tpu.memory_space<hbm>> -> memref<10000x128xf32, #tpu.memory_space<hbm>>
      tpu.enqueue_indirect_dma source(%dma_start3A_51 : memref<10000x128xf32, #tpu.memory_space<hbm>>) target(%arg9 : memref<128x128xf32, #tpu.memory_space<vmem>>) offsets(%dma_start3A_48 : memref<128xi32, #tpu.memory_space<vmem>>) semaphore(%arg12 : memref<!tpu.dma_semaphore, #tpu.memory_space<semaphore_mem>>)
      %dma_start3A_52 = arith.constant 1 : i32
      %dma_start3A_53 = arith.constant 0 : i32
      %dma_start3A_54 = tpu.memref_slice %arg7[%dma_start3A_52, %dma_start3A_53] : memref<64x128xi32, #tpu.memory_space<vmem>> -> memref<1x128xi32, #tpu.memory_space<vmem>>
      %dma_start3A_55 = tpu.memref_squeeze %dma_start3A_54 : memref<1x128xi32, #tpu.memory_space<vmem>> -> memref<128xi32, #tpu.memory_space<vmem>>
      %dma_start3A_56 = arith.constant 0 : i32
      %dma_start3A_57 = arith.constant 0 : i32
      %dma_start3A_58 = tpu.memref_slice %arg4[%dma_start3A_56, %dma_start3A_57] : memref<10000x128xf32, #tpu.memory_space<hbm>> -> memref<10000x128xf32, #tpu.memory_space<hbm>>
      tpu.enqueue_indirect_dma source(%dma_start3A_58 : memref<10000x128xf32, #tpu.memory_space<hbm>>) target(%arg10 : memref<128x128xf32, #tpu.memory_space<vmem>>) offsets(%dma_start3A_55 : memref<128xi32, #tpu.memory_space<vmem>>) semaphore(%arg13 : memref<!tpu.dma_semaphore, #tpu.memory_space<semaphore_mem>>)
      %scan3A_59 = arith.constant 0 : i32
      %scan3A_60 = arith.constant 0 : i32
      %scan3A_61 = arith.constant 32 : i32
      %scan3A_62 = arith.addi %scan3A_60, %scan3A_61 : i32
      %scan3A_63 = arith.constant 1 : i32
      scf.for %scan3A_65 = %scan3A_60 to %scan3A_62 step %scan3A_63  : i32 {
        %mul3A_66 = arith.constant 2 : i32
        %mul3A_67 = arith.muli %mul3A_66, %scan3A_65 : i32
        %add3A_68 = arith.constant 1 : i32
        %add3A_69 = arith.addi %mul3A_67, %add3A_68 : i32
        %dma_wait3A = arith.constant 0 : i32
        %dma_wait3A_70 = tpu.memref_slice %arg7[%mul3A_67, %dma_wait3A] : memref<64x128xi32, #tpu.memory_space<vmem>> -> memref<1x128xi32, #tpu.memory_space<vmem>>
        %dma_wait3A_71 = tpu.memref_squeeze %dma_wait3A_70 : memref<1x128xi32, #tpu.memory_space<vmem>> -> memref<128xi32, #tpu.memory_space<vmem>>
        %dma_wait3A_72 = arith.constant 0 : i32
        %dma_wait3A_73 = arith.constant 0 : i32
        %dma_wait3A_74 = tpu.memref_slice %arg4[%dma_wait3A_72, %dma_wait3A_73] : memref<10000x128xf32, #tpu.memory_space<hbm>> -> memref<10000x128xf32, #tpu.memory_space<hbm>>
        tpu.wait_indirect_dma semaphore(%arg12 : memref<!tpu.dma_semaphore, #tpu.memory_space<semaphore_mem>>) src(%dma_wait3A_74 : memref<10000x128xf32, #tpu.memory_space<hbm>>) dst(%arg9 : memref<128x128xf32, #tpu.memory_space<vmem>>)
        %dma_start3A_75 = arith.constant 0 : i32
        %dma_start3A_76 = tpu.memref_slice %arg8[%mul3A_67, %dma_start3A_75] : memref<64x128xi32, #tpu.memory_space<vmem>> -> memref<1x128xi32, #tpu.memory_space<vmem>>
        %dma_start3A_77 = tpu.memref_squeeze %dma_start3A_76 : memref<1x128xi32, #tpu.memory_space<vmem>> -> memref<128xi32, #tpu.memory_space<vmem>>
        %dma_start3A_78 = arith.constant 0 : i32
        %dma_start3A_79 = arith.constant 0 : i32
        %dma_start3A_80 = tpu.memref_slice %arg11[%dma_start3A_78, %dma_start3A_79] : memref<10112x128xf32, #tpu.memory_space<vmem_shared>> -> memref<10112x128xf32, #tpu.memory_space<vmem_shared>>
        tpu.enqueue_indirect_dma source(%arg9 : memref<128x128xf32, #tpu.memory_space<vmem>>) target(%dma_start3A_80 : memref<10112x128xf32, #tpu.memory_space<vmem_shared>>) offsets(%dma_start3A_77 : memref<128xi32, #tpu.memory_space<vmem>>) semaphore(%arg14 : memref<!tpu.dma_semaphore, #tpu.memory_space<semaphore_mem>>) {add = true}
        %dma_wait3A_81 = arith.constant 0 : i32
        %dma_wait3A_82 = tpu.memref_slice %arg7[%add3A_69, %dma_wait3A_81] : memref<64x128xi32, #tpu.memory_space<vmem>> -> memref<1x128xi32, #tpu.memory_space<vmem>>
        %dma_wait3A_83 = tpu.memref_squeeze %dma_wait3A_82 : memref<1x128xi32, #tpu.memory_space<vmem>> -> memref<128xi32, #tpu.memory_space<vmem>>
        %dma_wait3A_84 = arith.constant 0 : i32
        %dma_wait3A_85 = arith.constant 0 : i32
        %dma_wait3A_86 = tpu.memref_slice %arg4[%dma_wait3A_84, %dma_wait3A_85] : memref<10000x128xf32, #tpu.memory_space<hbm>> -> memref<10000x128xf32, #tpu.memory_space<hbm>>
        tpu.wait_indirect_dma semaphore(%arg13 : memref<!tpu.dma_semaphore, #tpu.memory_space<semaphore_mem>>) src(%dma_wait3A_86 : memref<10000x128xf32, #tpu.memory_space<hbm>>) dst(%arg10 : memref<128x128xf32, #tpu.memory_space<vmem>>)
        %dma_start3A_87 = arith.constant 0 : i32
        %dma_start3A_88 = tpu.memref_slice %arg8[%add3A_69, %dma_start3A_87] : memref<64x128xi32, #tpu.memory_space<vmem>> -> memref<1x128xi32, #tpu.memory_space<vmem>>
        %dma_start3A_89 = tpu.memref_squeeze %dma_start3A_88 : memref<1x128xi32, #tpu.memory_space<vmem>> -> memref<128xi32, #tpu.memory_space<vmem>>
        %dma_start3A_90 = arith.constant 0 : i32
        %dma_start3A_91 = arith.constant 0 : i32
        %dma_start3A_92 = tpu.memref_slice %arg11[%dma_start3A_90, %dma_start3A_91] : memref<10112x128xf32, #tpu.memory_space<vmem_shared>> -> memref<10112x128xf32, #tpu.memory_space<vmem_shared>>
        tpu.enqueue_indirect_dma source(%arg10 : memref<128x128xf32, #tpu.memory_space<vmem>>) target(%dma_start3A_92 : memref<10112x128xf32, #tpu.memory_space<vmem_shared>>) offsets(%dma_start3A_89 : memref<128xi32, #tpu.memory_space<vmem>>) semaphore(%arg15 : memref<!tpu.dma_semaphore, #tpu.memory_space<semaphore_mem>>) {add = true}
        %dma_wait3A_93 = arith.constant 0 : i32
        %dma_wait3A_94 = tpu.memref_slice %arg8[%mul3A_67, %dma_wait3A_93] : memref<64x128xi32, #tpu.memory_space<vmem>> -> memref<1x128xi32, #tpu.memory_space<vmem>>
        %dma_wait3A_95 = tpu.memref_squeeze %dma_wait3A_94 : memref<1x128xi32, #tpu.memory_space<vmem>> -> memref<128xi32, #tpu.memory_space<vmem>>
        %dma_wait3A_96 = arith.constant 0 : i32
        %dma_wait3A_97 = arith.constant 0 : i32
        %dma_wait3A_98 = tpu.memref_slice %arg11[%dma_wait3A_96, %dma_wait3A_97] : memref<10112x128xf32, #tpu.memory_space<vmem_shared>> -> memref<10112x128xf32, #tpu.memory_space<vmem_shared>>
        tpu.wait_indirect_dma semaphore(%arg14 : memref<!tpu.dma_semaphore, #tpu.memory_space<semaphore_mem>>) src(%arg9 : memref<128x128xf32, #tpu.memory_space<vmem>>) dst(%dma_wait3A_98 : memref<10112x128xf32, #tpu.memory_space<vmem_shared>>)
        %lt3A_99 = arith.constant 31 : i32
        %lt3A_100 = arith.cmpi slt, %scan3A_65, %lt3A_99 : i32
        %convert_element_type3A_101 = arith.extui %lt3A_100 : i1 to i32
        %cond3A_102 = arith.constant 0 : i32
        %cond3A_103 = arith.cmpi ne, %convert_element_type3A_101, %cond3A_102 : i32
        scf.if %cond3A_103 {
          %add3A_115 = arith.constant 2 : i32
          %add3A_116 = arith.addi %mul3A_67, %add3A_115 : i32
          %dma_start3A_117 = arith.constant 0 : i32
          %dma_start3A_118 = tpu.memref_slice %arg7[%add3A_116, %dma_start3A_117] : memref<64x128xi32, #tpu.memory_space<vmem>> -> memref<1x128xi32, #tpu.memory_space<vmem>>
          %dma_start3A_119 = tpu.memref_squeeze %dma_start3A_118 : memref<1x128xi32, #tpu.memory_space<vmem>> -> memref<128xi32, #tpu.memory_space<vmem>>
          %dma_start3A_120 = arith.constant 0 : i32
          %dma_start3A_121 = arith.constant 0 : i32
          %dma_start3A_122 = tpu.memref_slice %arg4[%dma_start3A_120, %dma_start3A_121] : memref<10000x128xf32, #tpu.memory_space<hbm>> -> memref<10000x128xf32, #tpu.memory_space<hbm>>
          tpu.enqueue_indirect_dma source(%dma_start3A_122 : memref<10000x128xf32, #tpu.memory_space<hbm>>) target(%arg9 : memref<128x128xf32, #tpu.memory_space<vmem>>) offsets(%dma_start3A_119 : memref<128xi32, #tpu.memory_space<vmem>>) semaphore(%arg12 : memref<!tpu.dma_semaphore, #tpu.memory_space<semaphore_mem>>)
        } else {
        }
        %dma_wait3A_104 = arith.constant 0 : i32
        %dma_wait3A_105 = tpu.memref_slice %arg8[%add3A_69, %dma_wait3A_104] : memref<64x128xi32, #tpu.memory_space<vmem>> -> memref<1x128xi32, #tpu.memory_space<vmem>>
        %dma_wait3A_106 = tpu.memref_squeeze %dma_wait3A_105 : memref<1x128xi32, #tpu.memory_space<vmem>> -> memref<128xi32, #tpu.memory_space<vmem>>
        %dma_wait3A_107 = arith.constant 0 : i32
        %dma_wait3A_108 = arith.constant 0 : i32
        %dma_wait3A_109 = tpu.memref_slice %arg11[%dma_wait3A_107, %dma_wait3A_108] : memref<10112x128xf32, #tpu.memory_space<vmem_shared>> -> memref<10112x128xf32, #tpu.memory_space<vmem_shared>>
        tpu.wait_indirect_dma semaphore(%arg15 : memref<!tpu.dma_semaphore, #tpu.memory_space<semaphore_mem>>) src(%arg10 : memref<128x128xf32, #tpu.memory_space<vmem>>) dst(%dma_wait3A_109 : memref<10112x128xf32, #tpu.memory_space<vmem_shared>>)
        %lt3A_110 = arith.constant 31 : i32
        %lt3A_111 = arith.cmpi slt, %scan3A_65, %lt3A_110 : i32
        %convert_element_type3A_112 = arith.extui %lt3A_111 : i1 to i32
        %cond3A_113 = arith.constant 0 : i32
        %cond3A_114 = arith.cmpi ne, %convert_element_type3A_112, %cond3A_113 : i32
        scf.if %cond3A_114 {
          %add3A_115 = arith.constant 2 : i32
          %add3A_116 = arith.addi %add3A_69, %add3A_115 : i32
          %dma_start3A_117 = arith.constant 0 : i32
          %dma_start3A_118 = tpu.memref_slice %arg7[%add3A_116, %dma_start3A_117] : memref<64x128xi32, #tpu.memory_space<vmem>> -> memref<1x128xi32, #tpu.memory_space<vmem>>
          %dma_start3A_119 = tpu.memref_squeeze %dma_start3A_118 : memref<1x128xi32, #tpu.memory_space<vmem>> -> memref<128xi32, #tpu.memory_space<vmem>>
          %dma_start3A_120 = arith.constant 0 : i32
          %dma_start3A_121 = arith.constant 0 : i32
          %dma_start3A_122 = tpu.memref_slice %arg4[%dma_start3A_120, %dma_start3A_121] : memref<10000x128xf32, #tpu.memory_space<hbm>> -> memref<10000x128xf32, #tpu.memory_space<hbm>>
          tpu.enqueue_indirect_dma source(%dma_start3A_122 : memref<10000x128xf32, #tpu.memory_space<hbm>>) target(%arg10 : memref<128x128xf32, #tpu.memory_space<vmem>>) offsets(%dma_start3A_119 : memref<128xi32, #tpu.memory_space<vmem>>) semaphore(%arg13 : memref<!tpu.dma_semaphore, #tpu.memory_space<semaphore_mem>>)
        } else {
        }
      }
      %scan3A_64 = arith.constant 32 : i32
    } else {
    }
    %eq3A_3 = arith.constant 1 : i32
    %eq3A_4 = arith.cmpi eq, %arg0, %eq3A_3 : i32
    %convert_element_type3A_5 = arith.extui %eq3A_4 : i1 to i32
    %cond3A_6 = arith.constant 0 : i32
    %cond3A_7 = arith.cmpi ne, %convert_element_type3A_5, %cond3A_6 : i32
    scf.if %cond3A_7 {
      %mul3A_20 = arith.constant 32 : i32
      %mul3A_21 = arith.muli %arg1, %mul3A_20 : i32
      %add3A = arith.constant 2048 : i32
      %add3A_22 = arith.addi %add3A, %mul3A_21 : i32
      "tpu.region"() ({
        %run_scoped3A = tpu.sem_alloc : memref<!tpu.dma_semaphore, #tpu.memory_space<semaphore_mem>>
        %dma_start3A_41 = arith.constant 0 : i32
        %dma_start3A_42 = arith.constant 0 : i32
        %dma_start3A_43 = tpu.memref_slice %arg7[%dma_start3A_41, %dma_start3A_42] : memref<64x128xi32, #tpu.memory_space<vmem>> -> memref<32x128xi32, #tpu.memory_space<vmem>>
        %dma_start3A_44 = arith.constant 0 : i32
        %dma_start3A_45 = tpu.memref_slice %arg2[%add3A_22, %dma_start3A_44] : memref<2560x128xi32, #tpu.memory_space<hbm>> -> memref<32x128xi32, #tpu.memory_space<hbm>>
        %dma_start3A_46 = arith.constant 0 : i32
        %dma_start3A_47 = arith.constant 0 : i32
        %dma_start3A_48 = tpu.memref_slice %arg7[%dma_start3A_46, %dma_start3A_47] : memref<64x128xi32, #tpu.memory_space<vmem>> -> memref<32x128xi32, #tpu.memory_space<vmem>>
        %dma_start3A_49 = arith.constant 0 : i32
        %dma_start3A_50 = tpu.memref_slice %arg2[%add3A_22, %dma_start3A_49] : memref<2560x128xi32, #tpu.memory_space<hbm>> -> memref<32x128xi32, #tpu.memory_space<hbm>>
        tpu.enqueue_dma source(%dma_start3A_50 : memref<32x128xi32, #tpu.memory_space<hbm>>) target(%dma_start3A_48 : memref<32x128xi32, #tpu.memory_space<vmem>>) target_semaphore(%run_scoped3A : memref<!tpu.dma_semaphore, #tpu.memory_space<semaphore_mem>>)
        %dma_wait3A = arith.constant 0 : i32
        %dma_wait3A_51 = arith.constant 0 : i32
        %dma_wait3A_52 = tpu.memref_slice %arg7[%dma_wait3A, %dma_wait3A_51] : memref<64x128xi32, #tpu.memory_space<vmem>> -> memref<32x128xi32, #tpu.memory_space<vmem>>
        %dma_wait3A_53 = arith.constant 0 : i32
        %dma_wait3A_54 = tpu.memref_slice %arg2[%add3A_22, %dma_wait3A_53] : memref<2560x128xi32, #tpu.memory_space<hbm>> -> memref<32x128xi32, #tpu.memory_space<hbm>>
        %dma_wait3A_55 = arith.constant 0 : i32
        %dma_wait3A_56 = arith.constant 0 : i32
        %dma_wait3A_57 = tpu.memref_slice %arg7[%dma_wait3A_55, %dma_wait3A_56] : memref<64x128xi32, #tpu.memory_space<vmem>> -> memref<32x128xi32, #tpu.memory_space<vmem>>
        %dma_wait3A_58 = arith.constant 0 : i32
        %dma_wait3A_59 = tpu.memref_slice %arg2[%add3A_22, %dma_wait3A_58] : memref<2560x128xi32, #tpu.memory_space<hbm>> -> memref<32x128xi32, #tpu.memory_space<hbm>>
        tpu.wait_dma2 semaphore(%run_scoped3A : memref<!tpu.dma_semaphore, #tpu.memory_space<semaphore_mem>>) src(%dma_wait3A_59 : memref<32x128xi32, #tpu.memory_space<hbm>>) dst(%dma_wait3A_57 : memref<32x128xi32, #tpu.memory_space<vmem>>)
        tpu.yield
      }) : () -> ()
      "tpu.region"() ({
        %run_scoped3A = tpu.sem_alloc : memref<!tpu.dma_semaphore, #tpu.memory_space<semaphore_mem>>
        %dma_start3A_41 = arith.constant 0 : i32
        %dma_start3A_42 = arith.constant 0 : i32
        %dma_start3A_43 = tpu.memref_slice %arg8[%dma_start3A_41, %dma_start3A_42] : memref<64x128xi32, #tpu.memory_space<vmem>> -> memref<32x128xi32, #tpu.memory_space<vmem>>
        %dma_start3A_44 = arith.constant 0 : i32
        %dma_start3A_45 = tpu.memref_slice %arg3[%add3A_22, %dma_start3A_44] : memref<2560x128xi32, #tpu.memory_space<hbm>> -> memref<32x128xi32, #tpu.memory_space<hbm>>
        %dma_start3A_46 = arith.constant 0 : i32
        %dma_start3A_47 = arith.constant 0 : i32
        %dma_start3A_48 = tpu.memref_slice %arg8[%dma_start3A_46, %dma_start3A_47] : memref<64x128xi32, #tpu.memory_space<vmem>> -> memref<32x128xi32, #tpu.memory_space<vmem>>
        %dma_start3A_49 = arith.constant 0 : i32
        %dma_start3A_50 = tpu.memref_slice %arg3[%add3A_22, %dma_start3A_49] : memref<2560x128xi32, #tpu.memory_space<hbm>> -> memref<32x128xi32, #tpu.memory_space<hbm>>
        tpu.enqueue_dma source(%dma_start3A_50 : memref<32x128xi32, #tpu.memory_space<hbm>>) target(%dma_start3A_48 : memref<32x128xi32, #tpu.memory_space<vmem>>) target_semaphore(%run_scoped3A : memref<!tpu.dma_semaphore, #tpu.memory_space<semaphore_mem>>)
        %dma_wait3A = arith.constant 0 : i32
        %dma_wait3A_51 = arith.constant 0 : i32
        %dma_wait3A_52 = tpu.memref_slice %arg8[%dma_wait3A, %dma_wait3A_51] : memref<64x128xi32, #tpu.memory_space<vmem>> -> memref<32x128xi32, #tpu.memory_space<vmem>>
        %dma_wait3A_53 = arith.constant 0 : i32
        %dma_wait3A_54 = tpu.memref_slice %arg3[%add3A_22, %dma_wait3A_53] : memref<2560x128xi32, #tpu.memory_space<hbm>> -> memref<32x128xi32, #tpu.memory_space<hbm>>
        %dma_wait3A_55 = arith.constant 0 : i32
        %dma_wait3A_56 = arith.constant 0 : i32
        %dma_wait3A_57 = tpu.memref_slice %arg8[%dma_wait3A_55, %dma_wait3A_56] : memref<64x128xi32, #tpu.memory_space<vmem>> -> memref<32x128xi32, #tpu.memory_space<vmem>>
        %dma_wait3A_58 = arith.constant 0 : i32
        %dma_wait3A_59 = tpu.memref_slice %arg3[%add3A_22, %dma_wait3A_58] : memref<2560x128xi32, #tpu.memory_space<hbm>> -> memref<32x128xi32, #tpu.memory_space<hbm>>
        tpu.wait_dma2 semaphore(%run_scoped3A : memref<!tpu.dma_semaphore, #tpu.memory_space<semaphore_mem>>) src(%dma_wait3A_59 : memref<32x128xi32, #tpu.memory_space<hbm>>) dst(%dma_wait3A_57 : memref<32x128xi32, #tpu.memory_space<vmem>>)
        tpu.yield
      }) : () -> ()
      %dma_start3A = arith.constant 0 : i32
      %dma_start3A_23 = arith.constant 0 : i32
      %dma_start3A_24 = tpu.memref_slice %arg7[%dma_start3A, %dma_start3A_23] : memref<64x128xi32, #tpu.memory_space<vmem>> -> memref<1x128xi32, #tpu.memory_space<vmem>>
      %dma_start3A_25 = tpu.memref_squeeze %dma_start3A_24 : memref<1x128xi32, #tpu.memory_space<vmem>> -> memref<128xi32, #tpu.memory_space<vmem>>
      %dma_start3A_26 = arith.constant 0 : i32
      %dma_start3A_27 = arith.constant 0 : i32
      %dma_start3A_28 = tpu.memref_slice %arg4[%dma_start3A_26, %dma_start3A_27] : memref<10000x128xf32, #tpu.memory_space<hbm>> -> memref<10000x128xf32, #tpu.memory_space<hbm>>
      tpu.enqueue_indirect_dma source(%dma_start3A_28 : memref<10000x128xf32, #tpu.memory_space<hbm>>) target(%arg9 : memref<128x128xf32, #tpu.memory_space<vmem>>) offsets(%dma_start3A_25 : memref<128xi32, #tpu.memory_space<vmem>>) semaphore(%arg12 : memref<!tpu.dma_semaphore, #tpu.memory_space<semaphore_mem>>)
      %dma_start3A_29 = arith.constant 1 : i32
      %dma_start3A_30 = arith.constant 0 : i32
      %dma_start3A_31 = tpu.memref_slice %arg7[%dma_start3A_29, %dma_start3A_30] : memref<64x128xi32, #tpu.memory_space<vmem>> -> memref<1x128xi32, #tpu.memory_space<vmem>>
      %dma_start3A_32 = tpu.memref_squeeze %dma_start3A_31 : memref<1x128xi32, #tpu.memory_space<vmem>> -> memref<128xi32, #tpu.memory_space<vmem>>
      %dma_start3A_33 = arith.constant 0 : i32
      %dma_start3A_34 = arith.constant 0 : i32
      %dma_start3A_35 = tpu.memref_slice %arg4[%dma_start3A_33, %dma_start3A_34] : memref<10000x128xf32, #tpu.memory_space<hbm>> -> memref<10000x128xf32, #tpu.memory_space<hbm>>
      tpu.enqueue_indirect_dma source(%dma_start3A_35 : memref<10000x128xf32, #tpu.memory_space<hbm>>) target(%arg10 : memref<128x128xf32, #tpu.memory_space<vmem>>) offsets(%dma_start3A_32 : memref<128xi32, #tpu.memory_space<vmem>>) semaphore(%arg13 : memref<!tpu.dma_semaphore, #tpu.memory_space<semaphore_mem>>)
      %scan3A = arith.constant 0 : i32
      %scan3A_36 = arith.constant 0 : i32
      %scan3A_37 = arith.constant 16 : i32
      %scan3A_38 = arith.addi %scan3A_36, %scan3A_37 : i32
      %scan3A_39 = arith.constant 1 : i32
      scf.for %scan3A_41 = %scan3A_36 to %scan3A_38 step %scan3A_39  : i32 {
        %mul3A_42 = arith.constant 2 : i32
        %mul3A_43 = arith.muli %mul3A_42, %scan3A_41 : i32
        %add3A_44 = arith.constant 1 : i32
        %add3A_45 = arith.addi %mul3A_43, %add3A_44 : i32
        %dma_wait3A = arith.constant 0 : i32
        %dma_wait3A_46 = tpu.memref_slice %arg7[%mul3A_43, %dma_wait3A] : memref<64x128xi32, #tpu.memory_space<vmem>> -> memref<1x128xi32, #tpu.memory_space<vmem>>
        %dma_wait3A_47 = tpu.memref_squeeze %dma_wait3A_46 : memref<1x128xi32, #tpu.memory_space<vmem>> -> memref<128xi32, #tpu.memory_space<vmem>>
        %dma_wait3A_48 = arith.constant 0 : i32
        %dma_wait3A_49 = arith.constant 0 : i32
        %dma_wait3A_50 = tpu.memref_slice %arg4[%dma_wait3A_48, %dma_wait3A_49] : memref<10000x128xf32, #tpu.memory_space<hbm>> -> memref<10000x128xf32, #tpu.memory_space<hbm>>
        tpu.wait_indirect_dma semaphore(%arg12 : memref<!tpu.dma_semaphore, #tpu.memory_space<semaphore_mem>>) src(%dma_wait3A_50 : memref<10000x128xf32, #tpu.memory_space<hbm>>) dst(%arg9 : memref<128x128xf32, #tpu.memory_space<vmem>>)
        %dma_start3A_51 = arith.constant 0 : i32
        %dma_start3A_52 = tpu.memref_slice %arg8[%mul3A_43, %dma_start3A_51] : memref<64x128xi32, #tpu.memory_space<vmem>> -> memref<1x128xi32, #tpu.memory_space<vmem>>
        %dma_start3A_53 = tpu.memref_squeeze %dma_start3A_52 : memref<1x128xi32, #tpu.memory_space<vmem>> -> memref<128xi32, #tpu.memory_space<vmem>>
        %dma_start3A_54 = arith.constant 0 : i32
        %dma_start3A_55 = arith.constant 0 : i32
        %dma_start3A_56 = tpu.memref_slice %arg11[%dma_start3A_54, %dma_start3A_55] : memref<10112x128xf32, #tpu.memory_space<vmem_shared>> -> memref<10112x128xf32, #tpu.memory_space<vmem_shared>>
        tpu.enqueue_indirect_dma source(%arg9 : memref<128x128xf32, #tpu.memory_space<vmem>>) target(%dma_start3A_56 : memref<10112x128xf32, #tpu.memory_space<vmem_shared>>) offsets(%dma_start3A_53 : memref<128xi32, #tpu.memory_space<vmem>>) semaphore(%arg14 : memref<!tpu.dma_semaphore, #tpu.memory_space<semaphore_mem>>) {add = true}
        %dma_wait3A_57 = arith.constant 0 : i32
        %dma_wait3A_58 = tpu.memref_slice %arg7[%add3A_45, %dma_wait3A_57] : memref<64x128xi32, #tpu.memory_space<vmem>> -> memref<1x128xi32, #tpu.memory_space<vmem>>
        %dma_wait3A_59 = tpu.memref_squeeze %dma_wait3A_58 : memref<1x128xi32, #tpu.memory_space<vmem>> -> memref<128xi32, #tpu.memory_space<vmem>>
        %dma_wait3A_60 = arith.constant 0 : i32
        %dma_wait3A_61 = arith.constant 0 : i32
        %dma_wait3A_62 = tpu.memref_slice %arg4[%dma_wait3A_60, %dma_wait3A_61] : memref<10000x128xf32, #tpu.memory_space<hbm>> -> memref<10000x128xf32, #tpu.memory_space<hbm>>
        tpu.wait_indirect_dma semaphore(%arg13 : memref<!tpu.dma_semaphore, #tpu.memory_space<semaphore_mem>>) src(%dma_wait3A_62 : memref<10000x128xf32, #tpu.memory_space<hbm>>) dst(%arg10 : memref<128x128xf32, #tpu.memory_space<vmem>>)
        %dma_start3A_63 = arith.constant 0 : i32
        %dma_start3A_64 = tpu.memref_slice %arg8[%add3A_45, %dma_start3A_63] : memref<64x128xi32, #tpu.memory_space<vmem>> -> memref<1x128xi32, #tpu.memory_space<vmem>>
        %dma_start3A_65 = tpu.memref_squeeze %dma_start3A_64 : memref<1x128xi32, #tpu.memory_space<vmem>> -> memref<128xi32, #tpu.memory_space<vmem>>
        %dma_start3A_66 = arith.constant 0 : i32
        %dma_start3A_67 = arith.constant 0 : i32
        %dma_start3A_68 = tpu.memref_slice %arg11[%dma_start3A_66, %dma_start3A_67] : memref<10112x128xf32, #tpu.memory_space<vmem_shared>> -> memref<10112x128xf32, #tpu.memory_space<vmem_shared>>
        tpu.enqueue_indirect_dma source(%arg10 : memref<128x128xf32, #tpu.memory_space<vmem>>) target(%dma_start3A_68 : memref<10112x128xf32, #tpu.memory_space<vmem_shared>>) offsets(%dma_start3A_65 : memref<128xi32, #tpu.memory_space<vmem>>) semaphore(%arg15 : memref<!tpu.dma_semaphore, #tpu.memory_space<semaphore_mem>>) {add = true}
        %dma_wait3A_69 = arith.constant 0 : i32
        %dma_wait3A_70 = tpu.memref_slice %arg8[%mul3A_43, %dma_wait3A_69] : memref<64x128xi32, #tpu.memory_space<vmem>> -> memref<1x128xi32, #tpu.memory_space<vmem>>
        %dma_wait3A_71 = tpu.memref_squeeze %dma_wait3A_70 : memref<1x128xi32, #tpu.memory_space<vmem>> -> memref<128xi32, #tpu.memory_space<vmem>>
        %dma_wait3A_72 = arith.constant 0 : i32
        %dma_wait3A_73 = arith.constant 0 : i32
        %dma_wait3A_74 = tpu.memref_slice %arg11[%dma_wait3A_72, %dma_wait3A_73] : memref<10112x128xf32, #tpu.memory_space<vmem_shared>> -> memref<10112x128xf32, #tpu.memory_space<vmem_shared>>
        tpu.wait_indirect_dma semaphore(%arg14 : memref<!tpu.dma_semaphore, #tpu.memory_space<semaphore_mem>>) src(%arg9 : memref<128x128xf32, #tpu.memory_space<vmem>>) dst(%dma_wait3A_74 : memref<10112x128xf32, #tpu.memory_space<vmem_shared>>)
        %lt3A_75 = arith.constant 15 : i32
        %lt3A_76 = arith.cmpi slt, %scan3A_41, %lt3A_75 : i32
        %convert_element_type3A_77 = arith.extui %lt3A_76 : i1 to i32
        %cond3A_78 = arith.constant 0 : i32
        %cond3A_79 = arith.cmpi ne, %convert_element_type3A_77, %cond3A_78 : i32
        scf.if %cond3A_79 {
          %add3A_91 = arith.constant 2 : i32
          %add3A_92 = arith.addi %mul3A_43, %add3A_91 : i32
          %dma_start3A_93 = arith.constant 0 : i32
          %dma_start3A_94 = tpu.memref_slice %arg7[%add3A_92, %dma_start3A_93] : memref<64x128xi32, #tpu.memory_space<vmem>> -> memref<1x128xi32, #tpu.memory_space<vmem>>
          %dma_start3A_95 = tpu.memref_squeeze %dma_start3A_94 : memref<1x128xi32, #tpu.memory_space<vmem>> -> memref<128xi32, #tpu.memory_space<vmem>>
          %dma_start3A_96 = arith.constant 0 : i32
          %dma_start3A_97 = arith.constant 0 : i32
          %dma_start3A_98 = tpu.memref_slice %arg4[%dma_start3A_96, %dma_start3A_97] : memref<10000x128xf32, #tpu.memory_space<hbm>> -> memref<10000x128xf32, #tpu.memory_space<hbm>>
          tpu.enqueue_indirect_dma source(%dma_start3A_98 : memref<10000x128xf32, #tpu.memory_space<hbm>>) target(%arg9 : memref<128x128xf32, #tpu.memory_space<vmem>>) offsets(%dma_start3A_95 : memref<128xi32, #tpu.memory_space<vmem>>) semaphore(%arg12 : memref<!tpu.dma_semaphore, #tpu.memory_space<semaphore_mem>>)
        } else {
        }
        %dma_wait3A_80 = arith.constant 0 : i32
        %dma_wait3A_81 = tpu.memref_slice %arg8[%add3A_45, %dma_wait3A_80] : memref<64x128xi32, #tpu.memory_space<vmem>> -> memref<1x128xi32, #tpu.memory_space<vmem>>
        %dma_wait3A_82 = tpu.memref_squeeze %dma_wait3A_81 : memref<1x128xi32, #tpu.memory_space<vmem>> -> memref<128xi32, #tpu.memory_space<vmem>>
        %dma_wait3A_83 = arith.constant 0 : i32
        %dma_wait3A_84 = arith.constant 0 : i32
        %dma_wait3A_85 = tpu.memref_slice %arg11[%dma_wait3A_83, %dma_wait3A_84] : memref<10112x128xf32, #tpu.memory_space<vmem_shared>> -> memref<10112x128xf32, #tpu.memory_space<vmem_shared>>
        tpu.wait_indirect_dma semaphore(%arg15 : memref<!tpu.dma_semaphore, #tpu.memory_space<semaphore_mem>>) src(%arg10 : memref<128x128xf32, #tpu.memory_space<vmem>>) dst(%dma_wait3A_85 : memref<10112x128xf32, #tpu.memory_space<vmem_shared>>)
        %lt3A_86 = arith.constant 15 : i32
        %lt3A_87 = arith.cmpi slt, %scan3A_41, %lt3A_86 : i32
        %convert_element_type3A_88 = arith.extui %lt3A_87 : i1 to i32
        %cond3A_89 = arith.constant 0 : i32
        %cond3A_90 = arith.cmpi ne, %convert_element_type3A_88, %cond3A_89 : i32
        scf.if %cond3A_90 {
          %add3A_91 = arith.constant 2 : i32
          %add3A_92 = arith.addi %add3A_45, %add3A_91 : i32
          %dma_start3A_93 = arith.constant 0 : i32
          %dma_start3A_94 = tpu.memref_slice %arg7[%add3A_92, %dma_start3A_93] : memref<64x128xi32, #tpu.memory_space<vmem>> -> memref<1x128xi32, #tpu.memory_space<vmem>>
          %dma_start3A_95 = tpu.memref_squeeze %dma_start3A_94 : memref<1x128xi32, #tpu.memory_space<vmem>> -> memref<128xi32, #tpu.memory_space<vmem>>
          %dma_start3A_96 = arith.constant 0 : i32
          %dma_start3A_97 = arith.constant 0 : i32
          %dma_start3A_98 = tpu.memref_slice %arg4[%dma_start3A_96, %dma_start3A_97] : memref<10000x128xf32, #tpu.memory_space<hbm>> -> memref<10000x128xf32, #tpu.memory_space<hbm>>
          tpu.enqueue_indirect_dma source(%dma_start3A_98 : memref<10000x128xf32, #tpu.memory_space<hbm>>) target(%arg10 : memref<128x128xf32, #tpu.memory_space<vmem>>) offsets(%dma_start3A_95 : memref<128xi32, #tpu.memory_space<vmem>>) semaphore(%arg13 : memref<!tpu.dma_semaphore, #tpu.memory_space<semaphore_mem>>)
        } else {
        }
      }
      %scan3A_40 = arith.constant 16 : i32
    } else {
    }
    %barrier3A_8 = arith.constant 0 : index
    tpu.barrier barrier_id(%barrier3A_8)
    %mul3A_9 = arith.constant 624 : i32
    %mul3A_10 = arith.muli %arg1, %mul3A_9 : i32
    %lt3A = arith.constant 15 : i32
    %lt3A_11 = arith.cmpi slt, %arg1, %lt3A : i32
    %convert_element_type3A_12 = arith.extui %lt3A_11 : i1 to i32
    %cond3A_13 = arith.constant 0 : i32
    %cond3A_14 = arith.cmpi ne, %convert_element_type3A_12, %cond3A_13 : i32
    scf.if %cond3A_14 {
      "tpu.region"() ({
        %run_scoped3A = tpu.sem_alloc : memref<!tpu.dma_semaphore, #tpu.memory_space<semaphore_mem>>
        %dma_start3A = arith.constant 0 : i32
        %dma_start3A_20 = tpu.memref_slice %arg6[%arg0, %mul3A_10, %dma_start3A] : memref<2x10000x128xf32, #tpu.memory_space<hbm>> -> memref<1x624x128xf32, #tpu.memory_space<hbm>>
        %dma_start3A_21 = tpu.memref_squeeze %dma_start3A_20 : memref<1x624x128xf32, #tpu.memory_space<hbm>> -> memref<624x128xf32, #tpu.memory_space<hbm>>
        %dma_start3A_22 = arith.constant 0 : i32
        %dma_start3A_23 = tpu.memref_slice %arg11[%mul3A_10, %dma_start3A_22] : memref<10112x128xf32, #tpu.memory_space<vmem_shared>> -> memref<624x128xf32, #tpu.memory_space<vmem_shared>>
        tpu.enqueue_dma source(%dma_start3A_23 : memref<624x128xf32, #tpu.memory_space<vmem_shared>>) target(%dma_start3A_21 : memref<624x128xf32, #tpu.memory_space<hbm>>) target_semaphore(%run_scoped3A : memref<!tpu.dma_semaphore, #tpu.memory_space<semaphore_mem>>)
        %dma_wait3A = arith.constant 0 : i32
        %dma_wait3A_24 = tpu.memref_slice %arg6[%arg0, %mul3A_10, %dma_wait3A] : memref<2x10000x128xf32, #tpu.memory_space<hbm>> -> memref<1x624x128xf32, #tpu.memory_space<hbm>>
        %dma_wait3A_25 = tpu.memref_squeeze %dma_wait3A_24 : memref<1x624x128xf32, #tpu.memory_space<hbm>> -> memref<624x128xf32, #tpu.memory_space<hbm>>
        %dma_wait3A_26 = arith.constant 0 : i32
        %dma_wait3A_27 = tpu.memref_slice %arg11[%mul3A_10, %dma_wait3A_26] : memref<10112x128xf32, #tpu.memory_space<vmem_shared>> -> memref<624x128xf32, #tpu.memory_space<vmem_shared>>
        tpu.wait_dma2 semaphore(%run_scoped3A : memref<!tpu.dma_semaphore, #tpu.memory_space<semaphore_mem>>) src(%dma_wait3A_27 : memref<624x128xf32, #tpu.memory_space<vmem_shared>>) dst(%dma_wait3A_25 : memref<624x128xf32, #tpu.memory_space<hbm>>)
        tpu.yield
      }) : () -> ()
    } else {
    }
    %eq3A_15 = arith.constant 15 : i32
    %eq3A_16 = arith.cmpi eq, %arg1, %eq3A_15 : i32
    %convert_element_type3A_17 = arith.extui %eq3A_16 : i1 to i32
    %cond3A_18 = arith.constant 0 : i32
    %cond3A_19 = arith.cmpi ne, %convert_element_type3A_17, %cond3A_18 : i32
    scf.if %cond3A_19 {
      "tpu.region"() ({
        %run_scoped3A = tpu.sem_alloc : memref<!tpu.dma_semaphore, #tpu.memory_space<semaphore_mem>>
        %dma_start3A = arith.constant 9360 : i32
        %dma_start3A_20 = arith.constant 0 : i32
        %dma_start3A_21 = tpu.memref_slice %arg6[%arg0, %dma_start3A, %dma_start3A_20] : memref<2x10000x128xf32, #tpu.memory_space<hbm>> -> memref<1x640x128xf32, #tpu.memory_space<hbm>>
        %dma_start3A_22 = tpu.memref_squeeze %dma_start3A_21 : memref<1x640x128xf32, #tpu.memory_space<hbm>> -> memref<640x128xf32, #tpu.memory_space<hbm>>
        %dma_start3A_23 = arith.constant 9360 : i32
        %dma_start3A_24 = arith.constant 0 : i32
        %dma_start3A_25 = tpu.memref_slice %arg11[%dma_start3A_23, %dma_start3A_24] : memref<10112x128xf32, #tpu.memory_space<vmem_shared>> -> memref<640x128xf32, #tpu.memory_space<vmem_shared>>
        tpu.enqueue_dma source(%dma_start3A_25 : memref<640x128xf32, #tpu.memory_space<vmem_shared>>) target(%dma_start3A_22 : memref<640x128xf32, #tpu.memory_space<hbm>>) target_semaphore(%run_scoped3A : memref<!tpu.dma_semaphore, #tpu.memory_space<semaphore_mem>>)
        %dma_wait3A = arith.constant 9360 : i32
        %dma_wait3A_26 = arith.constant 0 : i32
        %dma_wait3A_27 = tpu.memref_slice %arg6[%arg0, %dma_wait3A, %dma_wait3A_26] : memref<2x10000x128xf32, #tpu.memory_space<hbm>> -> memref<1x640x128xf32, #tpu.memory_space<hbm>>
        %dma_wait3A_28 = tpu.memref_squeeze %dma_wait3A_27 : memref<1x640x128xf32, #tpu.memory_space<hbm>> -> memref<640x128xf32, #tpu.memory_space<hbm>>
        %dma_wait3A_29 = arith.constant 9360 : i32
        %dma_wait3A_30 = arith.constant 0 : i32
        %dma_wait3A_31 = tpu.memref_slice %arg11[%dma_wait3A_29, %dma_wait3A_30] : memref<10112x128xf32, #tpu.memory_space<vmem_shared>> -> memref<640x128xf32, #tpu.memory_space<vmem_shared>>
        tpu.wait_dma2 semaphore(%run_scoped3A : memref<!tpu.dma_semaphore, #tpu.memory_space<semaphore_mem>>) src(%dma_wait3A_31 : memref<640x128xf32, #tpu.memory_space<vmem_shared>>) dst(%dma_wait3A_28 : memref<640x128xf32, #tpu.memory_space<hbm>>)
        tpu.yield
      }) : () -> ()
    } else {
    }
    return
  }
}

#map = affine_map<(d0, d1) -> (0, 0)>
#map1 = affine_map<(d0, d1) -> (0, 0, 0)>
module attributes {stable_mosaic.version = 14 : i64} {
  func.func @agg(%arg0: i32, %arg1: i32, %arg2: memref<2560x128xi32, #tpu.memory_space<hbm>>, %arg3: memref<2560x128xi32, #tpu.memory_space<hbm>>, %arg4: memref<10000x128xf32, #tpu.memory_space<hbm>>, %arg5: memref<10112x128xf32, #tpu.memory_space<hbm>>, %arg6: memref<2x10000x128xf32, #tpu.memory_space<hbm>>, %arg7: memref<64x128xi32, #tpu.memory_space<vmem>>, %arg8: memref<64x128xi32, #tpu.memory_space<vmem>>, %arg9: memref<128x128xf32, #tpu.memory_space<vmem>>, %arg10: memref<128x128xf32, #tpu.memory_space<vmem>>, %arg11: memref<10112x128xf32, #tpu.memory_space<vmem_shared>>, %arg12: memref<!tpu.dma_semaphore, #tpu.memory_space<semaphore_mem>>, %arg13: memref<!tpu.dma_semaphore, #tpu.memory_space<semaphore_mem>>, %arg14: memref<!tpu.dma_semaphore, #tpu.memory_space<semaphore_mem>>, %arg15: memref<!tpu.dma_semaphore, #tpu.memory_space<semaphore_mem>>) attributes {dimension_semantics = [#tpu.dimension_semantics<core_parallel>, #tpu.dimension_semantics<subcore_parallel>], iteration_bounds = array<i64: 2, 16>, scalar_prefetch = 0 : i64, scratch_operands = 9 : i64, tpu.core_type = #tpu.core_type<sc_vector_subcore>, window_params = [{transform_indices = #map}, {transform_indices = #map}, {transform_indices = #map}, {transform_indices = #map}, {transform_indices = #map1}]} {
    %mul3A = arith.constant 632 : i32
    %mul3A_0 = arith.muli %arg1, %mul3A : i32
    "tpu.region"() ({
      %run_scoped3A = tpu.sem_alloc : memref<!tpu.dma_semaphore, #tpu.memory_space<semaphore_mem>>
      %dma_start3A = arith.constant 0 : i32
      %dma_start3A_20 = tpu.memref_slice %arg11[%mul3A_0, %dma_start3A] : memref<10112x128xf32, #tpu.memory_space<vmem_shared>> -> memref<632x128xf32, #tpu.memory_space<vmem_shared>>
      %dma_start3A_21 = arith.constant 0 : i32
      %dma_start3A_22 = tpu.memref_slice %arg5[%mul3A_0, %dma_start3A_21] : memref<10112x128xf32, #tpu.memory_space<hbm>> -> memref<632x128xf32, #tpu.memory_space<hbm>>
      tpu.enqueue_dma source(%dma_start3A_22 : memref<632x128xf32, #tpu.memory_space<hbm>>) target(%dma_start3A_20 : memref<632x128xf32, #tpu.memory_space<vmem_shared>>) target_semaphore(%run_scoped3A : memref<!tpu.dma_semaphore, #tpu.memory_space<semaphore_mem>>)
      %dma_wait3A = arith.constant 0 : i32
      %dma_wait3A_23 = tpu.memref_slice %arg11[%mul3A_0, %dma_wait3A] : memref<10112x128xf32, #tpu.memory_space<vmem_shared>> -> memref<632x128xf32, #tpu.memory_space<vmem_shared>>
      %dma_wait3A_24 = arith.constant 0 : i32
      %dma_wait3A_25 = tpu.memref_slice %arg5[%mul3A_0, %dma_wait3A_24] : memref<10112x128xf32, #tpu.memory_space<hbm>> -> memref<632x128xf32, #tpu.memory_space<hbm>>
      tpu.wait_dma2 semaphore(%run_scoped3A : memref<!tpu.dma_semaphore, #tpu.memory_space<semaphore_mem>>) src(%dma_wait3A_25 : memref<632x128xf32, #tpu.memory_space<hbm>>) dst(%dma_wait3A_23 : memref<632x128xf32, #tpu.memory_space<vmem_shared>>)
      tpu.yield
    }) : () -> ()
    %barrier3A = arith.constant 0 : index
    tpu.barrier barrier_id(%barrier3A)
    %eq3A = arith.constant 0 : i32
    %eq3A_1 = arith.cmpi eq, %arg0, %eq3A : i32
    %convert_element_type3A = arith.extui %eq3A_1 : i1 to i32
    %cond3A = arith.constant 0 : i32
    %cond3A_2 = arith.cmpi ne, %convert_element_type3A, %cond3A : i32
    scf.if %cond3A_2 {
      %mul3A_20 = arith.constant 128 : i32
      %mul3A_21 = arith.muli %arg1, %mul3A_20 : i32
      %add3A = arith.constant 0 : i32
      %add3A_22 = arith.addi %mul3A_21, %add3A : i32
      "tpu.region"() ({
        %run_scoped3A = tpu.sem_alloc : memref<!tpu.dma_semaphore, #tpu.memory_space<semaphore_mem>>
        %dma_start3A_65 = arith.constant 0 : i32
        %dma_start3A_66 = arith.constant 0 : i32
        %dma_start3A_67 = tpu.memref_slice %arg7[%dma_start3A_65, %dma_start3A_66] : memref<64x128xi32, #tpu.memory_space<vmem>> -> memref<64x128xi32, #tpu.memory_space<vmem>>
        %dma_start3A_68 = arith.constant 0 : i32
        %dma_start3A_69 = tpu.memref_slice %arg2[%add3A_22, %dma_start3A_68] : memref<2560x128xi32, #tpu.memory_space<hbm>> -> memref<64x128xi32, #tpu.memory_space<hbm>>
        %dma_start3A_70 = arith.constant 0 : i32
        %dma_start3A_71 = arith.constant 0 : i32
        %dma_start3A_72 = tpu.memref_slice %arg7[%dma_start3A_70, %dma_start3A_71] : memref<64x128xi32, #tpu.memory_space<vmem>> -> memref<64x128xi32, #tpu.memory_space<vmem>>
        %dma_start3A_73 = arith.constant 0 : i32
        %dma_start3A_74 = tpu.memref_slice %arg2[%add3A_22, %dma_start3A_73] : memref<2560x128xi32, #tpu.memory_space<hbm>> -> memref<64x128xi32, #tpu.memory_space<hbm>>
        tpu.enqueue_dma source(%dma_start3A_74 : memref<64x128xi32, #tpu.memory_space<hbm>>) target(%dma_start3A_72 : memref<64x128xi32, #tpu.memory_space<vmem>>) target_semaphore(%run_scoped3A : memref<!tpu.dma_semaphore, #tpu.memory_space<semaphore_mem>>)
        %dma_wait3A = arith.constant 0 : i32
        %dma_wait3A_75 = arith.constant 0 : i32
        %dma_wait3A_76 = tpu.memref_slice %arg7[%dma_wait3A, %dma_wait3A_75] : memref<64x128xi32, #tpu.memory_space<vmem>> -> memref<64x128xi32, #tpu.memory_space<vmem>>
        %dma_wait3A_77 = arith.constant 0 : i32
        %dma_wait3A_78 = tpu.memref_slice %arg2[%add3A_22, %dma_wait3A_77] : memref<2560x128xi32, #tpu.memory_space<hbm>> -> memref<64x128xi32, #tpu.memory_space<hbm>>
        %dma_wait3A_79 = arith.constant 0 : i32
        %dma_wait3A_80 = arith.constant 0 : i32
        %dma_wait3A_81 = tpu.memref_slice %arg7[%dma_wait3A_79, %dma_wait3A_80] : memref<64x128xi32, #tpu.memory_space<vmem>> -> memref<64x128xi32, #tpu.memory_space<vmem>>
        %dma_wait3A_82 = arith.constant 0 : i32
        %dma_wait3A_83 = tpu.memref_slice %arg2[%add3A_22, %dma_wait3A_82] : memref<2560x128xi32, #tpu.memory_space<hbm>> -> memref<64x128xi32, #tpu.memory_space<hbm>>
        tpu.wait_dma2 semaphore(%run_scoped3A : memref<!tpu.dma_semaphore, #tpu.memory_space<semaphore_mem>>) src(%dma_wait3A_83 : memref<64x128xi32, #tpu.memory_space<hbm>>) dst(%dma_wait3A_81 : memref<64x128xi32, #tpu.memory_space<vmem>>)
        tpu.yield
      }) : () -> ()
      "tpu.region"() ({
        %run_scoped3A = tpu.sem_alloc : memref<!tpu.dma_semaphore, #tpu.memory_space<semaphore_mem>>
        %dma_start3A_65 = arith.constant 0 : i32
        %dma_start3A_66 = arith.constant 0 : i32
        %dma_start3A_67 = tpu.memref_slice %arg8[%dma_start3A_65, %dma_start3A_66] : memref<64x128xi32, #tpu.memory_space<vmem>> -> memref<64x128xi32, #tpu.memory_space<vmem>>
        %dma_start3A_68 = arith.constant 0 : i32
        %dma_start3A_69 = tpu.memref_slice %arg3[%add3A_22, %dma_start3A_68] : memref<2560x128xi32, #tpu.memory_space<hbm>> -> memref<64x128xi32, #tpu.memory_space<hbm>>
        %dma_start3A_70 = arith.constant 0 : i32
        %dma_start3A_71 = arith.constant 0 : i32
        %dma_start3A_72 = tpu.memref_slice %arg8[%dma_start3A_70, %dma_start3A_71] : memref<64x128xi32, #tpu.memory_space<vmem>> -> memref<64x128xi32, #tpu.memory_space<vmem>>
        %dma_start3A_73 = arith.constant 0 : i32
        %dma_start3A_74 = tpu.memref_slice %arg3[%add3A_22, %dma_start3A_73] : memref<2560x128xi32, #tpu.memory_space<hbm>> -> memref<64x128xi32, #tpu.memory_space<hbm>>
        tpu.enqueue_dma source(%dma_start3A_74 : memref<64x128xi32, #tpu.memory_space<hbm>>) target(%dma_start3A_72 : memref<64x128xi32, #tpu.memory_space<vmem>>) target_semaphore(%run_scoped3A : memref<!tpu.dma_semaphore, #tpu.memory_space<semaphore_mem>>)
        %dma_wait3A = arith.constant 0 : i32
        %dma_wait3A_75 = arith.constant 0 : i32
        %dma_wait3A_76 = tpu.memref_slice %arg8[%dma_wait3A, %dma_wait3A_75] : memref<64x128xi32, #tpu.memory_space<vmem>> -> memref<64x128xi32, #tpu.memory_space<vmem>>
        %dma_wait3A_77 = arith.constant 0 : i32
        %dma_wait3A_78 = tpu.memref_slice %arg3[%add3A_22, %dma_wait3A_77] : memref<2560x128xi32, #tpu.memory_space<hbm>> -> memref<64x128xi32, #tpu.memory_space<hbm>>
        %dma_wait3A_79 = arith.constant 0 : i32
        %dma_wait3A_80 = arith.constant 0 : i32
        %dma_wait3A_81 = tpu.memref_slice %arg8[%dma_wait3A_79, %dma_wait3A_80] : memref<64x128xi32, #tpu.memory_space<vmem>> -> memref<64x128xi32, #tpu.memory_space<vmem>>
        %dma_wait3A_82 = arith.constant 0 : i32
        %dma_wait3A_83 = tpu.memref_slice %arg3[%add3A_22, %dma_wait3A_82] : memref<2560x128xi32, #tpu.memory_space<hbm>> -> memref<64x128xi32, #tpu.memory_space<hbm>>
        tpu.wait_dma2 semaphore(%run_scoped3A : memref<!tpu.dma_semaphore, #tpu.memory_space<semaphore_mem>>) src(%dma_wait3A_83 : memref<64x128xi32, #tpu.memory_space<hbm>>) dst(%dma_wait3A_81 : memref<64x128xi32, #tpu.memory_space<vmem>>)
        tpu.yield
      }) : () -> ()
      %dma_start3A = arith.constant 0 : i32
      %dma_start3A_23 = arith.constant 0 : i32
      %dma_start3A_24 = tpu.memref_slice %arg7[%dma_start3A, %dma_start3A_23] : memref<64x128xi32, #tpu.memory_space<vmem>> -> memref<1x128xi32, #tpu.memory_space<vmem>>
      %dma_start3A_25 = tpu.memref_squeeze %dma_start3A_24 : memref<1x128xi32, #tpu.memory_space<vmem>> -> memref<128xi32, #tpu.memory_space<vmem>>
      %dma_start3A_26 = arith.constant 0 : i32
      %dma_start3A_27 = arith.constant 0 : i32
      %dma_start3A_28 = tpu.memref_slice %arg4[%dma_start3A_26, %dma_start3A_27] : memref<10000x128xf32, #tpu.memory_space<hbm>> -> memref<10000x128xf32, #tpu.memory_space<hbm>>
      tpu.enqueue_indirect_dma source(%dma_start3A_28 : memref<10000x128xf32, #tpu.memory_space<hbm>>) target(%arg9 : memref<128x128xf32, #tpu.memory_space<vmem>>) offsets(%dma_start3A_25 : memref<128xi32, #tpu.memory_space<vmem>>) semaphore(%arg12 : memref<!tpu.dma_semaphore, #tpu.memory_space<semaphore_mem>>)
      %dma_start3A_29 = arith.constant 1 : i32
      %dma_start3A_30 = arith.constant 0 : i32
      %dma_start3A_31 = tpu.memref_slice %arg7[%dma_start3A_29, %dma_start3A_30] : memref<64x128xi32, #tpu.memory_space<vmem>> -> memref<1x128xi32, #tpu.memory_space<vmem>>
      %dma_start3A_32 = tpu.memref_squeeze %dma_start3A_31 : memref<1x128xi32, #tpu.memory_space<vmem>> -> memref<128xi32, #tpu.memory_space<vmem>>
      %dma_start3A_33 = arith.constant 0 : i32
      %dma_start3A_34 = arith.constant 0 : i32
      %dma_start3A_35 = tpu.memref_slice %arg4[%dma_start3A_33, %dma_start3A_34] : memref<10000x128xf32, #tpu.memory_space<hbm>> -> memref<10000x128xf32, #tpu.memory_space<hbm>>
      tpu.enqueue_indirect_dma source(%dma_start3A_35 : memref<10000x128xf32, #tpu.memory_space<hbm>>) target(%arg10 : memref<128x128xf32, #tpu.memory_space<vmem>>) offsets(%dma_start3A_32 : memref<128xi32, #tpu.memory_space<vmem>>) semaphore(%arg13 : memref<!tpu.dma_semaphore, #tpu.memory_space<semaphore_mem>>)
      %scan3A = arith.constant 0 : i32
      %scan3A_36 = arith.constant 0 : i32
      %scan3A_37 = arith.constant 32 : i32
      %scan3A_38 = arith.addi %scan3A_36, %scan3A_37 : i32
      %scan3A_39 = arith.constant 1 : i32
      scf.for %scan3A_65 = %scan3A_36 to %scan3A_38 step %scan3A_39  : i32 {
        %mul3A_66 = arith.constant 2 : i32
        %mul3A_67 = arith.muli %mul3A_66, %scan3A_65 : i32
        %add3A_68 = arith.constant 1 : i32
        %add3A_69 = arith.addi %mul3A_67, %add3A_68 : i32
        %dma_wait3A = arith.constant 0 : i32
        %dma_wait3A_70 = tpu.memref_slice %arg7[%mul3A_67, %dma_wait3A] : memref<64x128xi32, #tpu.memory_space<vmem>> -> memref<1x128xi32, #tpu.memory_space<vmem>>
        %dma_wait3A_71 = tpu.memref_squeeze %dma_wait3A_70 : memref<1x128xi32, #tpu.memory_space<vmem>> -> memref<128xi32, #tpu.memory_space<vmem>>
        %dma_wait3A_72 = arith.constant 0 : i32
        %dma_wait3A_73 = arith.constant 0 : i32
        %dma_wait3A_74 = tpu.memref_slice %arg4[%dma_wait3A_72, %dma_wait3A_73] : memref<10000x128xf32, #tpu.memory_space<hbm>> -> memref<10000x128xf32, #tpu.memory_space<hbm>>
        tpu.wait_indirect_dma semaphore(%arg12 : memref<!tpu.dma_semaphore, #tpu.memory_space<semaphore_mem>>) src(%dma_wait3A_74 : memref<10000x128xf32, #tpu.memory_space<hbm>>) dst(%arg9 : memref<128x128xf32, #tpu.memory_space<vmem>>)
        %dma_start3A_75 = arith.constant 0 : i32
        %dma_start3A_76 = tpu.memref_slice %arg8[%mul3A_67, %dma_start3A_75] : memref<64x128xi32, #tpu.memory_space<vmem>> -> memref<1x128xi32, #tpu.memory_space<vmem>>
        %dma_start3A_77 = tpu.memref_squeeze %dma_start3A_76 : memref<1x128xi32, #tpu.memory_space<vmem>> -> memref<128xi32, #tpu.memory_space<vmem>>
        %dma_start3A_78 = arith.constant 0 : i32
        %dma_start3A_79 = arith.constant 0 : i32
        %dma_start3A_80 = tpu.memref_slice %arg11[%dma_start3A_78, %dma_start3A_79] : memref<10112x128xf32, #tpu.memory_space<vmem_shared>> -> memref<10112x128xf32, #tpu.memory_space<vmem_shared>>
        tpu.enqueue_indirect_dma source(%arg9 : memref<128x128xf32, #tpu.memory_space<vmem>>) target(%dma_start3A_80 : memref<10112x128xf32, #tpu.memory_space<vmem_shared>>) offsets(%dma_start3A_77 : memref<128xi32, #tpu.memory_space<vmem>>) semaphore(%arg14 : memref<!tpu.dma_semaphore, #tpu.memory_space<semaphore_mem>>) {add = true}
        %dma_wait3A_81 = arith.constant 0 : i32
        %dma_wait3A_82 = tpu.memref_slice %arg7[%add3A_69, %dma_wait3A_81] : memref<64x128xi32, #tpu.memory_space<vmem>> -> memref<1x128xi32, #tpu.memory_space<vmem>>
        %dma_wait3A_83 = tpu.memref_squeeze %dma_wait3A_82 : memref<1x128xi32, #tpu.memory_space<vmem>> -> memref<128xi32, #tpu.memory_space<vmem>>
        %dma_wait3A_84 = arith.constant 0 : i32
        %dma_wait3A_85 = arith.constant 0 : i32
        %dma_wait3A_86 = tpu.memref_slice %arg4[%dma_wait3A_84, %dma_wait3A_85] : memref<10000x128xf32, #tpu.memory_space<hbm>> -> memref<10000x128xf32, #tpu.memory_space<hbm>>
        tpu.wait_indirect_dma semaphore(%arg13 : memref<!tpu.dma_semaphore, #tpu.memory_space<semaphore_mem>>) src(%dma_wait3A_86 : memref<10000x128xf32, #tpu.memory_space<hbm>>) dst(%arg10 : memref<128x128xf32, #tpu.memory_space<vmem>>)
        %dma_start3A_87 = arith.constant 0 : i32
        %dma_start3A_88 = tpu.memref_slice %arg8[%add3A_69, %dma_start3A_87] : memref<64x128xi32, #tpu.memory_space<vmem>> -> memref<1x128xi32, #tpu.memory_space<vmem>>
        %dma_start3A_89 = tpu.memref_squeeze %dma_start3A_88 : memref<1x128xi32, #tpu.memory_space<vmem>> -> memref<128xi32, #tpu.memory_space<vmem>>
        %dma_start3A_90 = arith.constant 0 : i32
        %dma_start3A_91 = arith.constant 0 : i32
        %dma_start3A_92 = tpu.memref_slice %arg11[%dma_start3A_90, %dma_start3A_91] : memref<10112x128xf32, #tpu.memory_space<vmem_shared>> -> memref<10112x128xf32, #tpu.memory_space<vmem_shared>>
        tpu.enqueue_indirect_dma source(%arg10 : memref<128x128xf32, #tpu.memory_space<vmem>>) target(%dma_start3A_92 : memref<10112x128xf32, #tpu.memory_space<vmem_shared>>) offsets(%dma_start3A_89 : memref<128xi32, #tpu.memory_space<vmem>>) semaphore(%arg15 : memref<!tpu.dma_semaphore, #tpu.memory_space<semaphore_mem>>) {add = true}
        %dma_wait3A_93 = arith.constant 0 : i32
        %dma_wait3A_94 = tpu.memref_slice %arg8[%mul3A_67, %dma_wait3A_93] : memref<64x128xi32, #tpu.memory_space<vmem>> -> memref<1x128xi32, #tpu.memory_space<vmem>>
        %dma_wait3A_95 = tpu.memref_squeeze %dma_wait3A_94 : memref<1x128xi32, #tpu.memory_space<vmem>> -> memref<128xi32, #tpu.memory_space<vmem>>
        %dma_wait3A_96 = arith.constant 0 : i32
        %dma_wait3A_97 = arith.constant 0 : i32
        %dma_wait3A_98 = tpu.memref_slice %arg11[%dma_wait3A_96, %dma_wait3A_97] : memref<10112x128xf32, #tpu.memory_space<vmem_shared>> -> memref<10112x128xf32, #tpu.memory_space<vmem_shared>>
        tpu.wait_indirect_dma semaphore(%arg14 : memref<!tpu.dma_semaphore, #tpu.memory_space<semaphore_mem>>) src(%arg9 : memref<128x128xf32, #tpu.memory_space<vmem>>) dst(%dma_wait3A_98 : memref<10112x128xf32, #tpu.memory_space<vmem_shared>>)
        %lt3A_99 = arith.constant 31 : i32
        %lt3A_100 = arith.cmpi slt, %scan3A_65, %lt3A_99 : i32
        %convert_element_type3A_101 = arith.extui %lt3A_100 : i1 to i32
        %cond3A_102 = arith.constant 0 : i32
        %cond3A_103 = arith.cmpi ne, %convert_element_type3A_101, %cond3A_102 : i32
        scf.if %cond3A_103 {
          %add3A_115 = arith.constant 2 : i32
          %add3A_116 = arith.addi %mul3A_67, %add3A_115 : i32
          %dma_start3A_117 = arith.constant 0 : i32
          %dma_start3A_118 = tpu.memref_slice %arg7[%add3A_116, %dma_start3A_117] : memref<64x128xi32, #tpu.memory_space<vmem>> -> memref<1x128xi32, #tpu.memory_space<vmem>>
          %dma_start3A_119 = tpu.memref_squeeze %dma_start3A_118 : memref<1x128xi32, #tpu.memory_space<vmem>> -> memref<128xi32, #tpu.memory_space<vmem>>
          %dma_start3A_120 = arith.constant 0 : i32
          %dma_start3A_121 = arith.constant 0 : i32
          %dma_start3A_122 = tpu.memref_slice %arg4[%dma_start3A_120, %dma_start3A_121] : memref<10000x128xf32, #tpu.memory_space<hbm>> -> memref<10000x128xf32, #tpu.memory_space<hbm>>
          tpu.enqueue_indirect_dma source(%dma_start3A_122 : memref<10000x128xf32, #tpu.memory_space<hbm>>) target(%arg9 : memref<128x128xf32, #tpu.memory_space<vmem>>) offsets(%dma_start3A_119 : memref<128xi32, #tpu.memory_space<vmem>>) semaphore(%arg12 : memref<!tpu.dma_semaphore, #tpu.memory_space<semaphore_mem>>)
        } else {
        }
        %dma_wait3A_104 = arith.constant 0 : i32
        %dma_wait3A_105 = tpu.memref_slice %arg8[%add3A_69, %dma_wait3A_104] : memref<64x128xi32, #tpu.memory_space<vmem>> -> memref<1x128xi32, #tpu.memory_space<vmem>>
        %dma_wait3A_106 = tpu.memref_squeeze %dma_wait3A_105 : memref<1x128xi32, #tpu.memory_space<vmem>> -> memref<128xi32, #tpu.memory_space<vmem>>
        %dma_wait3A_107 = arith.constant 0 : i32
        %dma_wait3A_108 = arith.constant 0 : i32
        %dma_wait3A_109 = tpu.memref_slice %arg11[%dma_wait3A_107, %dma_wait3A_108] : memref<10112x128xf32, #tpu.memory_space<vmem_shared>> -> memref<10112x128xf32, #tpu.memory_space<vmem_shared>>
        tpu.wait_indirect_dma semaphore(%arg15 : memref<!tpu.dma_semaphore, #tpu.memory_space<semaphore_mem>>) src(%arg10 : memref<128x128xf32, #tpu.memory_space<vmem>>) dst(%dma_wait3A_109 : memref<10112x128xf32, #tpu.memory_space<vmem_shared>>)
        %lt3A_110 = arith.constant 31 : i32
        %lt3A_111 = arith.cmpi slt, %scan3A_65, %lt3A_110 : i32
        %convert_element_type3A_112 = arith.extui %lt3A_111 : i1 to i32
        %cond3A_113 = arith.constant 0 : i32
        %cond3A_114 = arith.cmpi ne, %convert_element_type3A_112, %cond3A_113 : i32
        scf.if %cond3A_114 {
          %add3A_115 = arith.constant 2 : i32
          %add3A_116 = arith.addi %add3A_69, %add3A_115 : i32
          %dma_start3A_117 = arith.constant 0 : i32
          %dma_start3A_118 = tpu.memref_slice %arg7[%add3A_116, %dma_start3A_117] : memref<64x128xi32, #tpu.memory_space<vmem>> -> memref<1x128xi32, #tpu.memory_space<vmem>>
          %dma_start3A_119 = tpu.memref_squeeze %dma_start3A_118 : memref<1x128xi32, #tpu.memory_space<vmem>> -> memref<128xi32, #tpu.memory_space<vmem>>
          %dma_start3A_120 = arith.constant 0 : i32
          %dma_start3A_121 = arith.constant 0 : i32
          %dma_start3A_122 = tpu.memref_slice %arg4[%dma_start3A_120, %dma_start3A_121] : memref<10000x128xf32, #tpu.memory_space<hbm>> -> memref<10000x128xf32, #tpu.memory_space<hbm>>
          tpu.enqueue_indirect_dma source(%dma_start3A_122 : memref<10000x128xf32, #tpu.memory_space<hbm>>) target(%arg10 : memref<128x128xf32, #tpu.memory_space<vmem>>) offsets(%dma_start3A_119 : memref<128xi32, #tpu.memory_space<vmem>>) semaphore(%arg13 : memref<!tpu.dma_semaphore, #tpu.memory_space<semaphore_mem>>)
        } else {
        }
      }
      %scan3A_40 = arith.constant 32 : i32
      %mul3A_41 = arith.constant 128 : i32
      %mul3A_42 = arith.muli %arg1, %mul3A_41 : i32
      %add3A_43 = arith.constant 64 : i32
      %add3A_44 = arith.addi %mul3A_42, %add3A_43 : i32
      "tpu.region"() ({
        %run_scoped3A = tpu.sem_alloc : memref<!tpu.dma_semaphore, #tpu.memory_space<semaphore_mem>>
        %dma_start3A_65 = arith.constant 0 : i32
        %dma_start3A_66 = arith.constant 0 : i32
        %dma_start3A_67 = tpu.memref_slice %arg7[%dma_start3A_65, %dma_start3A_66] : memref<64x128xi32, #tpu.memory_space<vmem>> -> memref<64x128xi32, #tpu.memory_space<vmem>>
        %dma_start3A_68 = arith.constant 0 : i32
        %dma_start3A_69 = tpu.memref_slice %arg2[%add3A_44, %dma_start3A_68] : memref<2560x128xi32, #tpu.memory_space<hbm>> -> memref<64x128xi32, #tpu.memory_space<hbm>>
        %dma_start3A_70 = arith.constant 0 : i32
        %dma_start3A_71 = arith.constant 0 : i32
        %dma_start3A_72 = tpu.memref_slice %arg7[%dma_start3A_70, %dma_start3A_71] : memref<64x128xi32, #tpu.memory_space<vmem>> -> memref<64x128xi32, #tpu.memory_space<vmem>>
        %dma_start3A_73 = arith.constant 0 : i32
        %dma_start3A_74 = tpu.memref_slice %arg2[%add3A_44, %dma_start3A_73] : memref<2560x128xi32, #tpu.memory_space<hbm>> -> memref<64x128xi32, #tpu.memory_space<hbm>>
        tpu.enqueue_dma source(%dma_start3A_74 : memref<64x128xi32, #tpu.memory_space<hbm>>) target(%dma_start3A_72 : memref<64x128xi32, #tpu.memory_space<vmem>>) target_semaphore(%run_scoped3A : memref<!tpu.dma_semaphore, #tpu.memory_space<semaphore_mem>>)
        %dma_wait3A = arith.constant 0 : i32
        %dma_wait3A_75 = arith.constant 0 : i32
        %dma_wait3A_76 = tpu.memref_slice %arg7[%dma_wait3A, %dma_wait3A_75] : memref<64x128xi32, #tpu.memory_space<vmem>> -> memref<64x128xi32, #tpu.memory_space<vmem>>
        %dma_wait3A_77 = arith.constant 0 : i32
        %dma_wait3A_78 = tpu.memref_slice %arg2[%add3A_44, %dma_wait3A_77] : memref<2560x128xi32, #tpu.memory_space<hbm>> -> memref<64x128xi32, #tpu.memory_space<hbm>>
        %dma_wait3A_79 = arith.constant 0 : i32
        %dma_wait3A_80 = arith.constant 0 : i32
        %dma_wait3A_81 = tpu.memref_slice %arg7[%dma_wait3A_79, %dma_wait3A_80] : memref<64x128xi32, #tpu.memory_space<vmem>> -> memref<64x128xi32, #tpu.memory_space<vmem>>
        %dma_wait3A_82 = arith.constant 0 : i32
        %dma_wait3A_83 = tpu.memref_slice %arg2[%add3A_44, %dma_wait3A_82] : memref<2560x128xi32, #tpu.memory_space<hbm>> -> memref<64x128xi32, #tpu.memory_space<hbm>>
        tpu.wait_dma2 semaphore(%run_scoped3A : memref<!tpu.dma_semaphore, #tpu.memory_space<semaphore_mem>>) src(%dma_wait3A_83 : memref<64x128xi32, #tpu.memory_space<hbm>>) dst(%dma_wait3A_81 : memref<64x128xi32, #tpu.memory_space<vmem>>)
        tpu.yield
      }) : () -> ()
      "tpu.region"() ({
        %run_scoped3A = tpu.sem_alloc : memref<!tpu.dma_semaphore, #tpu.memory_space<semaphore_mem>>
        %dma_start3A_65 = arith.constant 0 : i32
        %dma_start3A_66 = arith.constant 0 : i32
        %dma_start3A_67 = tpu.memref_slice %arg8[%dma_start3A_65, %dma_start3A_66] : memref<64x128xi32, #tpu.memory_space<vmem>> -> memref<64x128xi32, #tpu.memory_space<vmem>>
        %dma_start3A_68 = arith.constant 0 : i32
        %dma_start3A_69 = tpu.memref_slice %arg3[%add3A_44, %dma_start3A_68] : memref<2560x128xi32, #tpu.memory_space<hbm>> -> memref<64x128xi32, #tpu.memory_space<hbm>>
        %dma_start3A_70 = arith.constant 0 : i32
        %dma_start3A_71 = arith.constant 0 : i32
        %dma_start3A_72 = tpu.memref_slice %arg8[%dma_start3A_70, %dma_start3A_71] : memref<64x128xi32, #tpu.memory_space<vmem>> -> memref<64x128xi32, #tpu.memory_space<vmem>>
        %dma_start3A_73 = arith.constant 0 : i32
        %dma_start3A_74 = tpu.memref_slice %arg3[%add3A_44, %dma_start3A_73] : memref<2560x128xi32, #tpu.memory_space<hbm>> -> memref<64x128xi32, #tpu.memory_space<hbm>>
        tpu.enqueue_dma source(%dma_start3A_74 : memref<64x128xi32, #tpu.memory_space<hbm>>) target(%dma_start3A_72 : memref<64x128xi32, #tpu.memory_space<vmem>>) target_semaphore(%run_scoped3A : memref<!tpu.dma_semaphore, #tpu.memory_space<semaphore_mem>>)
        %dma_wait3A = arith.constant 0 : i32
        %dma_wait3A_75 = arith.constant 0 : i32
        %dma_wait3A_76 = tpu.memref_slice %arg8[%dma_wait3A, %dma_wait3A_75] : memref<64x128xi32, #tpu.memory_space<vmem>> -> memref<64x128xi32, #tpu.memory_space<vmem>>
        %dma_wait3A_77 = arith.constant 0 : i32
        %dma_wait3A_78 = tpu.memref_slice %arg3[%add3A_44, %dma_wait3A_77] : memref<2560x128xi32, #tpu.memory_space<hbm>> -> memref<64x128xi32, #tpu.memory_space<hbm>>
        %dma_wait3A_79 = arith.constant 0 : i32
        %dma_wait3A_80 = arith.constant 0 : i32
        %dma_wait3A_81 = tpu.memref_slice %arg8[%dma_wait3A_79, %dma_wait3A_80] : memref<64x128xi32, #tpu.memory_space<vmem>> -> memref<64x128xi32, #tpu.memory_space<vmem>>
        %dma_wait3A_82 = arith.constant 0 : i32
        %dma_wait3A_83 = tpu.memref_slice %arg3[%add3A_44, %dma_wait3A_82] : memref<2560x128xi32, #tpu.memory_space<hbm>> -> memref<64x128xi32, #tpu.memory_space<hbm>>
        tpu.wait_dma2 semaphore(%run_scoped3A : memref<!tpu.dma_semaphore, #tpu.memory_space<semaphore_mem>>) src(%dma_wait3A_83 : memref<64x128xi32, #tpu.memory_space<hbm>>) dst(%dma_wait3A_81 : memref<64x128xi32, #tpu.memory_space<vmem>>)
        tpu.yield
      }) : () -> ()
      %dma_start3A_45 = arith.constant 0 : i32
      %dma_start3A_46 = arith.constant 0 : i32
      %dma_start3A_47 = tpu.memref_slice %arg7[%dma_start3A_45, %dma_start3A_46] : memref<64x128xi32, #tpu.memory_space<vmem>> -> memref<1x128xi32, #tpu.memory_space<vmem>>
      %dma_start3A_48 = tpu.memref_squeeze %dma_start3A_47 : memref<1x128xi32, #tpu.memory_space<vmem>> -> memref<128xi32, #tpu.memory_space<vmem>>
      %dma_start3A_49 = arith.constant 0 : i32
      %dma_start3A_50 = arith.constant 0 : i32
      %dma_start3A_51 = tpu.memref_slice %arg4[%dma_start3A_49, %dma_start3A_50] : memref<10000x128xf32, #tpu.memory_space<hbm>> -> memref<10000x128xf32, #tpu.memory_space<hbm>>
      tpu.enqueue_indirect_dma source(%dma_start3A_51 : memref<10000x128xf32, #tpu.memory_space<hbm>>) target(%arg9 : memref<128x128xf32, #tpu.memory_space<vmem>>) offsets(%dma_start3A_48 : memref<128xi32, #tpu.memory_space<vmem>>) semaphore(%arg12 : memref<!tpu.dma_semaphore, #tpu.memory_space<semaphore_mem>>)
      %dma_start3A_52 = arith.constant 1 : i32
      %dma_start3A_53 = arith.constant 0 : i32
      %dma_start3A_54 = tpu.memref_slice %arg7[%dma_start3A_52, %dma_start3A_53] : memref<64x128xi32, #tpu.memory_space<vmem>> -> memref<1x128xi32, #tpu.memory_space<vmem>>
      %dma_start3A_55 = tpu.memref_squeeze %dma_start3A_54 : memref<1x128xi32, #tpu.memory_space<vmem>> -> memref<128xi32, #tpu.memory_space<vmem>>
      %dma_start3A_56 = arith.constant 0 : i32
      %dma_start3A_57 = arith.constant 0 : i32
      %dma_start3A_58 = tpu.memref_slice %arg4[%dma_start3A_56, %dma_start3A_57] : memref<10000x128xf32, #tpu.memory_space<hbm>> -> memref<10000x128xf32, #tpu.memory_space<hbm>>
      tpu.enqueue_indirect_dma source(%dma_start3A_58 : memref<10000x128xf32, #tpu.memory_space<hbm>>) target(%arg10 : memref<128x128xf32, #tpu.memory_space<vmem>>) offsets(%dma_start3A_55 : memref<128xi32, #tpu.memory_space<vmem>>) semaphore(%arg13 : memref<!tpu.dma_semaphore, #tpu.memory_space<semaphore_mem>>)
      %scan3A_59 = arith.constant 0 : i32
      %scan3A_60 = arith.constant 0 : i32
      %scan3A_61 = arith.constant 32 : i32
      %scan3A_62 = arith.addi %scan3A_60, %scan3A_61 : i32
      %scan3A_63 = arith.constant 1 : i32
      scf.for %scan3A_65 = %scan3A_60 to %scan3A_62 step %scan3A_63  : i32 {
        %mul3A_66 = arith.constant 2 : i32
        %mul3A_67 = arith.muli %mul3A_66, %scan3A_65 : i32
        %add3A_68 = arith.constant 1 : i32
        %add3A_69 = arith.addi %mul3A_67, %add3A_68 : i32
        %dma_wait3A = arith.constant 0 : i32
        %dma_wait3A_70 = tpu.memref_slice %arg7[%mul3A_67, %dma_wait3A] : memref<64x128xi32, #tpu.memory_space<vmem>> -> memref<1x128xi32, #tpu.memory_space<vmem>>
        %dma_wait3A_71 = tpu.memref_squeeze %dma_wait3A_70 : memref<1x128xi32, #tpu.memory_space<vmem>> -> memref<128xi32, #tpu.memory_space<vmem>>
        %dma_wait3A_72 = arith.constant 0 : i32
        %dma_wait3A_73 = arith.constant 0 : i32
        %dma_wait3A_74 = tpu.memref_slice %arg4[%dma_wait3A_72, %dma_wait3A_73] : memref<10000x128xf32, #tpu.memory_space<hbm>> -> memref<10000x128xf32, #tpu.memory_space<hbm>>
        tpu.wait_indirect_dma semaphore(%arg12 : memref<!tpu.dma_semaphore, #tpu.memory_space<semaphore_mem>>) src(%dma_wait3A_74 : memref<10000x128xf32, #tpu.memory_space<hbm>>) dst(%arg9 : memref<128x128xf32, #tpu.memory_space<vmem>>)
        %dma_start3A_75 = arith.constant 0 : i32
        %dma_start3A_76 = tpu.memref_slice %arg8[%mul3A_67, %dma_start3A_75] : memref<64x128xi32, #tpu.memory_space<vmem>> -> memref<1x128xi32, #tpu.memory_space<vmem>>
        %dma_start3A_77 = tpu.memref_squeeze %dma_start3A_76 : memref<1x128xi32, #tpu.memory_space<vmem>> -> memref<128xi32, #tpu.memory_space<vmem>>
        %dma_start3A_78 = arith.constant 0 : i32
        %dma_start3A_79 = arith.constant 0 : i32
        %dma_start3A_80 = tpu.memref_slice %arg11[%dma_start3A_78, %dma_start3A_79] : memref<10112x128xf32, #tpu.memory_space<vmem_shared>> -> memref<10112x128xf32, #tpu.memory_space<vmem_shared>>
        tpu.enqueue_indirect_dma source(%arg9 : memref<128x128xf32, #tpu.memory_space<vmem>>) target(%dma_start3A_80 : memref<10112x128xf32, #tpu.memory_space<vmem_shared>>) offsets(%dma_start3A_77 : memref<128xi32, #tpu.memory_space<vmem>>) semaphore(%arg14 : memref<!tpu.dma_semaphore, #tpu.memory_space<semaphore_mem>>) {add = true}
        %dma_wait3A_81 = arith.constant 0 : i32
        %dma_wait3A_82 = tpu.memref_slice %arg7[%add3A_69, %dma_wait3A_81] : memref<64x128xi32, #tpu.memory_space<vmem>> -> memref<1x128xi32, #tpu.memory_space<vmem>>
        %dma_wait3A_83 = tpu.memref_squeeze %dma_wait3A_82 : memref<1x128xi32, #tpu.memory_space<vmem>> -> memref<128xi32, #tpu.memory_space<vmem>>
        %dma_wait3A_84 = arith.constant 0 : i32
        %dma_wait3A_85 = arith.constant 0 : i32
        %dma_wait3A_86 = tpu.memref_slice %arg4[%dma_wait3A_84, %dma_wait3A_85] : memref<10000x128xf32, #tpu.memory_space<hbm>> -> memref<10000x128xf32, #tpu.memory_space<hbm>>
        tpu.wait_indirect_dma semaphore(%arg13 : memref<!tpu.dma_semaphore, #tpu.memory_space<semaphore_mem>>) src(%dma_wait3A_86 : memref<10000x128xf32, #tpu.memory_space<hbm>>) dst(%arg10 : memref<128x128xf32, #tpu.memory_space<vmem>>)
        %dma_start3A_87 = arith.constant 0 : i32
        %dma_start3A_88 = tpu.memref_slice %arg8[%add3A_69, %dma_start3A_87] : memref<64x128xi32, #tpu.memory_space<vmem>> -> memref<1x128xi32, #tpu.memory_space<vmem>>
        %dma_start3A_89 = tpu.memref_squeeze %dma_start3A_88 : memref<1x128xi32, #tpu.memory_space<vmem>> -> memref<128xi32, #tpu.memory_space<vmem>>
        %dma_start3A_90 = arith.constant 0 : i32
        %dma_start3A_91 = arith.constant 0 : i32
        %dma_start3A_92 = tpu.memref_slice %arg11[%dma_start3A_90, %dma_start3A_91] : memref<10112x128xf32, #tpu.memory_space<vmem_shared>> -> memref<10112x128xf32, #tpu.memory_space<vmem_shared>>
        tpu.enqueue_indirect_dma source(%arg10 : memref<128x128xf32, #tpu.memory_space<vmem>>) target(%dma_start3A_92 : memref<10112x128xf32, #tpu.memory_space<vmem_shared>>) offsets(%dma_start3A_89 : memref<128xi32, #tpu.memory_space<vmem>>) semaphore(%arg15 : memref<!tpu.dma_semaphore, #tpu.memory_space<semaphore_mem>>) {add = true}
        %dma_wait3A_93 = arith.constant 0 : i32
        %dma_wait3A_94 = tpu.memref_slice %arg8[%mul3A_67, %dma_wait3A_93] : memref<64x128xi32, #tpu.memory_space<vmem>> -> memref<1x128xi32, #tpu.memory_space<vmem>>
        %dma_wait3A_95 = tpu.memref_squeeze %dma_wait3A_94 : memref<1x128xi32, #tpu.memory_space<vmem>> -> memref<128xi32, #tpu.memory_space<vmem>>
        %dma_wait3A_96 = arith.constant 0 : i32
        %dma_wait3A_97 = arith.constant 0 : i32
        %dma_wait3A_98 = tpu.memref_slice %arg11[%dma_wait3A_96, %dma_wait3A_97] : memref<10112x128xf32, #tpu.memory_space<vmem_shared>> -> memref<10112x128xf32, #tpu.memory_space<vmem_shared>>
        tpu.wait_indirect_dma semaphore(%arg14 : memref<!tpu.dma_semaphore, #tpu.memory_space<semaphore_mem>>) src(%arg9 : memref<128x128xf32, #tpu.memory_space<vmem>>) dst(%dma_wait3A_98 : memref<10112x128xf32, #tpu.memory_space<vmem_shared>>)
        %lt3A_99 = arith.constant 31 : i32
        %lt3A_100 = arith.cmpi slt, %scan3A_65, %lt3A_99 : i32
        %convert_element_type3A_101 = arith.extui %lt3A_100 : i1 to i32
        %cond3A_102 = arith.constant 0 : i32
        %cond3A_103 = arith.cmpi ne, %convert_element_type3A_101, %cond3A_102 : i32
        scf.if %cond3A_103 {
          %add3A_115 = arith.constant 2 : i32
          %add3A_116 = arith.addi %mul3A_67, %add3A_115 : i32
          %dma_start3A_117 = arith.constant 0 : i32
          %dma_start3A_118 = tpu.memref_slice %arg7[%add3A_116, %dma_start3A_117] : memref<64x128xi32, #tpu.memory_space<vmem>> -> memref<1x128xi32, #tpu.memory_space<vmem>>
          %dma_start3A_119 = tpu.memref_squeeze %dma_start3A_118 : memref<1x128xi32, #tpu.memory_space<vmem>> -> memref<128xi32, #tpu.memory_space<vmem>>
          %dma_start3A_120 = arith.constant 0 : i32
          %dma_start3A_121 = arith.constant 0 : i32
          %dma_start3A_122 = tpu.memref_slice %arg4[%dma_start3A_120, %dma_start3A_121] : memref<10000x128xf32, #tpu.memory_space<hbm>> -> memref<10000x128xf32, #tpu.memory_space<hbm>>
          tpu.enqueue_indirect_dma source(%dma_start3A_122 : memref<10000x128xf32, #tpu.memory_space<hbm>>) target(%arg9 : memref<128x128xf32, #tpu.memory_space<vmem>>) offsets(%dma_start3A_119 : memref<128xi32, #tpu.memory_space<vmem>>) semaphore(%arg12 : memref<!tpu.dma_semaphore, #tpu.memory_space<semaphore_mem>>)
        } else {
        }
        %dma_wait3A_104 = arith.constant 0 : i32
        %dma_wait3A_105 = tpu.memref_slice %arg8[%add3A_69, %dma_wait3A_104] : memref<64x128xi32, #tpu.memory_space<vmem>> -> memref<1x128xi32, #tpu.memory_space<vmem>>
        %dma_wait3A_106 = tpu.memref_squeeze %dma_wait3A_105 : memref<1x128xi32, #tpu.memory_space<vmem>> -> memref<128xi32, #tpu.memory_space<vmem>>
        %dma_wait3A_107 = arith.constant 0 : i32
        %dma_wait3A_108 = arith.constant 0 : i32
        %dma_wait3A_109 = tpu.memref_slice %arg11[%dma_wait3A_107, %dma_wait3A_108] : memref<10112x128xf32, #tpu.memory_space<vmem_shared>> -> memref<10112x128xf32, #tpu.memory_space<vmem_shared>>
        tpu.wait_indirect_dma semaphore(%arg15 : memref<!tpu.dma_semaphore, #tpu.memory_space<semaphore_mem>>) src(%arg10 : memref<128x128xf32, #tpu.memory_space<vmem>>) dst(%dma_wait3A_109 : memref<10112x128xf32, #tpu.memory_space<vmem_shared>>)
        %lt3A_110 = arith.constant 31 : i32
        %lt3A_111 = arith.cmpi slt, %scan3A_65, %lt3A_110 : i32
        %convert_element_type3A_112 = arith.extui %lt3A_111 : i1 to i32
        %cond3A_113 = arith.constant 0 : i32
        %cond3A_114 = arith.cmpi ne, %convert_element_type3A_112, %cond3A_113 : i32
        scf.if %cond3A_114 {
          %add3A_115 = arith.constant 2 : i32
          %add3A_116 = arith.addi %add3A_69, %add3A_115 : i32
          %dma_start3A_117 = arith.constant 0 : i32
          %dma_start3A_118 = tpu.memref_slice %arg7[%add3A_116, %dma_start3A_117] : memref<64x128xi32, #tpu.memory_space<vmem>> -> memref<1x128xi32, #tpu.memory_space<vmem>>
          %dma_start3A_119 = tpu.memref_squeeze %dma_start3A_118 : memref<1x128xi32, #tpu.memory_space<vmem>> -> memref<128xi32, #tpu.memory_space<vmem>>
          %dma_start3A_120 = arith.constant 0 : i32
          %dma_start3A_121 = arith.constant 0 : i32
          %dma_start3A_122 = tpu.memref_slice %arg4[%dma_start3A_120, %dma_start3A_121] : memref<10000x128xf32, #tpu.memory_space<hbm>> -> memref<10000x128xf32, #tpu.memory_space<hbm>>
          tpu.enqueue_indirect_dma source(%dma_start3A_122 : memref<10000x128xf32, #tpu.memory_space<hbm>>) target(%arg10 : memref<128x128xf32, #tpu.memory_space<vmem>>) offsets(%dma_start3A_119 : memref<128xi32, #tpu.memory_space<vmem>>) semaphore(%arg13 : memref<!tpu.dma_semaphore, #tpu.memory_space<semaphore_mem>>)
        } else {
        }
      }
      %scan3A_64 = arith.constant 32 : i32
    } else {
    }
    %eq3A_3 = arith.constant 1 : i32
    %eq3A_4 = arith.cmpi eq, %arg0, %eq3A_3 : i32
    %convert_element_type3A_5 = arith.extui %eq3A_4 : i1 to i32
    %cond3A_6 = arith.constant 0 : i32
    %cond3A_7 = arith.cmpi ne, %convert_element_type3A_5, %cond3A_6 : i32
    scf.if %cond3A_7 {
      %mul3A_20 = arith.constant 32 : i32
      %mul3A_21 = arith.muli %arg1, %mul3A_20 : i32
      %add3A = arith.constant 2048 : i32
      %add3A_22 = arith.addi %add3A, %mul3A_21 : i32
      "tpu.region"() ({
        %run_scoped3A = tpu.sem_alloc : memref<!tpu.dma_semaphore, #tpu.memory_space<semaphore_mem>>
        %dma_start3A_41 = arith.constant 0 : i32
        %dma_start3A_42 = arith.constant 0 : i32
        %dma_start3A_43 = tpu.memref_slice %arg7[%dma_start3A_41, %dma_start3A_42] : memref<64x128xi32, #tpu.memory_space<vmem>> -> memref<32x128xi32, #tpu.memory_space<vmem>>
        %dma_start3A_44 = arith.constant 0 : i32
        %dma_start3A_45 = tpu.memref_slice %arg2[%add3A_22, %dma_start3A_44] : memref<2560x128xi32, #tpu.memory_space<hbm>> -> memref<32x128xi32, #tpu.memory_space<hbm>>
        %dma_start3A_46 = arith.constant 0 : i32
        %dma_start3A_47 = arith.constant 0 : i32
        %dma_start3A_48 = tpu.memref_slice %arg7[%dma_start3A_46, %dma_start3A_47] : memref<64x128xi32, #tpu.memory_space<vmem>> -> memref<32x128xi32, #tpu.memory_space<vmem>>
        %dma_start3A_49 = arith.constant 0 : i32
        %dma_start3A_50 = tpu.memref_slice %arg2[%add3A_22, %dma_start3A_49] : memref<2560x128xi32, #tpu.memory_space<hbm>> -> memref<32x128xi32, #tpu.memory_space<hbm>>
        tpu.enqueue_dma source(%dma_start3A_50 : memref<32x128xi32, #tpu.memory_space<hbm>>) target(%dma_start3A_48 : memref<32x128xi32, #tpu.memory_space<vmem>>) target_semaphore(%run_scoped3A : memref<!tpu.dma_semaphore, #tpu.memory_space<semaphore_mem>>)
        %dma_wait3A = arith.constant 0 : i32
        %dma_wait3A_51 = arith.constant 0 : i32
        %dma_wait3A_52 = tpu.memref_slice %arg7[%dma_wait3A, %dma_wait3A_51] : memref<64x128xi32, #tpu.memory_space<vmem>> -> memref<32x128xi32, #tpu.memory_space<vmem>>
        %dma_wait3A_53 = arith.constant 0 : i32
        %dma_wait3A_54 = tpu.memref_slice %arg2[%add3A_22, %dma_wait3A_53] : memref<2560x128xi32, #tpu.memory_space<hbm>> -> memref<32x128xi32, #tpu.memory_space<hbm>>
        %dma_wait3A_55 = arith.constant 0 : i32
        %dma_wait3A_56 = arith.constant 0 : i32
        %dma_wait3A_57 = tpu.memref_slice %arg7[%dma_wait3A_55, %dma_wait3A_56] : memref<64x128xi32, #tpu.memory_space<vmem>> -> memref<32x128xi32, #tpu.memory_space<vmem>>
        %dma_wait3A_58 = arith.constant 0 : i32
        %dma_wait3A_59 = tpu.memref_slice %arg2[%add3A_22, %dma_wait3A_58] : memref<2560x128xi32, #tpu.memory_space<hbm>> -> memref<32x128xi32, #tpu.memory_space<hbm>>
        tpu.wait_dma2 semaphore(%run_scoped3A : memref<!tpu.dma_semaphore, #tpu.memory_space<semaphore_mem>>) src(%dma_wait3A_59 : memref<32x128xi32, #tpu.memory_space<hbm>>) dst(%dma_wait3A_57 : memref<32x128xi32, #tpu.memory_space<vmem>>)
        tpu.yield
      }) : () -> ()
      "tpu.region"() ({
        %run_scoped3A = tpu.sem_alloc : memref<!tpu.dma_semaphore, #tpu.memory_space<semaphore_mem>>
        %dma_start3A_41 = arith.constant 0 : i32
        %dma_start3A_42 = arith.constant 0 : i32
        %dma_start3A_43 = tpu.memref_slice %arg8[%dma_start3A_41, %dma_start3A_42] : memref<64x128xi32, #tpu.memory_space<vmem>> -> memref<32x128xi32, #tpu.memory_space<vmem>>
        %dma_start3A_44 = arith.constant 0 : i32
        %dma_start3A_45 = tpu.memref_slice %arg3[%add3A_22, %dma_start3A_44] : memref<2560x128xi32, #tpu.memory_space<hbm>> -> memref<32x128xi32, #tpu.memory_space<hbm>>
        %dma_start3A_46 = arith.constant 0 : i32
        %dma_start3A_47 = arith.constant 0 : i32
        %dma_start3A_48 = tpu.memref_slice %arg8[%dma_start3A_46, %dma_start3A_47] : memref<64x128xi32, #tpu.memory_space<vmem>> -> memref<32x128xi32, #tpu.memory_space<vmem>>
        %dma_start3A_49 = arith.constant 0 : i32
        %dma_start3A_50 = tpu.memref_slice %arg3[%add3A_22, %dma_start3A_49] : memref<2560x128xi32, #tpu.memory_space<hbm>> -> memref<32x128xi32, #tpu.memory_space<hbm>>
        tpu.enqueue_dma source(%dma_start3A_50 : memref<32x128xi32, #tpu.memory_space<hbm>>) target(%dma_start3A_48 : memref<32x128xi32, #tpu.memory_space<vmem>>) target_semaphore(%run_scoped3A : memref<!tpu.dma_semaphore, #tpu.memory_space<semaphore_mem>>)
        %dma_wait3A = arith.constant 0 : i32
        %dma_wait3A_51 = arith.constant 0 : i32
        %dma_wait3A_52 = tpu.memref_slice %arg8[%dma_wait3A, %dma_wait3A_51] : memref<64x128xi32, #tpu.memory_space<vmem>> -> memref<32x128xi32, #tpu.memory_space<vmem>>
        %dma_wait3A_53 = arith.constant 0 : i32
        %dma_wait3A_54 = tpu.memref_slice %arg3[%add3A_22, %dma_wait3A_53] : memref<2560x128xi32, #tpu.memory_space<hbm>> -> memref<32x128xi32, #tpu.memory_space<hbm>>
        %dma_wait3A_55 = arith.constant 0 : i32
        %dma_wait3A_56 = arith.constant 0 : i32
        %dma_wait3A_57 = tpu.memref_slice %arg8[%dma_wait3A_55, %dma_wait3A_56] : memref<64x128xi32, #tpu.memory_space<vmem>> -> memref<32x128xi32, #tpu.memory_space<vmem>>
        %dma_wait3A_58 = arith.constant 0 : i32
        %dma_wait3A_59 = tpu.memref_slice %arg3[%add3A_22, %dma_wait3A_58] : memref<2560x128xi32, #tpu.memory_space<hbm>> -> memref<32x128xi32, #tpu.memory_space<hbm>>
        tpu.wait_dma2 semaphore(%run_scoped3A : memref<!tpu.dma_semaphore, #tpu.memory_space<semaphore_mem>>) src(%dma_wait3A_59 : memref<32x128xi32, #tpu.memory_space<hbm>>) dst(%dma_wait3A_57 : memref<32x128xi32, #tpu.memory_space<vmem>>)
        tpu.yield
      }) : () -> ()
      %dma_start3A = arith.constant 0 : i32
      %dma_start3A_23 = arith.constant 0 : i32
      %dma_start3A_24 = tpu.memref_slice %arg7[%dma_start3A, %dma_start3A_23] : memref<64x128xi32, #tpu.memory_space<vmem>> -> memref<1x128xi32, #tpu.memory_space<vmem>>
      %dma_start3A_25 = tpu.memref_squeeze %dma_start3A_24 : memref<1x128xi32, #tpu.memory_space<vmem>> -> memref<128xi32, #tpu.memory_space<vmem>>
      %dma_start3A_26 = arith.constant 0 : i32
      %dma_start3A_27 = arith.constant 0 : i32
      %dma_start3A_28 = tpu.memref_slice %arg4[%dma_start3A_26, %dma_start3A_27] : memref<10000x128xf32, #tpu.memory_space<hbm>> -> memref<10000x128xf32, #tpu.memory_space<hbm>>
      tpu.enqueue_indirect_dma source(%dma_start3A_28 : memref<10000x128xf32, #tpu.memory_space<hbm>>) target(%arg9 : memref<128x128xf32, #tpu.memory_space<vmem>>) offsets(%dma_start3A_25 : memref<128xi32, #tpu.memory_space<vmem>>) semaphore(%arg12 : memref<!tpu.dma_semaphore, #tpu.memory_space<semaphore_mem>>)
      %dma_start3A_29 = arith.constant 1 : i32
      %dma_start3A_30 = arith.constant 0 : i32
      %dma_start3A_31 = tpu.memref_slice %arg7[%dma_start3A_29, %dma_start3A_30] : memref<64x128xi32, #tpu.memory_space<vmem>> -> memref<1x128xi32, #tpu.memory_space<vmem>>
      %dma_start3A_32 = tpu.memref_squeeze %dma_start3A_31 : memref<1x128xi32, #tpu.memory_space<vmem>> -> memref<128xi32, #tpu.memory_space<vmem>>
      %dma_start3A_33 = arith.constant 0 : i32
      %dma_start3A_34 = arith.constant 0 : i32
      %dma_start3A_35 = tpu.memref_slice %arg4[%dma_start3A_33, %dma_start3A_34] : memref<10000x128xf32, #tpu.memory_space<hbm>> -> memref<10000x128xf32, #tpu.memory_space<hbm>>
      tpu.enqueue_indirect_dma source(%dma_start3A_35 : memref<10000x128xf32, #tpu.memory_space<hbm>>) target(%arg10 : memref<128x128xf32, #tpu.memory_space<vmem>>) offsets(%dma_start3A_32 : memref<128xi32, #tpu.memory_space<vmem>>) semaphore(%arg13 : memref<!tpu.dma_semaphore, #tpu.memory_space<semaphore_mem>>)
      %scan3A = arith.constant 0 : i32
      %scan3A_36 = arith.constant 0 : i32
      %scan3A_37 = arith.constant 16 : i32
      %scan3A_38 = arith.addi %scan3A_36, %scan3A_37 : i32
      %scan3A_39 = arith.constant 1 : i32
      scf.for %scan3A_41 = %scan3A_36 to %scan3A_38 step %scan3A_39  : i32 {
        %mul3A_42 = arith.constant 2 : i32
        %mul3A_43 = arith.muli %mul3A_42, %scan3A_41 : i32
        %add3A_44 = arith.constant 1 : i32
        %add3A_45 = arith.addi %mul3A_43, %add3A_44 : i32
        %dma_wait3A = arith.constant 0 : i32
        %dma_wait3A_46 = tpu.memref_slice %arg7[%mul3A_43, %dma_wait3A] : memref<64x128xi32, #tpu.memory_space<vmem>> -> memref<1x128xi32, #tpu.memory_space<vmem>>
        %dma_wait3A_47 = tpu.memref_squeeze %dma_wait3A_46 : memref<1x128xi32, #tpu.memory_space<vmem>> -> memref<128xi32, #tpu.memory_space<vmem>>
        %dma_wait3A_48 = arith.constant 0 : i32
        %dma_wait3A_49 = arith.constant 0 : i32
        %dma_wait3A_50 = tpu.memref_slice %arg4[%dma_wait3A_48, %dma_wait3A_49] : memref<10000x128xf32, #tpu.memory_space<hbm>> -> memref<10000x128xf32, #tpu.memory_space<hbm>>
        tpu.wait_indirect_dma semaphore(%arg12 : memref<!tpu.dma_semaphore, #tpu.memory_space<semaphore_mem>>) src(%dma_wait3A_50 : memref<10000x128xf32, #tpu.memory_space<hbm>>) dst(%arg9 : memref<128x128xf32, #tpu.memory_space<vmem>>)
        %dma_start3A_51 = arith.constant 0 : i32
        %dma_start3A_52 = tpu.memref_slice %arg8[%mul3A_43, %dma_start3A_51] : memref<64x128xi32, #tpu.memory_space<vmem>> -> memref<1x128xi32, #tpu.memory_space<vmem>>
        %dma_start3A_53 = tpu.memref_squeeze %dma_start3A_52 : memref<1x128xi32, #tpu.memory_space<vmem>> -> memref<128xi32, #tpu.memory_space<vmem>>
        %dma_start3A_54 = arith.constant 0 : i32
        %dma_start3A_55 = arith.constant 0 : i32
        %dma_start3A_56 = tpu.memref_slice %arg11[%dma_start3A_54, %dma_start3A_55] : memref<10112x128xf32, #tpu.memory_space<vmem_shared>> -> memref<10112x128xf32, #tpu.memory_space<vmem_shared>>
        tpu.enqueue_indirect_dma source(%arg9 : memref<128x128xf32, #tpu.memory_space<vmem>>) target(%dma_start3A_56 : memref<10112x128xf32, #tpu.memory_space<vmem_shared>>) offsets(%dma_start3A_53 : memref<128xi32, #tpu.memory_space<vmem>>) semaphore(%arg14 : memref<!tpu.dma_semaphore, #tpu.memory_space<semaphore_mem>>) {add = true}
        %dma_wait3A_57 = arith.constant 0 : i32
        %dma_wait3A_58 = tpu.memref_slice %arg7[%add3A_45, %dma_wait3A_57] : memref<64x128xi32, #tpu.memory_space<vmem>> -> memref<1x128xi32, #tpu.memory_space<vmem>>
        %dma_wait3A_59 = tpu.memref_squeeze %dma_wait3A_58 : memref<1x128xi32, #tpu.memory_space<vmem>> -> memref<128xi32, #tpu.memory_space<vmem>>
        %dma_wait3A_60 = arith.constant 0 : i32
        %dma_wait3A_61 = arith.constant 0 : i32
        %dma_wait3A_62 = tpu.memref_slice %arg4[%dma_wait3A_60, %dma_wait3A_61] : memref<10000x128xf32, #tpu.memory_space<hbm>> -> memref<10000x128xf32, #tpu.memory_space<hbm>>
        tpu.wait_indirect_dma semaphore(%arg13 : memref<!tpu.dma_semaphore, #tpu.memory_space<semaphore_mem>>) src(%dma_wait3A_62 : memref<10000x128xf32, #tpu.memory_space<hbm>>) dst(%arg10 : memref<128x128xf32, #tpu.memory_space<vmem>>)
        %dma_start3A_63 = arith.constant 0 : i32
        %dma_start3A_64 = tpu.memref_slice %arg8[%add3A_45, %dma_start3A_63] : memref<64x128xi32, #tpu.memory_space<vmem>> -> memref<1x128xi32, #tpu.memory_space<vmem>>
        %dma_start3A_65 = tpu.memref_squeeze %dma_start3A_64 : memref<1x128xi32, #tpu.memory_space<vmem>> -> memref<128xi32, #tpu.memory_space<vmem>>
        %dma_start3A_66 = arith.constant 0 : i32
        %dma_start3A_67 = arith.constant 0 : i32
        %dma_start3A_68 = tpu.memref_slice %arg11[%dma_start3A_66, %dma_start3A_67] : memref<10112x128xf32, #tpu.memory_space<vmem_shared>> -> memref<10112x128xf32, #tpu.memory_space<vmem_shared>>
        tpu.enqueue_indirect_dma source(%arg10 : memref<128x128xf32, #tpu.memory_space<vmem>>) target(%dma_start3A_68 : memref<10112x128xf32, #tpu.memory_space<vmem_shared>>) offsets(%dma_start3A_65 : memref<128xi32, #tpu.memory_space<vmem>>) semaphore(%arg15 : memref<!tpu.dma_semaphore, #tpu.memory_space<semaphore_mem>>) {add = true}
        %dma_wait3A_69 = arith.constant 0 : i32
        %dma_wait3A_70 = tpu.memref_slice %arg8[%mul3A_43, %dma_wait3A_69] : memref<64x128xi32, #tpu.memory_space<vmem>> -> memref<1x128xi32, #tpu.memory_space<vmem>>
        %dma_wait3A_71 = tpu.memref_squeeze %dma_wait3A_70 : memref<1x128xi32, #tpu.memory_space<vmem>> -> memref<128xi32, #tpu.memory_space<vmem>>
        %dma_wait3A_72 = arith.constant 0 : i32
        %dma_wait3A_73 = arith.constant 0 : i32
        %dma_wait3A_74 = tpu.memref_slice %arg11[%dma_wait3A_72, %dma_wait3A_73] : memref<10112x128xf32, #tpu.memory_space<vmem_shared>> -> memref<10112x128xf32, #tpu.memory_space<vmem_shared>>
        tpu.wait_indirect_dma semaphore(%arg14 : memref<!tpu.dma_semaphore, #tpu.memory_space<semaphore_mem>>) src(%arg9 : memref<128x128xf32, #tpu.memory_space<vmem>>) dst(%dma_wait3A_74 : memref<10112x128xf32, #tpu.memory_space<vmem_shared>>)
        %lt3A_75 = arith.constant 15 : i32
        %lt3A_76 = arith.cmpi slt, %scan3A_41, %lt3A_75 : i32
        %convert_element_type3A_77 = arith.extui %lt3A_76 : i1 to i32
        %cond3A_78 = arith.constant 0 : i32
        %cond3A_79 = arith.cmpi ne, %convert_element_type3A_77, %cond3A_78 : i32
        scf.if %cond3A_79 {
          %add3A_91 = arith.constant 2 : i32
          %add3A_92 = arith.addi %mul3A_43, %add3A_91 : i32
          %dma_start3A_93 = arith.constant 0 : i32
          %dma_start3A_94 = tpu.memref_slice %arg7[%add3A_92, %dma_start3A_93] : memref<64x128xi32, #tpu.memory_space<vmem>> -> memref<1x128xi32, #tpu.memory_space<vmem>>
          %dma_start3A_95 = tpu.memref_squeeze %dma_start3A_94 : memref<1x128xi32, #tpu.memory_space<vmem>> -> memref<128xi32, #tpu.memory_space<vmem>>
          %dma_start3A_96 = arith.constant 0 : i32
          %dma_start3A_97 = arith.constant 0 : i32
          %dma_start3A_98 = tpu.memref_slice %arg4[%dma_start3A_96, %dma_start3A_97] : memref<10000x128xf32, #tpu.memory_space<hbm>> -> memref<10000x128xf32, #tpu.memory_space<hbm>>
          tpu.enqueue_indirect_dma source(%dma_start3A_98 : memref<10000x128xf32, #tpu.memory_space<hbm>>) target(%arg9 : memref<128x128xf32, #tpu.memory_space<vmem>>) offsets(%dma_start3A_95 : memref<128xi32, #tpu.memory_space<vmem>>) semaphore(%arg12 : memref<!tpu.dma_semaphore, #tpu.memory_space<semaphore_mem>>)
        } else {
        }
        %dma_wait3A_80 = arith.constant 0 : i32
        %dma_wait3A_81 = tpu.memref_slice %arg8[%add3A_45, %dma_wait3A_80] : memref<64x128xi32, #tpu.memory_space<vmem>> -> memref<1x128xi32, #tpu.memory_space<vmem>>
        %dma_wait3A_82 = tpu.memref_squeeze %dma_wait3A_81 : memref<1x128xi32, #tpu.memory_space<vmem>> -> memref<128xi32, #tpu.memory_space<vmem>>
        %dma_wait3A_83 = arith.constant 0 : i32
        %dma_wait3A_84 = arith.constant 0 : i32
        %dma_wait3A_85 = tpu.memref_slice %arg11[%dma_wait3A_83, %dma_wait3A_84] : memref<10112x128xf32, #tpu.memory_space<vmem_shared>> -> memref<10112x128xf32, #tpu.memory_space<vmem_shared>>
        tpu.wait_indirect_dma semaphore(%arg15 : memref<!tpu.dma_semaphore, #tpu.memory_space<semaphore_mem>>) src(%arg10 : memref<128x128xf32, #tpu.memory_space<vmem>>) dst(%dma_wait3A_85 : memref<10112x128xf32, #tpu.memory_space<vmem_shared>>)
        %lt3A_86 = arith.constant 15 : i32
        %lt3A_87 = arith.cmpi slt, %scan3A_41, %lt3A_86 : i32
        %convert_element_type3A_88 = arith.extui %lt3A_87 : i1 to i32
        %cond3A_89 = arith.constant 0 : i32
        %cond3A_90 = arith.cmpi ne, %convert_element_type3A_88, %cond3A_89 : i32
        scf.if %cond3A_90 {
          %add3A_91 = arith.constant 2 : i32
          %add3A_92 = arith.addi %add3A_45, %add3A_91 : i32
          %dma_start3A_93 = arith.constant 0 : i32
          %dma_start3A_94 = tpu.memref_slice %arg7[%add3A_92, %dma_start3A_93] : memref<64x128xi32, #tpu.memory_space<vmem>> -> memref<1x128xi32, #tpu.memory_space<vmem>>
          %dma_start3A_95 = tpu.memref_squeeze %dma_start3A_94 : memref<1x128xi32, #tpu.memory_space<vmem>> -> memref<128xi32, #tpu.memory_space<vmem>>
          %dma_start3A_96 = arith.constant 0 : i32
          %dma_start3A_97 = arith.constant 0 : i32
          %dma_start3A_98 = tpu.memref_slice %arg4[%dma_start3A_96, %dma_start3A_97] : memref<10000x128xf32, #tpu.memory_space<hbm>> -> memref<10000x128xf32, #tpu.memory_space<hbm>>
          tpu.enqueue_indirect_dma source(%dma_start3A_98 : memref<10000x128xf32, #tpu.memory_space<hbm>>) target(%arg10 : memref<128x128xf32, #tpu.memory_space<vmem>>) offsets(%dma_start3A_95 : memref<128xi32, #tpu.memory_space<vmem>>) semaphore(%arg13 : memref<!tpu.dma_semaphore, #tpu.memory_space<semaphore_mem>>)
        } else {
        }
      }
      %scan3A_40 = arith.constant 16 : i32
    } else {
    }
    %barrier3A_8 = arith.constant 0 : index
    tpu.barrier barrier_id(%barrier3A_8)
    %mul3A_9 = arith.constant 624 : i32
    %mul3A_10 = arith.muli %arg1, %mul3A_9 : i32
    %lt3A = arith.constant 15 : i32
    %lt3A_11 = arith.cmpi slt, %arg1, %lt3A : i32
    %convert_element_type3A_12 = arith.extui %lt3A_11 : i1 to i32
    %cond3A_13 = arith.constant 0 : i32
    %cond3A_14 = arith.cmpi ne, %convert_element_type3A_12, %cond3A_13 : i32
    scf.if %cond3A_14 {
      "tpu.region"() ({
        %run_scoped3A = tpu.sem_alloc : memref<!tpu.dma_semaphore, #tpu.memory_space<semaphore_mem>>
        %dma_start3A = arith.constant 0 : i32
        %dma_start3A_20 = tpu.memref_slice %arg6[%arg0, %mul3A_10, %dma_start3A] : memref<2x10000x128xf32, #tpu.memory_space<hbm>> -> memref<1x624x128xf32, #tpu.memory_space<hbm>>
        %dma_start3A_21 = tpu.memref_squeeze %dma_start3A_20 : memref<1x624x128xf32, #tpu.memory_space<hbm>> -> memref<624x128xf32, #tpu.memory_space<hbm>>
        %dma_start3A_22 = arith.constant 0 : i32
        %dma_start3A_23 = tpu.memref_slice %arg11[%mul3A_10, %dma_start3A_22] : memref<10112x128xf32, #tpu.memory_space<vmem_shared>> -> memref<624x128xf32, #tpu.memory_space<vmem_shared>>
        tpu.enqueue_dma source(%dma_start3A_23 : memref<624x128xf32, #tpu.memory_space<vmem_shared>>) target(%dma_start3A_21 : memref<624x128xf32, #tpu.memory_space<hbm>>) target_semaphore(%run_scoped3A : memref<!tpu.dma_semaphore, #tpu.memory_space<semaphore_mem>>)
        %dma_wait3A = arith.constant 0 : i32
        %dma_wait3A_24 = tpu.memref_slice %arg6[%arg0, %mul3A_10, %dma_wait3A] : memref<2x10000x128xf32, #tpu.memory_space<hbm>> -> memref<1x624x128xf32, #tpu.memory_space<hbm>>
        %dma_wait3A_25 = tpu.memref_squeeze %dma_wait3A_24 : memref<1x624x128xf32, #tpu.memory_space<hbm>> -> memref<624x128xf32, #tpu.memory_space<hbm>>
        %dma_wait3A_26 = arith.constant 0 : i32
        %dma_wait3A_27 = tpu.memref_slice %arg11[%mul3A_10, %dma_wait3A_26] : memref<10112x128xf32, #tpu.memory_space<vmem_shared>> -> memref<624x128xf32, #tpu.memory_space<vmem_shared>>
        tpu.wait_dma2 semaphore(%run_scoped3A : memref<!tpu.dma_semaphore, #tpu.memory_space<semaphore_mem>>) src(%dma_wait3A_27 : memref<624x128xf32, #tpu.memory_space<vmem_shared>>) dst(%dma_wait3A_25 : memref<624x128xf32, #tpu.memory_space<hbm>>)
        tpu.yield
      }) : () -> ()
    } else {
    }
    %eq3A_15 = arith.constant 15 : i32
    %eq3A_16 = arith.cmpi eq, %arg1, %eq3A_15 : i32
    %convert_element_type3A_17 = arith.extui %eq3A_16 : i1 to i32
    %cond3A_18 = arith.constant 0 : i32
    %cond3A_19 = arith.cmpi ne, %convert_element_type3A_17, %cond3A_18 : i32
    scf.if %cond3A_19 {
      "tpu.region"() ({
        %run_scoped3A = tpu.sem_alloc : memref<!tpu.dma_semaphore, #tpu.memory_space<semaphore_mem>>
        %dma_start3A = arith.constant 9360 : i32
        %dma_start3A_20 = arith.constant 0 : i32
        %dma_start3A_21 = tpu.memref_slice %arg6[%arg0, %dma_start3A, %dma_start3A_20] : memref<2x10000x128xf32, #tpu.memory_space<hbm>> -> memref<1x640x128xf32, #tpu.memory_space<hbm>>
        %dma_start3A_22 = tpu.memref_squeeze %dma_start3A_21 : memref<1x640x128xf32, #tpu.memory_space<hbm>> -> memref<640x128xf32, #tpu.memory_space<hbm>>
        %dma_start3A_23 = arith.constant 9360 : i32
        %dma_start3A_24 = arith.constant 0 : i32
        %dma_start3A_25 = tpu.memref_slice %arg11[%dma_start3A_23, %dma_start3A_24] : memref<10112x128xf32, #tpu.memory_space<vmem_shared>> -> memref<640x128xf32, #tpu.memory_space<vmem_shared>>
        tpu.enqueue_dma source(%dma_start3A_25 : memref<640x128xf32, #tpu.memory_space<vmem_shared>>) target(%dma_start3A_22 : memref<640x128xf32, #tpu.memory_space<hbm>>) target_semaphore(%run_scoped3A : memref<!tpu.dma_semaphore, #tpu.memory_space<semaphore_mem>>)
        %dma_wait3A = arith.constant 9360 : i32
        %dma_wait3A_26 = arith.constant 0 : i32
        %dma_wait3A_27 = tpu.memref_slice %arg6[%arg0, %dma_wait3A, %dma_wait3A_26] : memref<2x10000x128xf32, #tpu.memory_space<hbm>> -> memref<1x640x128xf32, #tpu.memory_space<hbm>>
        %dma_wait3A_28 = tpu.memref_squeeze %dma_wait3A_27 : memref<1x640x128xf32, #tpu.memory_space<hbm>> -> memref<640x128xf32, #tpu.memory_space<hbm>>
        %dma_wait3A_29 = arith.constant 9360 : i32
        %dma_wait3A_30 = arith.constant 0 : i32
        %dma_wait3A_31 = tpu.memref_slice %arg11[%dma_wait3A_29, %dma_wait3A_30] : memref<10112x128xf32, #tpu.memory_space<vmem_shared>> -> memref<640x128xf32, #tpu.memory_space<vmem_shared>>
        tpu.wait_dma2 semaphore(%run_scoped3A : memref<!tpu.dma_semaphore, #tpu.memory_space<semaphore_mem>>) src(%dma_wait3A_31 : memref<640x128xf32, #tpu.memory_space<vmem_shared>>) dst(%dma_wait3A_28 : memref<640x128xf32, #tpu.memory_space<hbm>>)
        tpu.yield
      }) : () -> ()
    } else {
    }
    return
  }
}

module attributes {stable_mosaic.version = 14 : i64} {
  func.func @_dense1_body(%arg0: i32, %arg1: memref<2x1000x128xf32, #tpu.memory_space<vmem>>, %arg2: memref<2x1000x128xf32, #tpu.memory_space<vmem>>, %arg3: memref<1000x128xf32, #tpu.memory_space<vmem>>, %arg4: memref<128x128xf32, #tpu.memory_space<vmem>>, %arg5: memref<1x128xf32, #tpu.memory_space<vmem>>, %arg6: memref<128x128xf32, #tpu.memory_space<vmem>>, %arg7: memref<1000x128xf32, #tpu.memory_space<vmem>>) attributes {dimension_semantics = [#tpu.dimension_semantics<arbitrary>], iteration_bounds = array<i64: 10>, scalar_prefetch = 0 : i64, scratch_operands = 0 : i64, tpu.core_type = #tpu.core_type<tc>, window_params = [{transform_indices = @transform_0, window_bounds = array<i64: 2, 1000, 128>}, {transform_indices = @transform_1, window_bounds = array<i64: 2, 1000, 128>}, {transform_indices = @transform_2, window_bounds = array<i64: 1000, 128>}, {pipeline_mode = #tpu.pipeline_mode<synchronous>, transform_indices = @transform_3, window_bounds = array<i64: 128, 128>}, {pipeline_mode = #tpu.pipeline_mode<synchronous>, transform_indices = @transform_4, window_bounds = array<i64: 1, 128>}, {pipeline_mode = #tpu.pipeline_mode<synchronous>, transform_indices = @transform_5, window_bounds = array<i64: 128, 128>}, {transform_indices = @transform_6, window_bounds = array<i64: 1000, 128>}]} {
    %get3A = arith.constant 0 : index
    %get3A_0 = arith.constant 0 : index
    %get3A_1 = arith.constant 0 : index
    %get3A_2 = vector.load %arg1[%get3A, %get3A_0, %get3A_1] : memref<2x1000x128xf32, #tpu.memory_space<vmem>>, vector<1x1000x128xf32>
    %get3A_3 = vector.shape_cast %get3A_2 : vector<1x1000x128xf32> to vector<1000x128xf32>
    %get3A_4 = arith.constant 1 : index
    %get3A_5 = arith.constant 0 : index
    %get3A_6 = arith.constant 0 : index
    %get3A_7 = vector.load %arg1[%get3A_4, %get3A_5, %get3A_6] : memref<2x1000x128xf32, #tpu.memory_space<vmem>>, vector<1x1000x128xf32>
    %get3A_8 = vector.shape_cast %get3A_7 : vector<1x1000x128xf32> to vector<1000x128xf32>
    %add3A = arith.addf %get3A_3, %get3A_8 : vector<1000x128xf32>
    %get3A_9 = arith.constant 0 : index
    %get3A_10 = arith.constant 0 : index
    %get3A_11 = arith.constant 0 : index
    %get3A_12 = vector.load %arg2[%get3A_9, %get3A_10, %get3A_11] : memref<2x1000x128xf32, #tpu.memory_space<vmem>>, vector<1x1000x128xf32>
    %get3A_13 = vector.shape_cast %get3A_12 : vector<1x1000x128xf32> to vector<1000x128xf32>
    %slice3A = vector.extract_strided_slice %get3A_13 {offsets = [0, 0], sizes = [1000, 1], strides = [1, 1]} : vector<1000x128xf32> to vector<1000x1xf32>
    %get3A_14 = arith.constant 1 : index
    %get3A_15 = arith.constant 0 : index
    %get3A_16 = arith.constant 0 : index
    %get3A_17 = vector.load %arg2[%get3A_14, %get3A_15, %get3A_16] : memref<2x1000x128xf32, #tpu.memory_space<vmem>>, vector<1x1000x128xf32>
    %get3A_18 = vector.shape_cast %get3A_17 : vector<1x1000x128xf32> to vector<1000x128xf32>
    %slice3A_19 = vector.extract_strided_slice %get3A_18 {offsets = [0, 0], sizes = [1000, 1], strides = [1, 1]} : vector<1000x128xf32> to vector<1000x1xf32>
    %add3A_20 = arith.addf %slice3A, %slice3A_19 : vector<1000x1xf32>
    %max3A = arith.constant 1.000000e+00 : f32
    %max3A_21 = vector.broadcast %max3A : f32 to vector<1000x1xf32>
    %max3A_22 = arith.maximumf %add3A_20, %max3A_21 : vector<1000x1xf32>
    %div3A = vector.broadcast %max3A_22 : vector<1000x1xf32> to vector<1000x128xf32>
    %div3A_23 = arith.divf %add3A, %div3A : vector<1000x128xf32>
    %get3A_24 = arith.constant 0 : index
    %get3A_25 = arith.constant 0 : index
    %get3A_26 = vector.load %arg4[%get3A_24, %get3A_25] : memref<128x128xf32, #tpu.memory_space<vmem>>, vector<128x128xf32>
    %transpose3A = tpu.transpose %get3A_26, [1, 0] : vector<128x128xf32> -> vector<128x128xf32>
    %dot_general3A = arith.constant dense<0.000000e+00> : vector<1000x128xf32>
    %dot_general3A_27 = tpu.matmul %div3A_23, %transpose3A, %dot_general3A {dimension_numbers = #tpu.dot_dimension_numbers<[1], [0], [0], [1], [0, 0, 1, 1], [], []>, transpose_lhs_hint = false} : vector<1000x128xf32>, vector<128x128xf32>, vector<1000x128xf32> -> vector<1000x128xf32>
    %get3A_28 = arith.constant 0 : index
    %get3A_29 = arith.constant 0 : index
    %get3A_30 = vector.load %arg5[%get3A_28, %get3A_29] : memref<1x128xf32, #tpu.memory_space<vmem>>, vector<1x128xf32>
    %add3A_31 = vector.broadcast %get3A_30 : vector<1x128xf32> to vector<1000x128xf32>
    %add3A_32 = arith.addf %dot_general3A_27, %add3A_31 : vector<1000x128xf32>
    %get3A_33 = arith.constant 0 : index
    %get3A_34 = arith.constant 0 : index
    %get3A_35 = vector.load %arg3[%get3A_33, %get3A_34] : memref<1000x128xf32, #tpu.memory_space<vmem>>, vector<1000x128xf32>
    %get3A_36 = arith.constant 0 : index
    %get3A_37 = arith.constant 0 : index
    %get3A_38 = vector.load %arg6[%get3A_36, %get3A_37] : memref<128x128xf32, #tpu.memory_space<vmem>>, vector<128x128xf32>
    %transpose3A_39 = tpu.transpose %get3A_38, [1, 0] : vector<128x128xf32> -> vector<128x128xf32>
    %dot_general3A_40 = arith.constant dense<0.000000e+00> : vector<1000x128xf32>
    %dot_general3A_41 = tpu.matmul %get3A_35, %transpose3A_39, %dot_general3A_40 {dimension_numbers = #tpu.dot_dimension_numbers<[1], [0], [0], [1], [0, 0, 1, 1], [], []>, transpose_lhs_hint = false} : vector<1000x128xf32>, vector<128x128xf32>, vector<1000x128xf32> -> vector<1000x128xf32>
    %add3A_42 = arith.addf %add3A_32, %dot_general3A_41 : vector<1000x128xf32>
    %tanh3A = math.tanh %add3A_42 : vector<1000x128xf32>
    %swap3A = arith.constant 0 : index
    %swap3A_43 = arith.constant 0 : index
    %swap3A_44 = vector.load %arg7[%swap3A, %swap3A_43] : memref<1000x128xf32, #tpu.memory_space<vmem>>, vector<1000x128xf32>
    tpu.vector_store %arg7[%swap3A, %swap3A_43], %tanh3A {strides = array<i32>} : memref<1000x128xf32, #tpu.memory_space<vmem>>, vector<1000x128xf32>,
    return
  }
  func.func @transform_0(%arg0: i32) -> (i32, i32, i32) {
    %c0_i32 = arith.constant 0 : i32
    %c0_i32_0 = arith.constant 0 : i32
    %c0_i32_1 = arith.constant 0 : i32
    return %c0_i32, %arg0, %c0_i32_0 : i32, i32, i32
  }
  func.func @transform_1(%arg0: i32) -> (i32, i32, i32) {
    %c0_i32 = arith.constant 0 : i32
    %c0_i32_0 = arith.constant 0 : i32
    %c0_i32_1 = arith.constant 0 : i32
    return %c0_i32, %arg0, %c0_i32_0 : i32, i32, i32
  }
  func.func @transform_2(%arg0: i32) -> (i32, i32) {
    %c0_i32 = arith.constant 0 : i32
    %c0_i32_0 = arith.constant 0 : i32
    return %arg0, %c0_i32 : i32, i32
  }
  func.func @transform_3(%arg0: i32) -> (i32, i32) {
    %c0_i32 = arith.constant 0 : i32
    %c0_i32_0 = arith.constant 0 : i32
    %c0_i32_1 = arith.constant 0 : i32
    return %c0_i32, %c0_i32_0 : i32, i32
  }
  func.func @transform_4(%arg0: i32) -> (i32, i32) {
    %c0_i32 = arith.constant 0 : i32
    %c0_i32_0 = arith.constant 0 : i32
    %c0_i32_1 = arith.constant 0 : i32
    return %c0_i32, %c0_i32_0 : i32, i32
  }
  func.func @transform_5(%arg0: i32) -> (i32, i32) {
    %c0_i32 = arith.constant 0 : i32
    %c0_i32_0 = arith.constant 0 : i32
    %c0_i32_1 = arith.constant 0 : i32
    return %c0_i32, %c0_i32_0 : i32, i32
  }
  func.func @transform_6(%arg0: i32) -> (i32, i32) {
    %c0_i32 = arith.constant 0 : i32
    %c0_i32_0 = arith.constant 0 : i32
    return %arg0, %c0_i32 : i32, i32
  }
}

module attributes {stable_mosaic.version = 14 : i64} {
  func.func @_dense2_body(%arg0: i32, %arg1: memref<2x1000x128xf32, #tpu.memory_space<vmem>>, %arg2: memref<2x1000x128xf32, #tpu.memory_space<vmem>>, %arg3: memref<1000x128xf32, #tpu.memory_space<vmem>>, %arg4: memref<128x128xf32, #tpu.memory_space<vmem>>, %arg5: memref<1x128xf32, #tpu.memory_space<vmem>>, %arg6: memref<128x128xf32, #tpu.memory_space<vmem>>, %arg7: memref<64x128xf32, #tpu.memory_space<vmem>>, %arg8: memref<1x64xf32, #tpu.memory_space<vmem>>, %arg9: memref<1000x64xf32, #tpu.memory_space<vmem>>) attributes {dimension_semantics = [#tpu.dimension_semantics<arbitrary>], iteration_bounds = array<i64: 10>, scalar_prefetch = 0 : i64, scratch_operands = 0 : i64, tpu.core_type = #tpu.core_type<tc>, window_params = [{transform_indices = @transform_0, window_bounds = array<i64: 2, 1000, 128>}, {transform_indices = @transform_1, window_bounds = array<i64: 2, 1000, 128>}, {transform_indices = @transform_2, window_bounds = array<i64: 1000, 128>}, {pipeline_mode = #tpu.pipeline_mode<synchronous>, transform_indices = @transform_3, window_bounds = array<i64: 128, 128>}, {pipeline_mode = #tpu.pipeline_mode<synchronous>, transform_indices = @transform_4, window_bounds = array<i64: 1, 128>}, {pipeline_mode = #tpu.pipeline_mode<synchronous>, transform_indices = @transform_5, window_bounds = array<i64: 128, 128>}, {pipeline_mode = #tpu.pipeline_mode<synchronous>, transform_indices = @transform_6, window_bounds = array<i64: 64, 128>}, {pipeline_mode = #tpu.pipeline_mode<synchronous>, transform_indices = @transform_7, window_bounds = array<i64: 1, 64>}, {transform_indices = @transform_8, window_bounds = array<i64: 1000, 64>}]} {
    %get3A = arith.constant 0 : index
    %get3A_0 = arith.constant 0 : index
    %get3A_1 = arith.constant 0 : index
    %get3A_2 = vector.load %arg1[%get3A, %get3A_0, %get3A_1] : memref<2x1000x128xf32, #tpu.memory_space<vmem>>, vector<1x1000x128xf32>
    %get3A_3 = vector.shape_cast %get3A_2 : vector<1x1000x128xf32> to vector<1000x128xf32>
    %get3A_4 = arith.constant 1 : index
    %get3A_5 = arith.constant 0 : index
    %get3A_6 = arith.constant 0 : index
    %get3A_7 = vector.load %arg1[%get3A_4, %get3A_5, %get3A_6] : memref<2x1000x128xf32, #tpu.memory_space<vmem>>, vector<1x1000x128xf32>
    %get3A_8 = vector.shape_cast %get3A_7 : vector<1x1000x128xf32> to vector<1000x128xf32>
    %add3A = arith.addf %get3A_3, %get3A_8 : vector<1000x128xf32>
    %get3A_9 = arith.constant 0 : index
    %get3A_10 = arith.constant 0 : index
    %get3A_11 = arith.constant 0 : index
    %get3A_12 = vector.load %arg2[%get3A_9, %get3A_10, %get3A_11] : memref<2x1000x128xf32, #tpu.memory_space<vmem>>, vector<1x1000x128xf32>
    %get3A_13 = vector.shape_cast %get3A_12 : vector<1x1000x128xf32> to vector<1000x128xf32>
    %slice3A = vector.extract_strided_slice %get3A_13 {offsets = [0, 0], sizes = [1000, 1], strides = [1, 1]} : vector<1000x128xf32> to vector<1000x1xf32>
    %get3A_14 = arith.constant 1 : index
    %get3A_15 = arith.constant 0 : index
    %get3A_16 = arith.constant 0 : index
    %get3A_17 = vector.load %arg2[%get3A_14, %get3A_15, %get3A_16] : memref<2x1000x128xf32, #tpu.memory_space<vmem>>, vector<1x1000x128xf32>
    %get3A_18 = vector.shape_cast %get3A_17 : vector<1x1000x128xf32> to vector<1000x128xf32>
    %slice3A_19 = vector.extract_strided_slice %get3A_18 {offsets = [0, 0], sizes = [1000, 1], strides = [1, 1]} : vector<1000x128xf32> to vector<1000x1xf32>
    %add3A_20 = arith.addf %slice3A, %slice3A_19 : vector<1000x1xf32>
    %max3A = arith.constant 1.000000e+00 : f32
    %max3A_21 = vector.broadcast %max3A : f32 to vector<1000x1xf32>
    %max3A_22 = arith.maximumf %add3A_20, %max3A_21 : vector<1000x1xf32>
    %div3A = vector.broadcast %max3A_22 : vector<1000x1xf32> to vector<1000x128xf32>
    %div3A_23 = arith.divf %add3A, %div3A : vector<1000x128xf32>
    %get3A_24 = arith.constant 0 : index
    %get3A_25 = arith.constant 0 : index
    %get3A_26 = vector.load %arg4[%get3A_24, %get3A_25] : memref<128x128xf32, #tpu.memory_space<vmem>>, vector<128x128xf32>
    %transpose3A = tpu.transpose %get3A_26, [1, 0] : vector<128x128xf32> -> vector<128x128xf32>
    %dot_general3A = arith.constant dense<0.000000e+00> : vector<1000x128xf32>
    %dot_general3A_27 = tpu.matmul %div3A_23, %transpose3A, %dot_general3A {dimension_numbers = #tpu.dot_dimension_numbers<[1], [0], [0], [1], [0, 0, 1, 1], [], []>, transpose_lhs_hint = false} : vector<1000x128xf32>, vector<128x128xf32>, vector<1000x128xf32> -> vector<1000x128xf32>
    %get3A_28 = arith.constant 0 : index
    %get3A_29 = arith.constant 0 : index
    %get3A_30 = vector.load %arg5[%get3A_28, %get3A_29] : memref<1x128xf32, #tpu.memory_space<vmem>>, vector<1x128xf32>
    %add3A_31 = vector.broadcast %get3A_30 : vector<1x128xf32> to vector<1000x128xf32>
    %add3A_32 = arith.addf %dot_general3A_27, %add3A_31 : vector<1000x128xf32>
    %get3A_33 = arith.constant 0 : index
    %get3A_34 = arith.constant 0 : index
    %get3A_35 = vector.load %arg3[%get3A_33, %get3A_34] : memref<1000x128xf32, #tpu.memory_space<vmem>>, vector<1000x128xf32>
    %get3A_36 = arith.constant 0 : index
    %get3A_37 = arith.constant 0 : index
    %get3A_38 = vector.load %arg6[%get3A_36, %get3A_37] : memref<128x128xf32, #tpu.memory_space<vmem>>, vector<128x128xf32>
    %transpose3A_39 = tpu.transpose %get3A_38, [1, 0] : vector<128x128xf32> -> vector<128x128xf32>
    %dot_general3A_40 = arith.constant dense<0.000000e+00> : vector<1000x128xf32>
    %dot_general3A_41 = tpu.matmul %get3A_35, %transpose3A_39, %dot_general3A_40 {dimension_numbers = #tpu.dot_dimension_numbers<[1], [0], [0], [1], [0, 0, 1, 1], [], []>, transpose_lhs_hint = false} : vector<1000x128xf32>, vector<128x128xf32>, vector<1000x128xf32> -> vector<1000x128xf32>
    %add3A_42 = arith.addf %add3A_32, %dot_general3A_41 : vector<1000x128xf32>
    %get3A_43 = arith.constant 0 : index
    %get3A_44 = arith.constant 0 : index
    %get3A_45 = vector.load %arg7[%get3A_43, %get3A_44] : memref<64x128xf32, #tpu.memory_space<vmem>>, vector<64x128xf32>
    %transpose3A_46 = tpu.transpose %get3A_45, [1, 0] : vector<64x128xf32> -> vector<128x64xf32>
    %dot_general3A_47 = arith.constant dense<0.000000e+00> : vector<1000x64xf32>
    %dot_general3A_48 = tpu.matmul %add3A_42, %transpose3A_46, %dot_general3A_47 {dimension_numbers = #tpu.dot_dimension_numbers<[1], [0], [0], [1], [0, 0, 1, 1], [], []>, transpose_lhs_hint = false} : vector<1000x128xf32>, vector<128x64xf32>, vector<1000x64xf32> -> vector<1000x64xf32>
    %get3A_49 = arith.constant 0 : index
    %get3A_50 = arith.constant 0 : index
    %get3A_51 = vector.load %arg8[%get3A_49, %get3A_50] : memref<1x64xf32, #tpu.memory_space<vmem>>, vector<1x64xf32>
    %add3A_52 = vector.broadcast %get3A_51 : vector<1x64xf32> to vector<1000x64xf32>
    %add3A_53 = arith.addf %dot_general3A_48, %add3A_52 : vector<1000x64xf32>
    %reduce_max3A = arith.constant dense<0xFF800000> : vector<1000xf32>
    %reduce_max3A_54 = vector.multi_reduction <maximumf>, %add3A_53, %reduce_max3A [1] : vector<1000x64xf32> to vector<1000xf32>
    %max3A_55 = arith.constant 0xFF800000 : f32
    %max3A_56 = vector.broadcast %max3A_55 : f32 to vector<1000xf32>
    %max3A_57 = arith.maximumf %max3A_56, %reduce_max3A_54 : vector<1000xf32>
    %broadcast_in_dim3A = vector.shape_cast %max3A_57 : vector<1000xf32> to vector<1000x1xf32>
    %sub3A = vector.broadcast %broadcast_in_dim3A : vector<1000x1xf32> to vector<1000x64xf32>
    %sub3A_58 = arith.subf %add3A_53, %sub3A : vector<1000x64xf32>
    %exp3A = math.exp %sub3A_58 : vector<1000x64xf32>
    %reduce_sum3A = arith.constant dense<0.000000e+00> : vector<1000xf32>
    %reduce_sum3A_59 = vector.multi_reduction <add>, %exp3A, %reduce_sum3A [1] : vector<1000x64xf32> to vector<1000xf32>
    %broadcast_in_dim3A_60 = vector.shape_cast %reduce_sum3A_59 : vector<1000xf32> to vector<1000x1xf32>
    %div3A_61 = vector.broadcast %broadcast_in_dim3A_60 : vector<1000x1xf32> to vector<1000x64xf32>
    %div3A_62 = arith.divf %exp3A, %div3A_61 : vector<1000x64xf32>
    %swap3A = arith.constant 0 : index
    %swap3A_63 = arith.constant 0 : index
    %swap3A_64 = vector.load %arg9[%swap3A, %swap3A_63] : memref<1000x64xf32, #tpu.memory_space<vmem>>, vector<1000x64xf32>
    tpu.vector_store %arg9[%swap3A, %swap3A_63], %div3A_62 {strides = array<i32>} : memref<1000x64xf32, #tpu.memory_space<vmem>>, vector<1000x64xf32>,
    return
  }
  func.func @transform_0(%arg0: i32) -> (i32, i32, i32) {
    %c0_i32 = arith.constant 0 : i32
    %c0_i32_0 = arith.constant 0 : i32
    %c0_i32_1 = arith.constant 0 : i32
    return %c0_i32, %arg0, %c0_i32_0 : i32, i32, i32
  }
  func.func @transform_1(%arg0: i32) -> (i32, i32, i32) {
    %c0_i32 = arith.constant 0 : i32
    %c0_i32_0 = arith.constant 0 : i32
    %c0_i32_1 = arith.constant 0 : i32
    return %c0_i32, %arg0, %c0_i32_0 : i32, i32, i32
  }
  func.func @transform_2(%arg0: i32) -> (i32, i32) {
    %c0_i32 = arith.constant 0 : i32
    %c0_i32_0 = arith.constant 0 : i32
    return %arg0, %c0_i32 : i32, i32
  }
  func.func @transform_3(%arg0: i32) -> (i32, i32) {
    %c0_i32 = arith.constant 0 : i32
    %c0_i32_0 = arith.constant 0 : i32
    %c0_i32_1 = arith.constant 0 : i32
    return %c0_i32, %c0_i32_0 : i32, i32
  }
  func.func @transform_4(%arg0: i32) -> (i32, i32) {
    %c0_i32 = arith.constant 0 : i32
    %c0_i32_0 = arith.constant 0 : i32
    %c0_i32_1 = arith.constant 0 : i32
    return %c0_i32, %c0_i32_0 : i32, i32
  }
  func.func @transform_5(%arg0: i32) -> (i32, i32) {
    %c0_i32 = arith.constant 0 : i32
    %c0_i32_0 = arith.constant 0 : i32
    %c0_i32_1 = arith.constant 0 : i32
    return %c0_i32, %c0_i32_0 : i32, i32
  }
  func.func @transform_6(%arg0: i32) -> (i32, i32) {
    %c0_i32 = arith.constant 0 : i32
    %c0_i32_0 = arith.constant 0 : i32
    %c0_i32_1 = arith.constant 0 : i32
    return %c0_i32, %c0_i32_0 : i32, i32
  }
  func.func @transform_7(%arg0: i32) -> (i32, i32) {
    %c0_i32 = arith.constant 0 : i32
    %c0_i32_0 = arith.constant 0 : i32
    %c0_i32_1 = arith.constant 0 : i32
    return %c0_i32, %c0_i32_0 : i32, i32
  }
  func.func @transform_8(%arg0: i32) -> (i32, i32) {
    %c0_i32 = arith.constant 0 : i32
    %c0_i32_0 = arith.constant 0 : i32
    return %arg0, %c0_i32 : i32, i32
  }
}

</mosaic_0001>

<sc_bundles>
// kernel: kernel.10.cloned.1.call-start
scs
__scs_entry_jumppad:
0x0: {  	(pc) =	sbr.rel $0x88, $3  }
0x1: {  	(tag) =	ssettag $0x0;
	lr =	simm.s32 $0x1  }
0x2: {  	[smem:$0x3F97] =	sst lr;
	_ =	strace $0xD0000000  }
0x3: {  	_ = 	snop  }
0x4: {  	_ = 	snop  }
0x5: {  	_ = 	snop  }
0x6: {  	_ = 	snop  }
0x7: {  	_ = 	snop  }
__scs_overlays_trampoline_lowered:
0x8: {  	[smem:$0x3FA6] =	sst s0  }
0x9: {  	[smem:$0x3FA7] =	sst s1  }
0xa: {  	[smem:$0x3FA8] =	sst s2  }
0xb: {  	[smem:$0x3FA9] =	sst s3  }
0xc: {  	[smem:$0x3FAA] =	sst s4  }
0xd: {  	[smem:$0x3FAB] =	sst s5  }
0xe: {  	[smem:$0x3FAC] =	sst s6  }
0xf: {  	[smem:$0x3FAD] =	sst s7  }
0x10: {  	[smem:$0x3FAE] =	sst s8  }
0x11: {  	[smem:$0x3FAF] =	sst s9;
	s0 =	simm.s32 @!p0 $0x0  }
0x12: {  	s1 =	sld [smem:$0x3F95];
	s0 =	simm.s32 @p0 $0x1  }
0x13: {  	[smem:$0x3FB0] =	sst s0;
	s0 =	simm.s32 @!p1 $0x0  }
0x14: {  	s2 =	sld [smem:$0x3F94];
	s0 =	simm.s32 @p1 $0x1  }
0x15: {  	[smem:$0x3FB1] =	sst s0;
	s0 =	simm.s32 @!p2 $0x0  }
0x16: {  	s3 =	sld [smem:$0x3FDB];
	s0 =	simm.s32 @p2 $0x1  }
0x17: {  	s4 =	simm.s32 $0x1BF5;
	[smem:$0x3FB3] =	sst s0  }
0x18: {  	s0 =	sld [smem:$0x3F96];
	_ =	swait.ge [sflag:s4], $0x0  }
0x19: {  	s7 =	sld [smem:$0x3F97]  }
0x1a: {  	s8 =	sadd.s32 $0xFFFFE003, lr  }
0x1b: {  	s9 =	sadd.s32 $0xFFFFFEF7, lr;
	s5 =	simm.s32 $0xFFFFFFFF;
	p2 =	slt.u32 s8, $0xFFFFF086  }
0x1c: {  	p1 =	slt.u32 s9, $0xF7A;
	s5 =	simm.s32 @!p2 $0x0  }
0x1d: {  	s5 =	simm.s32 @p1 $0x1;
	p0 =	seq.s32 s7, s2  }
0x1e: {  	s7 =	smul.u32 @!p0 $0xF7A, s2;
	p2 =	seq.s32 @!p0 s5, $0x0  }
0x1f: {  	s9 =	smul.u32 $0xF7A, s1;
	s8 =	simm.s32 @!p0 $0x1BF5;
	p2 =	por !p2, p0  }
0x20: {  	[sflag:s8] =	ssyncset.s32 @!p0 $0xFFFFF086;
	s6 =	sadd.s32 @!p0 s3, s7;
	s7 =	simm.s32 @!p0 $0x108  }
0x21: {  	s3 =	sadd.s32 s3, s9;
	s6 =	sadd.s32 @!p0 $0x88, s6;
	s7 =	simm.s32 @p2 $0x1082  }
0x22: {  	[simem:s7], [sflag:s8] =	dma.local @!p0 [hbm:s6], $0xF7A  }
0x23: {  	s9 =	sor.u32 $0xD0000000, s2;
	s6 =	simm.s32 $0x108;
	_ =	swait.ge @!p0 [sflag:s8], $0x0  }
0x24: {  	s3 =	sadd.s32 $0x88, s3;
	s6 =	simm.s32 @!p1 $0x1082;
	[sflag:s4] =	ssyncset.s32 $0xFFFFF086  }
0x25: {  	[simem:s6], [sflag:s4] =	dma.local [hbm:s3], $0xF7A  }
0x26: {  	[smem:$0x3F97] =	sst s1;
	(tag) =	ssettag s2;
	_ =	strace s9  }
0x27: {  	s1 =	sld [smem:$0x3FA7]  }
0x28: {  	s2 =	sld [smem:$0x3FA8]  }
0x29: {  	s4 =	sld [smem:$0x3FAA]  }
0x2a: {  	p0 =	seq.s32 s5, $0x0;
	s5 =	sld [smem:$0x3FAB]  }
0x2b: {  	s6 =	sld [smem:$0x3FAC]  }
0x2c: {  	s7 =	sld [smem:$0x3FAD]  }
0x2d: {  	s3 =	simm.s32 $0x108;
	s8 =	sld [smem:$0x3FAE]  }
0x2e: {  	s3 =	simm.s32 @!p0 $0x1082;
	s9 =	sld [smem:$0x3FAF]  }
0x2f: {  	lr =	sadd.s32 s0, s3;
	s0 =	sld [smem:$0x3FA6]  }
0x30: {  	s3 =	sld [smem:$0x3FA9]  }
0x31: {  	[smem:$0x3FB2] =	sst s10  }
0x32: {  	s10 =	sld [smem:$0x3FB0];
	_ =	sdelay $0x3  }
0x33: {  	p0 =	seq.s32 s10, $0x1;
	s10 =	sld [smem:$0x3FB2];
	_ =	sdelay $0x3  }
0x34: {  	[smem:$0x3FB2] =	sst s10  }
0x35: {  	s10 =	sld [smem:$0x3FB1];
	_ =	sdelay $0x3  }
0x36: {  	p1 =	seq.s32 s10, $0x1;
	s10 =	sld [smem:$0x3FB2];
	_ =	sdelay $0x3  }
0x37: {  	[smem:$0x3FB2] =	sst s10  }
0x38: {  	s10 =	sld [smem:$0x3FB3]  }
0x39: {  	_ = 	snop;
	(pc) =	sbr.ind lr, $3  }
0x3a: {  	_ = 	snop  }
0x3b: {  	_ = 	snop  }
0x3c: {  	p2 =	seq.s32 s10, $0x1;
	s10 =	sld [smem:$0x3FB2]  }
0x3d: {  	_ =	shalt  }
0x3e: {  	_ =	shalt  }
0x3f: {  	_ =	shalt  }
0x40: {  	_ =	shalt  }
0x41: {  	_ =	shalt  }
0x42: {  	_ =	shalt  }
0x43: {  	_ =	shalt  }
0x44: {  	_ =	shalt  }
0x45: {  	_ =	shalt  }
0x46: {  	_ =	shalt  }
0x47: {  	_ =	shalt  }
0x48: {  	_ =	shalt  }
0x49: {  	_ =	shalt  }
0x4a: {  	_ =	shalt  }
0x4b: {  	_ =	shalt  }
0x4c: {  	_ =	shalt  }
0x4d: {  	_ =	shalt  }
0x4e: {  	_ =	shalt  }
0x4f: {  	_ =	shalt  }
0x50: {  	_ =	shalt  }
0x51: {  	_ =	shalt  }
0x52: {  	_ =	shalt  }
0x53: {  	_ =	shalt  }
0x54: {  	_ =	shalt  }
0x55: {  	_ =	shalt  }
0x56: {  	_ =	shalt  }
0x57: {  	_ =	shalt  }
0x58: {  	_ =	shalt  }
0x59: {  	_ =	shalt  }
0x5a: {  	_ =	shalt  }
0x5b: {  	_ =	shalt  }
0x5c: {  	_ =	shalt  }
0x5d: {  	_ =	shalt  }
0x5e: {  	_ =	shalt  }
0x5f: {  	_ =	shalt  }
0x60: {  	_ =	shalt  }
0x61: {  	_ =	shalt  }
0x62: {  	_ =	shalt  }
0x63: {  	_ =	shalt  }
0x64: {  	_ =	shalt  }
0x65: {  	_ =	shalt  }
0x66: {  	_ =	shalt  }
0x67: {  	_ =	shalt  }
0x68: {  	_ =	shalt  }
0x69: {  	_ =	shalt  }
0x6a: {  	_ =	shalt  }
0x6b: {  	_ =	shalt  }
0x6c: {  	_ =	shalt  }
0x6d: {  	_ =	shalt  }
0x6e: {  	_ =	shalt  }
0x6f: {  	_ =	shalt  }
0x70: {  	_ =	shalt  }
0x71: {  	_ =	shalt  }
0x72: {  	_ =	shalt  }
0x73: {  	_ =	shalt  }
0x74: {  	_ =	shalt  }
0x75: {  	_ =	shalt  }
0x76: {  	_ =	shalt  }
0x77: {  	_ =	shalt  }
0x78: {  	_ =	shalt  }
0x79: {  	_ =	shalt  }
0x7a: {  	_ =	shalt  }
0x7b: {  	_ =	shalt  }
0x7c: {  	_ =	shalt  }
0x7d: {  	_ =	shalt  }
0x7e: {  	_ =	shalt  }
0x7f: {  	_ =	shalt  }
0x80: {  	_ =	shalt  }
0x81: {  	_ =	shalt  }
0x82: {  	_ =	shalt  }
0x83: {  	_ =	shalt  }
0x84: {  	_ =	shalt  }
0x85: {  	_ =	shalt  }
0x86: {  	_ =	shalt  }
0x87: {  	_ =	shalt  }
.Lfunc_end0:
.L_simem_size_0:
called_computation.1_lowered:
.L_overlay_start_0:
0x88: {  	s2 =	sld [smem:$0x3FD9]  }
0x89: {  	s3 =	sld [smem:$0x3FFE];
	_ =	sdelay $0x1  }
0x8a: {  	s1 =	srdreg.scid  }
0x8b: {  	s0 =	sand.u32 $0x1, s1  }
0x8c: {  	s17 =	sshll.u32 s0, $0xA;
	s2 =	sadd.s32 s3, s2  }
0x8d: {  	s2 =	sadd.s32 s2, s17  }
0x8e: {  	[smem:$0x3FBE] =	sst s2  }
0x8f: {  	_ = 	snop  }
0x90: {  	s18 =	sld [smem:$0x3FC9]  }
0x91: {  	s4 =	sld [smem:$0x3FD0];
	(tm) =	ssettm $0x1  }
0x92: {  	s19 =	sld [smem:$0x3FFB];
	_ =	sdelay $0x3  }
0x93: {  	_ =	strace s19  }
0x94: {  	s2 =	sld [smem:$0x3FFC];
	_ =	sdelay $0x3  }
0x95: {  	_ =	strace s2  }
0x96: {  	s2 =	sld [smem:$0x3FFD];
	_ =	sdelay $0x3  }
0x97: {  	_ =	strace s2  }
0x98: {  	_ =	strace $0x8FFFFFFF  }
0x99: {  	s20 =	sld [smem:$0x3FDB];
	_ =	sdelay $0x1  }
0x9a: {  	s5 =	simm.s32 $_scs_section_size  }
0x9b: {  	s6 =	simm.s32 $_size__tile_overlayer_lowered;
	s7 =	simm.s32 $_tile_overlayer_lowered  }
0x9c: {  	s8 =	simm.s32 $0x1BFF;
	s21 =	sshll.u32 s7, $0x1;
	s5 =	sadd.s32 s5, s20  }
0x9d: {  	s22 =	simm.s32 $0x0;
	s6 =	sshll.u32 s6, $0x1;
	s7 =	sadd.s32 s21, s5  }
0x9e: {  	[timem:s22], [sflag:s8] =	dma.local [hbm:s7], s6  }
0x9f: {  	_ =	swait.ge [sflag:s8], s6  }
0xa0: {  	s6 =	ssub.s32 $0x0, s6;
	[sflag:s8] =	ssyncset.done $0x0  }
0xa1: {  	[sflag:s8] =	ssyncadd.s32 s6;
	_ =	sdelay $0x1  }
0xa2: {  	s23 =	simm.s32 $0x1B8B  }
0xa3: {  	_ =	swait.ge [sflag:s23], $0x1  }
0xa4: {  	[sflag:s23] =	ssyncset.done $0x0  }
0xa5: {  	[sflag:s23] =	ssyncadd.s32 $0xFFFFFFFF  }
0xa6: {  	s6 =	sld [smem:$0x0]  }
0xa7: {  	s7 =	sand.u32 $0xFFFFFFFE, s1  }
0xa8: {  	p0 =	sne.s32 s1, s7  }
0xa9: {  	s7 =	sshll.u32 @p0 s7, $0xE  }
0xaa: {  	s7 =	sadd.s32 @p0 $0x11B8D, s7;
	s8 =	sshll.u32 @p0 s6, $0x11  }
0xab: {  	s7 =	sor.u32 @p0 s8, s7  }
0xac: {  	[sflag:s7] =	ssyncadd.remote.s32 @p0 $0x1;
	_ =	sdelay $0x1  }
0xad: {  	s7 =	simm.s32 @p0 $0x1B8D  }
0xae: {  	_ =	swait.eq @p0 [sflag:s7], $0x1  }
0xaf: {  	[sflag:s7] =	ssyncadd.s32 @p0 $0xFFFFFFFF  }
0xb0: {  	s8 =	sshll.u32 @!p0 s1, $0xE  }
0xb1: {  	s8 =	sor.u32 @!p0 $0x4000, s8;
	s7 =	simm.s32 @!p0 $0x1B8D  }
0xb2: {  	s6 =	sshll.u32 @!p0 s6, $0x11;
	s8 =	sadd.s32 @!p0 $0x11B8D, s8;
	_ =	swait.eq @!p0 [sflag:s7], $0x1  }
0xb3: {  	s6 =	sor.u32 @!p0 s6, s8;
	[sflag:s7] =	ssyncadd.s32 @!p0 $0xFFFFFFFF  }
0xb4: {  	s25 =	simm.s32 $0x1B8E;
	s24 =	sld [smem:$0x3FFE];
	[sflag:s6] =	ssyncadd.remote.s32 @!p0 $0x1  }
0xb5: {  	s26 =	simm.s32 $execute0_lowered;
	[smem:$0x3FD2] =	sst s25  }
0xb6: {  	s7 =	sshll.u32 s26, $0x1;
	_ =	strace $0x80000049;
	[dreg:$0x1] =	wrdreg $0xFFFFFFFF  }
0xb7: {  	s28 =	simm.s32 $_size_execute0_lowered;
	s5 =	sadd.s32 s5, s7;
	[dreg:$0x0] =	wrdreg $0x0  }
0xb8: {  	s7 =	sshll.u32 s28, $0x1;
	[dreg:$0x2] =	wrdreg s5  }
0xb9: {  	[dreg:$0x3] =	wrdreg s7  }
0xba: {  	[dreg:$0x4] =	wrdreg $0xC0  }
0xbb: {  	_ =	task [dreg:s22], $0x5FFFF  }
0xbc: {  	[dreg:$0x1] =	wrdreg $0xFFFFFFFF  }
0xbd: {  	[dreg:$0x0] =	wrdreg $0x60  }
0xbe: {  	[dreg:$0x2] =	wrdreg s24  }
0xbf: {  	[dreg:$0x3] =	wrdreg s4  }
0xc0: {  	[dreg:$0x4] =	wrdreg s18  }
0xc1: {  	[dreg:$0x5] =	wrdreg $0xC0000  }
0xc2: {  	[dreg:$0x6] =	wrdreg $0xA  }
0xc3: {  	_ =	task.clear_ibuf [dreg:s22], $0x7FFFF;
	_ =	strace $0x90000049  }
0xc4: {  	s29 =	simm.s32 $0xA;
	_ =	strace $0x8000004B  }
0xc5: {  	_ =	swait.ge [sflag:s29], $0x1  }
0xc6: {  	[sflag:s29] =	ssyncadd.s32 $0xFFFFFFFF  }
0xc7: {  	_ =	strace $0x9000004B  }
0xc8: {  	_ =	sfence  }
0xc9: {  	s30 =	sld [smem:$0x0];
	_ =	sdelay $0x2  }
0xca: {  	s31 =	sshll.u32 s1, $0xD;
	s1 =	sshrl.u32 s1, $0x2  }
0xcb: {  	s4 =	sand.u32 $0x4000, s31;
	s1 =	sadd.s32 s1, s30  }
0xcc: {  	s0 =	sor.u32 s4, s0;
	s1 =	sshll.u32 s1, $0x11  }
0xcd: {  	s0 =	sor.u32 s1, s0  }
0xce: {  	s0 =	sadd.s32 $0x8F2B, s0  }
0xcf: {  	[sflag:s0] =	ssyncadd.remote.s32 $0x1  }
0xd0: {  	_ =	sfence.sel $0xFFFF  }
0xd1: {  	[dreg:$0x0] =	wrdreg $0xFFFFFFFF;
	(pc) =	sbr.abs _section_cstart, $3  }
0xd2: {  	[dreg:$0x1] =	wrdreg $0xFFFFFFFF  }
0xd3: {  	_ =	task.clear_ibuf [dreg:s22], $0x2FFFF;
	_ =	strace $0x9FFFFFFF  }
0xd4: {  	(tm) =	ssettm $0x7FFFFFFF  }
0xd5: {  	_ =	shalt  }
tec
execute0_lowered:
.L_overlay_start_1:
0x0: {  	(tag) =	ssettag $0x1  }
0x1: {  	s0 =	rddreg [dreg:$0x0]  }
0x2: {  	s12 =	rddreg [dreg:$0x1]  }
0x3: {  	s2 =	rddreg [dreg:$0x2]  }
0x4: {  	s3 =	rddreg [dreg:$0x3];
	s1 =	stileid.u32;
	s4 =	simm.s32 $0x0  }
0x5: {  	s6 =	srdreg.scid;
	s19 =	simm.s32 $0x80;
	s20 =	simm.s32 $0x4000  }
0x6: {  	s21 =	simm.s32 $0x8000;
	s22 =	simm.s32 $0x1;
	s28 =	simm.s32 $0x4  }
0x7: {  	s29 =	simm.s32 $0x3F00;
	s30 =	simm.s32 $0x3F80;
	s5 =	smul.u32 $0x2780, s1  }
0x8: {  	[smem:$0x7FF] =	sst s4;
	s9 =	sand.u32 $0x1, s6;
	s23 =	smul.u32 $0x4F000, s1  }
0x9: {  	s11 =	sadd.s32 $0x2600, s0;
	s24 =	sshll.u32 s1, $0x6;
	s17 =	smul.u32 $0x13800, s1  }
0xa: {  	s10 =	sshll.u32 s1, $0xB;
	s14 =	sshll.u32 s1, $0x9;
	s18 =	smul.u32 $0x4E000, s1  }
0xb: {  	p1 =	seq.s32 s1, $0xF;
	_ =	strace $0x8000004A;
	s7 =	ssub.s32 $0x2, s9  }
0xc: {  	p0 =	seq.s32 s9, $0x1;
	s13 =	smul.u32 $0x138800, s9;
	s14 =	sor.u32 $0x8000, s14  }
0xd: {  	s5 =	sadd.s32 s5, s0;
	s8 =	sshrl.u32 s7, $0x1;
	s6 =	sshrl.u32 s23, $0x2  }
0xe: {  	s0 =	sadd.s32 $0x82800, s0;
	s26 =	sshrl.u32 s18, $0x2;
	s18 =	simm.s32 $0x2000  }
0xf: {  	s23 =	simm.s32 $0x2;
	s15 =	ssub.s32 s7, s8;
	s16 =	sadd.s32 s6, s3  }
0x10: {  	s5 =	sadd.s32 $0xCE00, s5;
	s6 =	sor.u32 $0x1C05, s24;
	s7 =	sadd.s32 s11, s10  }
0x11: {  	s8 =	sadd.s32 s12, s10;
	s10 =	sor.u32 $0x400, s10;
	s25 =	sadd.s32 s17, s13  }
0x12: {  	s31 =	sshrl.u32 s13, $0x3;
	s17 =	simm.s32 $0x5;
	s9 =	sadd.s32 s11, s10  }
.Ltmp0:
0x13: {  	s10 =	sadd.s32 s12, s10;
	s11 =	sadd.s32 s11, s14;
	(pc) =	sbr.rel .LBB2_1-.Ltmp0, $4  }
0x14: {  	s12 =	sadd.s32 s12, s14;
	s14 =	sshrl.u32 s25, $0x3;
	s25 =	sadd.s32 s26, s3  }
0x15: {  	s15 =	smax.u32 s15, $0x1;
	s13 =	sadd.s32 s0, s14;
	s0 =	sadd.s32 s0, s31  }
0x16: {  	s16 =	sshrl.u32 s16, $0x3;
	s14 =	sadd.s32 $0x24900, s0;
	s0 =	sadd.s32 $0x124800, s3  }
0x17: {  	s26 =	simm.s32 $0x3;
	s25 =	sshrl.u32 @!p1 s25, $0x3;
	s24 =	sshrl.u32 @p1 s0, $0x3  }
.LBB2_6:
0x18: {  	[tilespmem:s21], [sflag:$0x2] =	stream.indirect.gather [hbm4b:s2+s19], $0x80, s0, s19, $0xb8;
	[tilespmem:$0x1FC00] =	vst v63  }
0x19: {  	s31 =	simm.s32 $0x3F80;
	s0 =	simm.s32 $0x3F00  }
.LBB2_10:
0x1a: {  	_ =	swait.ge [sflag:s22], $0x4000  }
0x1b: {  	[sflag:s22] =	ssyncset.done $0x0  }
0x1c: {  	[sflag:s22] =	ssyncadd.s32 $0xFFFFC000  }
0x1d: {  	[spmem:s3] =	stream.indirect.scatter.add.f32 [tilespmem:s20], [sflag:$0x3], $0x80, s0, s19, $0xb8;
	[tilespmem:$0x1FC00] =	vst v63  }
0x1e: {  	_ =	swait.ge [sflag:s23], $0x4000  }
0x1f: {  	[sflag:s23] =	ssyncset.done $0x0  }
0x20: {  	[sflag:s23] =	ssyncadd.s32 $0xFFFFC000  }
0x21: {  	[spmem:s3] =	stream.indirect.scatter.add.f32 [tilespmem:s21], [sflag:$0x4], $0x80, s31, s19, $0xb8;
	[tilespmem:$0x1FC00] =	vst v63  }
0x22: {  	_ =	swait.ge [sflag:s26], $0x4000  }
0x23: {  	[sflag:s26] =	ssyncset.done $0x0  }
0x24: {  	[sflag:s26] =	ssyncadd.s32 $0xFFFFC000  }
0x25: {  	_ =	swait.ge [sflag:s28], $0x4000  }
0x26: {  	[sflag:s28] =	ssyncset.done $0x0  }
0x27: {  	[sflag:s28] =	ssyncadd.s32 $0xFFFFC000  }
0x28: {  	s0 =	simm.s32 @p1 $0x5;
	[bflag:$0x0] =	sbarrier.arrive $0xFFFF  }
0x29: {  	[hbm:s14], [sflag:s6] =	dma.local @p1 [spmem:s24], $0x2800  }
0x2a: {  	s4 =	sadd.s32 $0x1, s4;
	_ =	swait.ge @p1 [sflag:s0], $0x2800  }
0x2b: {  	p2 =	sne.s32 s4, s15;
	[sflag:s0] =	ssyncset.done @p1 $0x0  }
.Ltmp1:
0x2c: {  	[sflag:s0] =	ssyncadd.s32 @p1 $0xFFFFD800;
	s0 =	simm.s32 @!p1 $0x5;
	(pc) =	sbr.rel @!p2 .LBB2_11-.Ltmp1, $4  }
0x2d: {  	[hbm:s13], [sflag:s6] =	dma.local @!p1 [spmem:s25], $0x2700  }
0x2e: {  	_ =	swait.ge @!p1 [sflag:s0], $0x2700  }
0x2f: {  	[sflag:s0] =	ssyncset.done @!p1 $0x0  }
0x30: {  	[sflag:s0] =	ssyncadd.s32 @!p1 $0xFFFFD900  }
.LBB2_1:
0x31: {  	[spmem:s16], [sflag:s6] =	dma.local [hbm:s5], $0x2780  }
.Ltmp2:
0x32: {  	_ =	swait.ge [sflag:s17], $0x2780;
	(pc) =	sbr.rel @!p0 .LBB2_2-.Ltmp2, $4  }
0x33: {  	[sflag:s17] =	ssyncset.done $0x0  }
0x34: {  	[sflag:s17] =	ssyncadd.s32 $0xFFFFD880  }
0x35: {  	[bflag:$0x0] =	sbarrier.arrive $0xFFFF  }
0x36: {  	s0 =	simm.s32 $0x0  }
0x37: {  	[tilespmem:s0], [sflag:$0x5] =	stream.linear.gather [hbm4b:s11+s0], $0x1000, $0x38;
	[tilespmem:$0x1FC00] =	vst v63  }
0x38: {  	_ =	swait.ge [sflag:s17], $0x1000  }
0x39: {  	[sflag:s17] =	ssyncset.done $0x0  }
0x3a: {  	[sflag:s17] =	ssyncadd.s32 $0xFFFFF000  }
0x3b: {  	[tilespmem:s18], [sflag:$0x5] =	stream.linear.gather [hbm4b:s12+s0], $0x1000, $0x38;
	[tilespmem:$0x1FC00] =	vst v63  }
0x3c: {  	_ =	swait.ge [sflag:s17], $0x1000  }
0x3d: {  	[sflag:s17] =	ssyncset.done $0x0  }
0x3e: {  	[sflag:s17] =	ssyncadd.s32 $0xFFFFF000  }
0x3f: {  	[tilespmem:s20], [sflag:$0x1] =	stream.indirect.gather [hbm4b:s2+s19], $0x80, s0, s19, $0xb8;
	[tilespmem:$0x1FC00] =	vst v63  }
0x40: {  	_ = 	snop  }
0x41: {  	[tilespmem:s21], [sflag:$0x2] =	stream.indirect.gather [hbm4b:s2+s19], $0x80, s19, s19, $0xb8;
	[tilespmem:$0x1FC00] =	vst v63  }
0x42: {  	_ =	swait.ge [sflag:s22], $0x4000  }
0x43: {  	[sflag:s22] =	ssyncset.done $0x0  }
0x44: {  	s1 =	simm.s32 $0x2000;
	[sflag:s22] =	ssyncadd.s32 $0xFFFFC000  }
0x45: {  	[spmem:s3] =	stream.indirect.scatter.add.f32 [tilespmem:s20], [sflag:$0x3], $0x80, s1, s19, $0xb8;
	[tilespmem:$0x1FC00] =	vst v63  }
0x46: {  	_ =	swait.ge [sflag:s23], $0x4000  }
0x47: {  	[sflag:s23] =	ssyncset.done $0x0  }
0x48: {  	s1 =	simm.s32 $0x2080;
	[sflag:s23] =	ssyncadd.s32 $0xFFFFC000  }
0x49: {  	[spmem:s3] =	stream.indirect.scatter.add.f32 [tilespmem:s21], [sflag:$0x4], $0x80, s1, s19, $0xb8;
	[tilespmem:$0x1FC00] =	vst v63  }
0x4a: {  	_ =	swait.ge [sflag:s26], $0x4000  }
0x4b: {  	[sflag:s26] =	ssyncset.done $0x0  }
0x4c: {  	s1 =	simm.s32 $0x100;
	[sflag:s26] =	ssyncadd.s32 $0xFFFFC000  }
0x4d: {  	[tilespmem:s20], [sflag:$0x1] =	stream.indirect.gather [hbm4b:s2+s19], $0x80, s1, s19, $0xb8;
	[tilespmem:$0x1FC00] =	vst v63  }
0x4e: {  	_ =	swait.ge [sflag:s28], $0x4000  }
0x4f: {  	[sflag:s28] =	ssyncset.done $0x0  }
0x50: {  	s31 =	simm.s32 $0x400;
	s0 =	simm.s32 $0x180;
	[sflag:s28] =	ssyncadd.s32 $0xFFFFC000  }
.LBB2_8:
0x51: {  	[tilespmem:s21], [sflag:$0x2] =	stream.indirect.gather [hbm4b:s2+s19], $0x80, s0, s19, $0xb8;
	[tilespmem:$0x1FC00] =	vst v63  }
0x52: {  	s0 =	smov.u32 s31  }
0x53: {  	p2 =	sne.s32 s31, $0x3800;
	s31 =	sadd.s32 $0x400, s31;
	_ =	swait.ge [sflag:s22], $0x4000  }
0x54: {  	s0 =	sshra.s32 s0, $0x2;
	[sflag:s22] =	ssyncset.done $0x0  }
0x55: {  	s1 =	sadd.s32 $0x2000, s0;
	[sflag:s22] =	ssyncadd.s32 $0xFFFFC000  }
0x56: {  	[spmem:s3] =	stream.indirect.scatter.add.f32 [tilespmem:s20], [sflag:$0x3], $0x80, s1, s19, $0xb8;
	[tilespmem:$0x1FC00] =	vst v63  }
0x57: {  	_ =	swait.ge [sflag:s23], $0x4000  }
0x58: {  	[sflag:s23] =	ssyncset.done $0x0  }
0x59: {  	s1 =	sadd.s32 $0x2080, s0;
	[sflag:s23] =	ssyncadd.s32 $0xFFFFC000  }
0x5a: {  	[spmem:s3] =	stream.indirect.scatter.add.f32 [tilespmem:s21], [sflag:$0x4], $0x80, s1, s19, $0xb8;
	[tilespmem:$0x1FC00] =	vst v63  }
0x5b: {  	_ =	swait.ge [sflag:s26], $0x4000  }
0x5c: {  	[sflag:s26] =	ssyncset.done $0x0  }
.Ltmp3:
0x5d: {  	s1 =	sadd.s32 $0x100, s0;
	[sflag:s26] =	ssyncadd.s32 $0xFFFFC000;
	(pc) =	sbr.rel @p2 .LBB2_8-.Ltmp3, $4  }
0x5e: {  	[tilespmem:s20], [sflag:$0x1] =	stream.indirect.gather [hbm4b:s2+s19], $0x80, s1, s19, $0xb8;
	[tilespmem:$0x1FC00] =	vst v63  }
0x5f: {  	_ =	swait.ge [sflag:s28], $0x4000  }
0x60: {  	[sflag:s28] =	ssyncset.done $0x0  }
0x61: {  	s0 =	sadd.s32 $0x180, s0;
	[sflag:s28] =	ssyncadd.s32 $0xFFFFC000  }
.Ltmp4:
0x62: {  	(pc) =	sbr.rel .LBB2_10-.Ltmp4, $3  }
0x63: {  	_ =	sdelay $0x1  }
0x64: {  	[tilespmem:s21], [sflag:$0x2] =	stream.indirect.gather [hbm4b:s2+s19], $0x80, s0, s19, $0xb8;
	[tilespmem:$0x1FC00] =	vst v63  }
0x65: {  	s31 =	simm.s32 $0x2F80;
	s0 =	simm.s32 $0x2F00  }
.LBB2_2:
0x66: {  	[tilespmem:s0], [sflag:$0x5] =	stream.linear.gather [hbm4b:s7+s0], $0x2000, $0x38;
	[tilespmem:$0x1FC00] =	vst v63  }
0x67: {  	_ =	swait.ge [sflag:s17], $0x2000  }
0x68: {  	[sflag:s17] =	ssyncset.done $0x0  }
0x69: {  	[sflag:s17] =	ssyncadd.s32 $0xFFFFE000  }
0x6a: {  	[tilespmem:s18], [sflag:$0x5] =	stream.linear.gather [hbm4b:s8+s0], $0x2000, $0x38;
	[tilespmem:$0x1FC00] =	vst v63  }
0x6b: {  	_ =	swait.ge [sflag:s17], $0x2000  }
0x6c: {  	[sflag:s17] =	ssyncset.done $0x0  }
0x6d: {  	[sflag:s17] =	ssyncadd.s32 $0xFFFFE000  }
0x6e: {  	[tilespmem:s20], [sflag:$0x1] =	stream.indirect.gather [hbm4b:s2+s19], $0x80, s0, s19, $0xb8;
	[tilespmem:$0x1FC00] =	vst v63  }
0x6f: {  	_ = 	snop  }
0x70: {  	[tilespmem:s21], [sflag:$0x2] =	stream.indirect.gather [hbm4b:s2+s19], $0x80, s19, s19, $0xb8;
	[tilespmem:$0x1FC00] =	vst v63  }
0x71: {  	_ =	swait.ge [sflag:s22], $0x4000  }
0x72: {  	[sflag:s22] =	ssyncset.done $0x0  }
0x73: {  	s1 =	simm.s32 $0x2000;
	[sflag:s22] =	ssyncadd.s32 $0xFFFFC000  }
0x74: {  	[spmem:s3] =	stream.indirect.scatter.add.f32 [tilespmem:s20], [sflag:$0x3], $0x80, s1, s19, $0xb8;
	[tilespmem:$0x1FC00] =	vst v63  }
0x75: {  	_ =	swait.ge [sflag:s23], $0x4000  }
0x76: {  	[sflag:s23] =	ssyncset.done $0x0  }
0x77: {  	s1 =	simm.s32 $0x2080;
	[sflag:s23] =	ssyncadd.s32 $0xFFFFC000  }
0x78: {  	[spmem:s3] =	stream.indirect.scatter.add.f32 [tilespmem:s21], [sflag:$0x4], $0x80, s1, s19, $0xb8;
	[tilespmem:$0x1FC00] =	vst v63  }
0x79: {  	_ =	swait.ge [sflag:s26], $0x4000  }
0x7a: {  	[sflag:s26] =	ssyncset.done $0x0  }
0x7b: {  	s1 =	simm.s32 $0x100;
	[sflag:s26] =	ssyncadd.s32 $0xFFFFC000  }
0x7c: {  	[tilespmem:s20], [sflag:$0x1] =	stream.indirect.gather [hbm4b:s2+s19], $0x80, s1, s19, $0xb8;
	[tilespmem:$0x1FC00] =	vst v63  }
0x7d: {  	_ =	swait.ge [sflag:s28], $0x4000  }
0x7e: {  	[sflag:s28] =	ssyncset.done $0x0  }
0x7f: {  	s31 =	simm.s32 $0x400;
	s0 =	simm.s32 $0x180;
	[sflag:s28] =	ssyncadd.s32 $0xFFFFC000  }
.LBB2_3:
0x80: {  	[tilespmem:s21], [sflag:$0x2] =	stream.indirect.gather [hbm4b:s2+s19], $0x80, s0, s19, $0xb8;
	[tilespmem:$0x1FC00] =	vst v63  }
0x81: {  	s0 =	smov.u32 s31  }
0x82: {  	p2 =	sne.s32 s31, $0x7800;
	s31 =	sadd.s32 $0x400, s31;
	_ =	swait.ge [sflag:s22], $0x4000  }
0x83: {  	s0 =	sshra.s32 s0, $0x2;
	[sflag:s22] =	ssyncset.done $0x0  }
0x84: {  	s1 =	sadd.s32 $0x2000, s0;
	[sflag:s22] =	ssyncadd.s32 $0xFFFFC000  }
0x85: {  	[spmem:s3] =	stream.indirect.scatter.add.f32 [tilespmem:s20], [sflag:$0x3], $0x80, s1, s19, $0xb8;
	[tilespmem:$0x1FC00] =	vst v63  }
0x86: {  	_ =	swait.ge [sflag:s23], $0x4000  }
0x87: {  	[sflag:s23] =	ssyncset.done $0x0  }
0x88: {  	s1 =	sadd.s32 $0x2080, s0;
	[sflag:s23] =	ssyncadd.s32 $0xFFFFC000  }
0x89: {  	[spmem:s3] =	stream.indirect.scatter.add.f32 [tilespmem:s21], [sflag:$0x4], $0x80, s1, s19, $0xb8;
	[tilespmem:$0x1FC00] =	vst v63  }
0x8a: {  	_ =	swait.ge [sflag:s26], $0x4000  }
0x8b: {  	[sflag:s26] =	ssyncset.done $0x0  }
.Ltmp5:
0x8c: {  	s1 =	sadd.s32 $0x100, s0;
	[sflag:s26] =	ssyncadd.s32 $0xFFFFC000;
	(pc) =	sbr.rel @p2 .LBB2_3-.Ltmp5, $4  }
0x8d: {  	[tilespmem:s20], [sflag:$0x1] =	stream.indirect.gather [hbm4b:s2+s19], $0x80, s1, s19, $0xb8;
	[tilespmem:$0x1FC00] =	vst v63  }
0x8e: {  	_ =	swait.ge [sflag:s28], $0x4000  }
0x8f: {  	[sflag:s28] =	ssyncset.done $0x0  }
0x90: {  	s0 =	sadd.s32 $0x180, s0;
	[sflag:s28] =	ssyncadd.s32 $0xFFFFC000  }
0x91: {  	[tilespmem:s21], [sflag:$0x2] =	stream.indirect.gather [hbm4b:s2+s19], $0x80, s0, s19, $0xb8;
	[tilespmem:$0x1FC00] =	vst v63  }
0x92: {  	_ =	swait.ge [sflag:s22], $0x4000  }
0x93: {  	[sflag:s22] =	ssyncset.done $0x0  }
0x94: {  	[sflag:s22] =	ssyncadd.s32 $0xFFFFC000  }
0x95: {  	[spmem:s3] =	stream.indirect.scatter.add.f32 [tilespmem:s20], [sflag:$0x3], $0x80, s29, s19, $0xb8;
	[tilespmem:$0x1FC00] =	vst v63  }
0x96: {  	_ =	swait.ge [sflag:s23], $0x4000  }
0x97: {  	[sflag:s23] =	ssyncset.done $0x0  }
0x98: {  	[sflag:s23] =	ssyncadd.s32 $0xFFFFC000  }
0x99: {  	[spmem:s3] =	stream.indirect.scatter.add.f32 [tilespmem:s21], [sflag:$0x4], $0x80, s30, s19, $0xb8;
	[tilespmem:$0x1FC00] =	vst v63  }
0x9a: {  	_ =	swait.ge [sflag:s26], $0x4000  }
0x9b: {  	[sflag:s26] =	ssyncset.done $0x0  }
0x9c: {  	[sflag:s26] =	ssyncadd.s32 $0xFFFFC000  }
0x9d: {  	_ =	swait.ge [sflag:s28], $0x4000  }
0x9e: {  	[sflag:s28] =	ssyncset.done $0x0  }
0x9f: {  	s1 =	simm.s32 $0x0;
	[sflag:s28] =	ssyncadd.s32 $0xFFFFC000  }
0xa0: {  	[tilespmem:s1], [sflag:$0x5] =	stream.linear.gather [hbm4b:s9+s1], $0x2000, $0x38;
	[tilespmem:$0x1FC00] =	vst v63  }
0xa1: {  	_ =	swait.ge [sflag:s17], $0x2000  }
0xa2: {  	[sflag:s17] =	ssyncset.done $0x0  }
0xa3: {  	[sflag:s17] =	ssyncadd.s32 $0xFFFFE000  }
0xa4: {  	[tilespmem:s18], [sflag:$0x5] =	stream.linear.gather [hbm4b:s10+s1], $0x2000, $0x38;
	[tilespmem:$0x1FC00] =	vst v63  }
0xa5: {  	_ =	swait.ge [sflag:s17], $0x2000  }
0xa6: {  	[sflag:s17] =	ssyncset.done $0x0  }
0xa7: {  	[sflag:s17] =	ssyncadd.s32 $0xFFFFE000  }
0xa8: {  	[tilespmem:s20], [sflag:$0x1] =	stream.indirect.gather [hbm4b:s2+s19], $0x80, s1, s19, $0xb8;
	[tilespmem:$0x1FC00] =	vst v63  }
0xa9: {  	_ = 	snop  }
0xaa: {  	[tilespmem:s21], [sflag:$0x2] =	stream.indirect.gather [hbm4b:s2+s19], $0x80, s19, s19, $0xb8;
	[tilespmem:$0x1FC00] =	vst v63  }
0xab: {  	_ =	swait.ge [sflag:s22], $0x4000  }
0xac: {  	[sflag:s22] =	ssyncset.done $0x0  }
0xad: {  	s1 =	simm.s32 $0x2000;
	[sflag:s22] =	ssyncadd.s32 $0xFFFFC000  }
0xae: {  	[spmem:s3] =	stream.indirect.scatter.add.f32 [tilespmem:s20], [sflag:$0x3], $0x80, s1, s19, $0xb8;
	[tilespmem:$0x1FC00] =	vst v63  }
0xaf: {  	_ =	swait.ge [sflag:s23], $0x4000  }
0xb0: {  	[sflag:s23] =	ssyncset.done $0x0  }
0xb1: {  	s1 =	simm.s32 $0x2080;
	[sflag:s23] =	ssyncadd.s32 $0xFFFFC000  }
0xb2: {  	[spmem:s3] =	stream.indirect.scatter.add.f32 [tilespmem:s21], [sflag:$0x4], $0x80, s1, s19, $0xb8;
	[tilespmem:$0x1FC00] =	vst v63  }
0xb3: {  	_ =	swait.ge [sflag:s26], $0x4000  }
0xb4: {  	p2 =	por $0x0, $0x0;
	[sflag:s26] =	ssyncset.done $0x0  }
.Ltmp6:
0xb5: {  	s1 =	simm.s32 $0x100;
	[sflag:s26] =	ssyncadd.s32 $0xFFFFC000;
	(pc) =	sbr.rel @p2 .LBB2_6-.Ltmp6, $4  }
0xb6: {  	[tilespmem:s20], [sflag:$0x1] =	stream.indirect.gather [hbm4b:s2+s19], $0x80, s1, s19, $0xb8;
	[tilespmem:$0x1FC00] =	vst v63  }
0xb7: {  	_ =	swait.ge [sflag:s28], $0x4000  }
0xb8: {  	[sflag:s28] =	ssyncset.done $0x0  }
0xb9: {  	s31 =	simm.s32 $0x400;
	s0 =	simm.s32 $0x180;
	[sflag:s28] =	ssyncadd.s32 $0xFFFFC000  }
.LBB2_5:
0xba: {  	[tilespmem:s21], [sflag:$0x2] =	stream.indirect.gather [hbm4b:s2+s19], $0x80, s0, s19, $0xb8;
	[tilespmem:$0x1FC00] =	vst v63  }
0xbb: {  	s0 =	smov.u32 s31  }
0xbc: {  	p2 =	seq.s32 s31, $0x7800;
	s31 =	sadd.s32 $0x400, s31;
	_ =	swait.ge [sflag:s22], $0x4000  }
0xbd: {  	s0 =	sshra.s32 s0, $0x2;
	[sflag:s22] =	ssyncset.done $0x0  }
0xbe: {  	s1 =	sadd.s32 $0x2000, s0;
	[sflag:s22] =	ssyncadd.s32 $0xFFFFC000  }
0xbf: {  	[spmem:s3] =	stream.indirect.scatter.add.f32 [tilespmem:s20], [sflag:$0x3], $0x80, s1, s19, $0xb8;
	[tilespmem:$0x1FC00] =	vst v63  }
0xc0: {  	_ =	swait.ge [sflag:s23], $0x4000  }
0xc1: {  	[sflag:s23] =	ssyncset.done $0x0  }
0xc2: {  	s1 =	sadd.s32 $0x2080, s0;
	[sflag:s23] =	ssyncadd.s32 $0xFFFFC000  }
0xc3: {  	[spmem:s3] =	stream.indirect.scatter.add.f32 [tilespmem:s21], [sflag:$0x4], $0x80, s1, s19, $0xb8;
	[tilespmem:$0x1FC00] =	vst v63  }
0xc4: {  	_ =	swait.ge [sflag:s26], $0x4000  }
0xc5: {  	[sflag:s26] =	ssyncset.done $0x0  }
.Ltmp7:
0xc6: {  	s1 =	sadd.s32 $0x100, s0;
	[sflag:s26] =	ssyncadd.s32 $0xFFFFC000;
	(pc) =	sbr.rel @!p2 .LBB2_5-.Ltmp7, $4  }
0xc7: {  	[tilespmem:s20], [sflag:$0x1] =	stream.indirect.gather [hbm4b:s2+s19], $0x80, s1, s19, $0xb8;
	[tilespmem:$0x1FC00] =	vst v63  }
0xc8: {  	_ =	swait.ge [sflag:s28], $0x4000  }
0xc9: {  	[sflag:s28] =	ssyncset.done $0x0  }
0xca: {  	s0 =	sadd.s32 $0x180, s0;
	[sflag:s28] =	ssyncadd.s32 $0xFFFFC000  }
.Ltmp8:
0xcb: {  	_ = 	snop;
	(pc) =	sbr.rel .LBB2_6-.Ltmp8, $1  }
0xcc: {  	_ =	sdelay $0x3  }
.LBB2_11:
0xcd: {  	_ =	sfence.sel $0x180000  }
0xce: {  	[bflag:$0x0] =	sbarrier.arrive $0xFFFF  }
0xcf: {  	_ =	strace $0x9000004A  }
0xd0: {  	s0 =	stileid.u32;
	[bflag:$0x2] =	sbarrier.arrive $0xFFFF  }
0xd1: {  	p0 =	sne.s32 s0, $0x0;
	s0 =	rddreg [dreg:$0x4]  }
0xd2: {  	s0 =	sadd.s32 @!p0 $0x100000, s0  }
0xd3: {  	[sflag:s0] =	ssyncadd.tile.s32 @!p0 $0x1;
	_ =	shalt  }
.Lfunc_end2:
_tile_overlayer_lowered:
.L_overlay_start_2:
0xd4: {  	(tag) =	ssettag $0x2  }
0xd5: {  	s0 =	rddreg [dreg:$0x0];
	s2 =	stileid.u32  }
0xd6: {  	s1 =	rddreg [dreg:$0x1];
	p0 =	sne.s32 s2, $0x0  }
0xd7: {  	s3 =	rddreg [dreg:$0x2];
	[bflag:$0x3] =	sbarrier.arrive $0xFFFF;
	s2 =	simm.s32 @!p0 $0x1C05  }
0xd8: {  	[timem:s3], [sflag:s2] =	dma.local @!p0 [hbm:s0], s1  }
0xd9: {  	s0 =	simm.s32 @!p0 $0x5  }
0xda: {  	_ =	swait.ge @!p0 [sflag:s0], s1  }
0xdb: {  	s1 =	ssub.s32 @!p0 $0x0, s1;
	[sflag:s0] =	ssyncset.done @!p0 $0x0  }
0xdc: {  	[sflag:s0] =	ssyncadd.s32 @!p0 s1  }
0xdd: {  	[bflag:$0x3] =	sbarrier.arrive $0xFFFF  }
0xde: {  	_ =	shalt  }

// kernel: kernel.13.cloned.1.call-start
scs
__scs_entry_jumppad:
0x0: {  	(pc) =	sbr.rel $0x88, $3  }
0x1: {  	(tag) =	ssettag $0x0;
	lr =	simm.s32 $0x1  }
0x2: {  	[smem:$0x3F97] =	sst lr;
	_ =	strace $0xD0000000  }
0x3: {  	_ = 	snop  }
0x4: {  	_ = 	snop  }
0x5: {  	_ = 	snop  }
0x6: {  	_ = 	snop  }
0x7: {  	_ = 	snop  }
__scs_overlays_trampoline_lowered:
0x8: {  	[smem:$0x3FA6] =	sst s0  }
0x9: {  	[smem:$0x3FA7] =	sst s1  }
0xa: {  	[smem:$0x3FA8] =	sst s2  }
0xb: {  	[smem:$0x3FA9] =	sst s3  }
0xc: {  	[smem:$0x3FAA] =	sst s4  }
0xd: {  	[smem:$0x3FAB] =	sst s5  }
0xe: {  	[smem:$0x3FAC] =	sst s6  }
0xf: {  	[smem:$0x3FAD] =	sst s7  }
0x10: {  	[smem:$0x3FAE] =	sst s8  }
0x11: {  	[smem:$0x3FAF] =	sst s9;
	s0 =	simm.s32 @!p0 $0x0  }
0x12: {  	s1 =	sld [smem:$0x3F95];
	s0 =	simm.s32 @p0 $0x1  }
0x13: {  	[smem:$0x3FB0] =	sst s0;
	s0 =	simm.s32 @!p1 $0x0  }
0x14: {  	s2 =	sld [smem:$0x3F94];
	s0 =	simm.s32 @p1 $0x1  }
0x15: {  	[smem:$0x3FB1] =	sst s0;
	s0 =	simm.s32 @!p2 $0x0  }
0x16: {  	s3 =	sld [smem:$0x3FDB];
	s0 =	simm.s32 @p2 $0x1  }
0x17: {  	s4 =	simm.s32 $0x1BF5;
	[smem:$0x3FB3] =	sst s0  }
0x18: {  	s0 =	sld [smem:$0x3F96];
	_ =	swait.ge [sflag:s4], $0x0  }
0x19: {  	s7 =	sld [smem:$0x3F97]  }
0x1a: {  	s8 =	sadd.s32 $0xFFFFE003, lr  }
0x1b: {  	s9 =	sadd.s32 $0xFFFFFEF7, lr;
	s5 =	simm.s32 $0xFFFFFFFF;
	p2 =	slt.u32 s8, $0xFFFFF086  }
0x1c: {  	p1 =	slt.u32 s9, $0xF7A;
	s5 =	simm.s32 @!p2 $0x0  }
0x1d: {  	s5 =	simm.s32 @p1 $0x1;
	p0 =	seq.s32 s7, s2  }
0x1e: {  	s7 =	smul.u32 @!p0 $0xF7A, s2;
	p2 =	seq.s32 @!p0 s5, $0x0  }
0x1f: {  	s9 =	smul.u32 $0xF7A, s1;
	s8 =	simm.s32 @!p0 $0x1BF5;
	p2 =	por !p2, p0  }
0x20: {  	[sflag:s8] =	ssyncset.s32 @!p0 $0xFFFFF086;
	s6 =	sadd.s32 @!p0 s3, s7;
	s7 =	simm.s32 @!p0 $0x108  }
0x21: {  	s3 =	sadd.s32 s3, s9;
	s6 =	sadd.s32 @!p0 $0x88, s6;
	s7 =	simm.s32 @p2 $0x1082  }
0x22: {  	[simem:s7], [sflag:s8] =	dma.local @!p0 [hbm:s6], $0xF7A  }
0x23: {  	s9 =	sor.u32 $0xD0000000, s2;
	s6 =	simm.s32 $0x108;
	_ =	swait.ge @!p0 [sflag:s8], $0x0  }
0x24: {  	s3 =	sadd.s32 $0x88, s3;
	s6 =	simm.s32 @!p1 $0x1082;
	[sflag:s4] =	ssyncset.s32 $0xFFFFF086  }
0x25: {  	[simem:s6], [sflag:s4] =	dma.local [hbm:s3], $0xF7A  }
0x26: {  	[smem:$0x3F97] =	sst s1;
	(tag) =	ssettag s2;
	_ =	strace s9  }
0x27: {  	s1 =	sld [smem:$0x3FA7]  }
0x28: {  	s2 =	sld [smem:$0x3FA8]  }
0x29: {  	s4 =	sld [smem:$0x3FAA]  }
0x2a: {  	p0 =	seq.s32 s5, $0x0;
	s5 =	sld [smem:$0x3FAB]  }
0x2b: {  	s6 =	sld [smem:$0x3FAC]  }
0x2c: {  	s7 =	sld [smem:$0x3FAD]  }
0x2d: {  	s3 =	simm.s32 $0x108;
	s8 =	sld [smem:$0x3FAE]  }
0x2e: {  	s3 =	simm.s32 @!p0 $0x1082;
	s9 =	sld [smem:$0x3FAF]  }
0x2f: {  	lr =	sadd.s32 s0, s3;
	s0 =	sld [smem:$0x3FA6]  }
0x30: {  	s3 =	sld [smem:$0x3FA9]  }
0x31: {  	[smem:$0x3FB2] =	sst s10  }
0x32: {  	s10 =	sld [smem:$0x3FB0];
	_ =	sdelay $0x3  }
0x33: {  	p0 =	seq.s32 s10, $0x1;
	s10 =	sld [smem:$0x3FB2];
	_ =	sdelay $0x3  }
0x34: {  	[smem:$0x3FB2] =	sst s10  }
0x35: {  	s10 =	sld [smem:$0x3FB1];
	_ =	sdelay $0x3  }
0x36: {  	p1 =	seq.s32 s10, $0x1;
	s10 =	sld [smem:$0x3FB2];
	_ =	sdelay $0x3  }
0x37: {  	[smem:$0x3FB2] =	sst s10  }
0x38: {  	s10 =	sld [smem:$0x3FB3]  }
0x39: {  	_ = 	snop;
	(pc) =	sbr.ind lr, $3  }
0x3a: {  	_ = 	snop  }
0x3b: {  	_ = 	snop  }
0x3c: {  	p2 =	seq.s32 s10, $0x1;
	s10 =	sld [smem:$0x3FB2]  }
0x3d: {  	_ =	shalt  }
0x3e: {  	_ =	shalt  }
0x3f: {  	_ =	shalt  }
0x40: {  	_ =	shalt  }
0x41: {  	_ =	shalt  }
0x42: {  	_ =	shalt  }
0x43: {  	_ =	shalt  }
0x44: {  	_ =	shalt  }
0x45: {  	_ =	shalt  }
0x46: {  	_ =	shalt  }
0x47: {  	_ =	shalt  }
0x48: {  	_ =	shalt  }
0x49: {  	_ =	shalt  }
0x4a: {  	_ =	shalt  }
0x4b: {  	_ =	shalt  }
0x4c: {  	_ =	shalt  }
0x4d: {  	_ =	shalt  }
0x4e: {  	_ =	shalt  }
0x4f: {  	_ =	shalt  }
0x50: {  	_ =	shalt  }
0x51: {  	_ =	shalt  }
0x52: {  	_ =	shalt  }
0x53: {  	_ =	shalt  }
0x54: {  	_ =	shalt  }
0x55: {  	_ =	shalt  }
0x56: {  	_ =	shalt  }
0x57: {  	_ =	shalt  }
0x58: {  	_ =	shalt  }
0x59: {  	_ =	shalt  }
0x5a: {  	_ =	shalt  }
0x5b: {  	_ =	shalt  }
0x5c: {  	_ =	shalt  }
0x5d: {  	_ =	shalt  }
0x5e: {  	_ =	shalt  }
0x5f: {  	_ =	shalt  }
0x60: {  	_ =	shalt  }
0x61: {  	_ =	shalt  }
0x62: {  	_ =	shalt  }
0x63: {  	_ =	shalt  }
0x64: {  	_ =	shalt  }
0x65: {  	_ =	shalt  }
0x66: {  	_ =	shalt  }
0x67: {  	_ =	shalt  }
0x68: {  	_ =	shalt  }
0x69: {  	_ =	shalt  }
0x6a: {  	_ =	shalt  }
0x6b: {  	_ =	shalt  }
0x6c: {  	_ =	shalt  }
0x6d: {  	_ =	shalt  }
0x6e: {  	_ =	shalt  }
0x6f: {  	_ =	shalt  }
0x70: {  	_ =	shalt  }
0x71: {  	_ =	shalt  }
0x72: {  	_ =	shalt  }
0x73: {  	_ =	shalt  }
0x74: {  	_ =	shalt  }
0x75: {  	_ =	shalt  }
0x76: {  	_ =	shalt  }
0x77: {  	_ =	shalt  }
0x78: {  	_ =	shalt  }
0x79: {  	_ =	shalt  }
0x7a: {  	_ =	shalt  }
0x7b: {  	_ =	shalt  }
0x7c: {  	_ =	shalt  }
0x7d: {  	_ =	shalt  }
0x7e: {  	_ =	shalt  }
0x7f: {  	_ =	shalt  }
0x80: {  	_ =	shalt  }
0x81: {  	_ =	shalt  }
0x82: {  	_ =	shalt  }
0x83: {  	_ =	shalt  }
0x84: {  	_ =	shalt  }
0x85: {  	_ =	shalt  }
0x86: {  	_ =	shalt  }
0x87: {  	_ =	shalt  }
.Lfunc_end0:
.L_simem_size_0:
called_computation.2_lowered:
.L_overlay_start_0:
0x88: {  	s2 =	sld [smem:$0x3FD9]  }
0x89: {  	s3 =	sld [smem:$0x3FFE];
	_ =	sdelay $0x1  }
0x8a: {  	s1 =	srdreg.scid  }
0x8b: {  	s0 =	sand.u32 $0x1, s1  }
0x8c: {  	s17 =	sshll.u32 s0, $0xA;
	s2 =	sadd.s32 s3, s2  }
0x8d: {  	s2 =	sadd.s32 s2, s17  }
0x8e: {  	[smem:$0x3FBE] =	sst s2  }
0x8f: {  	_ = 	snop  }
0x90: {  	s2 =	sld [smem:$0x3FD0];
	(tm) =	ssettm $0x1  }
0x91: {  	s18 =	sld [smem:$0x3FFB];
	_ =	sdelay $0x3  }
0x92: {  	_ =	strace s18  }
0x93: {  	s3 =	sld [smem:$0x3FFC];
	_ =	sdelay $0x3  }
0x94: {  	_ =	strace s3  }
0x95: {  	s3 =	sld [smem:$0x3FFD];
	_ =	sdelay $0x3  }
0x96: {  	_ =	strace s3  }
0x97: {  	_ =	strace $0x8FFFFFFF  }
0x98: {  	s19 =	sld [smem:$0x3FDB];
	_ =	sdelay $0x1  }
0x99: {  	s4 =	simm.s32 $_scs_section_size  }
0x9a: {  	s5 =	simm.s32 $_size__tile_overlayer_lowered;
	s6 =	simm.s32 $_tile_overlayer_lowered  }
0x9b: {  	s22 =	simm.s32 $0x1BFF;
	s21 =	sshll.u32 s6, $0x1;
	s3 =	sadd.s32 s4, s19  }
0x9c: {  	s7 =	simm.s32 $0x0;
	s20 =	sshll.u32 s5, $0x1;
	s5 =	sadd.s32 s21, s3  }
0x9d: {  	[timem:s7], [sflag:s22] =	dma.local [hbm:s5], s20  }
0x9e: {  	_ =	swait.ge [sflag:s22], s20  }
0x9f: {  	s4 =	ssub.s32 $0x0, s20;
	[sflag:s22] =	ssyncset.done $0x0  }
0xa0: {  	[sflag:s22] =	ssyncadd.s32 s4;
	_ =	sdelay $0x1  }
0xa1: {  	s23 =	simm.s32 $0x1B8B  }
0xa2: {  	_ =	swait.ge [sflag:s23], $0x1  }
0xa3: {  	[sflag:s23] =	ssyncset.done $0x0  }
0xa4: {  	s25 =	simm.s32 $0x1B8E;
	s24 =	sld [smem:$0x3FFE];
	[sflag:s23] =	ssyncadd.s32 $0xFFFFFFFF  }
0xa5: {  	s26 =	simm.s32 $execute0_lowered;
	[smem:$0x3FD2] =	sst s25  }
0xa6: {  	s5 =	sshll.u32 s26, $0x1;
	_ =	strace $0x8000004C;
	[dreg:$0x1] =	wrdreg $0xFFFFFFFF  }
0xa7: {  	s28 =	simm.s32 $_size_execute0_lowered;
	s3 =	sadd.s32 s3, s5;
	[dreg:$0x0] =	wrdreg $0x0  }
0xa8: {  	s5 =	sshll.u32 s28, $0x1;
	[dreg:$0x2] =	wrdreg s3  }
0xa9: {  	[dreg:$0x3] =	wrdreg s5  }
0xaa: {  	[dreg:$0x4] =	wrdreg $0xC0  }
0xab: {  	_ =	task [dreg:s7], $0x5FFFF  }
0xac: {  	[dreg:$0x1] =	wrdreg $0xFFFFFFFF  }
0xad: {  	[dreg:$0x0] =	wrdreg $0x60  }
0xae: {  	[dreg:$0x2] =	wrdreg s24  }
0xaf: {  	[dreg:$0x3] =	wrdreg s2  }
0xb0: {  	[dreg:$0x4] =	wrdreg $0xC0000  }
0xb1: {  	[dreg:$0x5] =	wrdreg $0x9  }
0xb2: {  	_ =	task.clear_ibuf [dreg:s7], $0x6FFFF;
	_ =	strace $0x9000004C  }
0xb3: {  	s29 =	simm.s32 $0x9;
	_ =	strace $0x8000004E  }
0xb4: {  	_ =	swait.ge [sflag:s29], $0x1  }
0xb5: {  	[sflag:s29] =	ssyncadd.s32 $0xFFFFFFFF  }
0xb6: {  	_ =	strace $0x9000004E  }
0xb7: {  	_ =	sfence  }
0xb8: {  	s30 =	sld [smem:$0x0];
	_ =	sdelay $0x2  }
0xb9: {  	s31 =	sshll.u32 s1, $0xD;
	s1 =	sshrl.u32 s1, $0x2  }
0xba: {  	s3 =	sand.u32 $0x4000, s31;
	s1 =	sadd.s32 s1, s30  }
0xbb: {  	s0 =	sor.u32 s3, s0;
	s1 =	sshll.u32 s1, $0x11  }
0xbc: {  	s0 =	sor.u32 s1, s0  }
0xbd: {  	s0 =	sadd.s32 $0x8F2B, s0  }
0xbe: {  	[sflag:s0] =	ssyncadd.remote.s32 $0x1  }
0xbf: {  	_ =	sfence.sel $0xFFFF  }
0xc0: {  	[dreg:$0x0] =	wrdreg $0xFFFFFFFF;
	(pc) =	sbr.abs _section_cstart, $3  }
0xc1: {  	[dreg:$0x1] =	wrdreg $0xFFFFFFFF  }
0xc2: {  	_ =	task.clear_ibuf [dreg:s7], $0x2FFFF;
	_ =	strace $0x9FFFFFFF  }
0xc3: {  	(tm) =	ssettm $0x7FFFFFFF  }
tec
execute0_lowered:
.L_overlay_start_1:
0x0: {  	(tag) =	ssettag $0x1  }
0x1: {  	s0 =	rddreg [dreg:$0x0]  }
0x2: {  	s12 =	rddreg [dreg:$0x1]  }
0x3: {  	s2 =	rddreg [dreg:$0x2]  }
0x4: {  	s3 =	simm.s32 $0x0;
	s1 =	stileid.u32;
	s4 =	srdreg.scid  }
0x5: {  	s19 =	simm.s32 $0x80;
	s20 =	simm.s32 $0x4000;
	s21 =	simm.s32 $0x8000  }
0x6: {  	s22 =	simm.s32 $0x1;
	s23 =	simm.s32 $0x2;
	s28 =	simm.s32 $0x4  }
0x7: {  	s29 =	simm.s32 $0x3F00;
	s30 =	simm.s32 $0x3F80;
	s5 =	smul.u32 $0x2780, s1  }
0x8: {  	[smem:$0x7FF] =	sst s3;
	s9 =	sand.u32 $0x1, s4;
	s6 =	smul.u32 $0x4F000, s1  }
0x9: {  	s11 =	sadd.s32 $0x2600, s0;
	s4 =	sadd.s32 $0x82800, s0;
	s24 =	sshll.u32 s1, $0x6  }
0xa: {  	s10 =	sshll.u32 s1, $0xB;
	s14 =	sshll.u32 s1, $0x9;
	s17 =	smul.u32 $0x13800, s1  }
0xb: {  	s18 =	smul.u32 $0x4E000, s1;
	p1 =	seq.s32 s1, $0xF;
	_ =	strace $0x8000004D  }
0xc: {  	s7 =	ssub.s32 $0x2, s9;
	p0 =	seq.s32 s9, $0x1;
	s13 =	smul.u32 $0x138800, s9  }
0xd: {  	s14 =	sor.u32 $0x8000, s14;
	s5 =	sadd.s32 s5, s0;
	s8 =	sshrl.u32 s7, $0x1  }
0xe: {  	s6 =	sshrl.u32 s6, $0x2;
	s0 =	sadd.s32 $0xA9A00, s0;
	s26 =	sshrl.u32 s18, $0x2  }
0xf: {  	s18 =	simm.s32 $0x2000;
	s15 =	ssub.s32 s7, s8;
	s16 =	sadd.s32 s6, s2  }
0x10: {  	s5 =	sadd.s32 $0xCE00, s5;
	s6 =	sor.u32 $0x1C05, s24;
	s7 =	sadd.s32 s11, s10  }
0x11: {  	s8 =	sadd.s32 s12, s10;
	s10 =	sor.u32 $0x400, s10;
	s25 =	sadd.s32 s17, s13  }
0x12: {  	s31 =	sshrl.u32 s13, $0x3;
	s17 =	simm.s32 $0x5;
	s9 =	sadd.s32 s11, s10  }
.Ltmp0:
0x13: {  	s10 =	sadd.s32 s12, s10;
	s11 =	sadd.s32 s11, s14;
	(pc) =	sbr.rel .LBB2_1-.Ltmp0, $4  }
0x14: {  	s12 =	sadd.s32 s12, s14;
	s14 =	sshrl.u32 s25, $0x3;
	s25 =	sadd.s32 s26, s2  }
0x15: {  	s15 =	smax.u32 s15, $0x1;
	s13 =	sadd.s32 s0, s14;
	s0 =	sadd.s32 s0, s31  }
0x16: {  	s16 =	sshrl.u32 s16, $0x3;
	s14 =	sadd.s32 $0x24900, s0;
	s0 =	sadd.s32 $0x124800, s2  }
0x17: {  	s26 =	simm.s32 $0x3;
	s25 =	sshrl.u32 @!p1 s25, $0x3;
	s24 =	sshrl.u32 @p1 s0, $0x3  }
.LBB2_6:
0x18: {  	[tilespmem:s21], [sflag:$0x2] =	stream.indirect.gather [hbm4b:s4+s19], $0x80, s0, s19, $0xb8;
	[tilespmem:$0x1FC00] =	vst v63  }
0x19: {  	s31 =	simm.s32 $0x3F80;
	s0 =	simm.s32 $0x3F00  }
.LBB2_10:
0x1a: {  	_ =	swait.ge [sflag:s22], $0x4000  }
0x1b: {  	[sflag:s22] =	ssyncset.done $0x0  }
0x1c: {  	[sflag:s22] =	ssyncadd.s32 $0xFFFFC000  }
0x1d: {  	[spmem:s2] =	stream.indirect.scatter.add.f32 [tilespmem:s20], [sflag:$0x3], $0x80, s0, s19, $0xb8;
	[tilespmem:$0x1FC00] =	vst v63  }
0x1e: {  	_ =	swait.ge [sflag:s23], $0x4000  }
0x1f: {  	[sflag:s23] =	ssyncset.done $0x0  }
0x20: {  	[sflag:s23] =	ssyncadd.s32 $0xFFFFC000  }
0x21: {  	[spmem:s2] =	stream.indirect.scatter.add.f32 [tilespmem:s21], [sflag:$0x4], $0x80, s31, s19, $0xb8;
	[tilespmem:$0x1FC00] =	vst v63  }
0x22: {  	_ =	swait.ge [sflag:s26], $0x4000  }
0x23: {  	[sflag:s26] =	ssyncset.done $0x0  }
0x24: {  	[sflag:s26] =	ssyncadd.s32 $0xFFFFC000  }
0x25: {  	_ =	swait.ge [sflag:s28], $0x4000  }
0x26: {  	[sflag:s28] =	ssyncset.done $0x0  }
0x27: {  	[sflag:s28] =	ssyncadd.s32 $0xFFFFC000  }
0x28: {  	s0 =	simm.s32 @p1 $0x5;
	[bflag:$0x0] =	sbarrier.arrive $0xFFFF  }
0x29: {  	[hbm:s14], [sflag:s6] =	dma.local @p1 [spmem:s24], $0x2800  }
0x2a: {  	s3 =	sadd.s32 $0x1, s3;
	_ =	swait.ge @p1 [sflag:s0], $0x2800  }
0x2b: {  	p2 =	sne.s32 s3, s15;
	[sflag:s0] =	ssyncset.done @p1 $0x0  }
.Ltmp1:
0x2c: {  	[sflag:s0] =	ssyncadd.s32 @p1 $0xFFFFD800;
	s0 =	simm.s32 @!p1 $0x5;
	(pc) =	sbr.rel @!p2 .LBB2_11-.Ltmp1, $4  }
0x2d: {  	[hbm:s13], [sflag:s6] =	dma.local @!p1 [spmem:s25], $0x2700  }
0x2e: {  	_ =	swait.ge @!p1 [sflag:s0], $0x2700  }
0x2f: {  	[sflag:s0] =	ssyncset.done @!p1 $0x0  }
0x30: {  	[sflag:s0] =	ssyncadd.s32 @!p1 $0xFFFFD900  }
.LBB2_1:
0x31: {  	[spmem:s16], [sflag:s6] =	dma.local [hbm:s5], $0x2780  }
.Ltmp2:
0x32: {  	_ =	swait.ge [sflag:s17], $0x2780;
	(pc) =	sbr.rel @!p0 .LBB2_2-.Ltmp2, $4  }
0x33: {  	[sflag:s17] =	ssyncset.done $0x0  }
0x34: {  	[sflag:s17] =	ssyncadd.s32 $0xFFFFD880  }
0x35: {  	[bflag:$0x0] =	sbarrier.arrive $0xFFFF  }
0x36: {  	s0 =	simm.s32 $0x0  }
0x37: {  	[tilespmem:s0], [sflag:$0x5] =	stream.linear.gather [hbm4b:s11+s0], $0x1000, $0x38;
	[tilespmem:$0x1FC00] =	vst v63  }
0x38: {  	_ =	swait.ge [sflag:s17], $0x1000  }
0x39: {  	[sflag:s17] =	ssyncset.done $0x0  }
0x3a: {  	[sflag:s17] =	ssyncadd.s32 $0xFFFFF000  }
0x3b: {  	[tilespmem:s18], [sflag:$0x5] =	stream.linear.gather [hbm4b:s12+s0], $0x1000, $0x38;
	[tilespmem:$0x1FC00] =	vst v63  }
0x3c: {  	_ =	swait.ge [sflag:s17], $0x1000  }
0x3d: {  	[sflag:s17] =	ssyncset.done $0x0  }
0x3e: {  	[sflag:s17] =	ssyncadd.s32 $0xFFFFF000  }
0x3f: {  	[tilespmem:s20], [sflag:$0x1] =	stream.indirect.gather [hbm4b:s4+s19], $0x80, s0, s19, $0xb8;
	[tilespmem:$0x1FC00] =	vst v63  }
0x40: {  	_ = 	snop  }
0x41: {  	[tilespmem:s21], [sflag:$0x2] =	stream.indirect.gather [hbm4b:s4+s19], $0x80, s19, s19, $0xb8;
	[tilespmem:$0x1FC00] =	vst v63  }
0x42: {  	_ =	swait.ge [sflag:s22], $0x4000  }
0x43: {  	[sflag:s22] =	ssyncset.done $0x0  }
0x44: {  	s1 =	simm.s32 $0x2000;
	[sflag:s22] =	ssyncadd.s32 $0xFFFFC000  }
0x45: {  	[spmem:s2] =	stream.indirect.scatter.add.f32 [tilespmem:s20], [sflag:$0x3], $0x80, s1, s19, $0xb8;
	[tilespmem:$0x1FC00] =	vst v63  }
0x46: {  	_ =	swait.ge [sflag:s23], $0x4000  }
0x47: {  	[sflag:s23] =	ssyncset.done $0x0  }
0x48: {  	s1 =	simm.s32 $0x2080;
	[sflag:s23] =	ssyncadd.s32 $0xFFFFC000  }
0x49: {  	[spmem:s2] =	stream.indirect.scatter.add.f32 [tilespmem:s21], [sflag:$0x4], $0x80, s1, s19, $0xb8;
	[tilespmem:$0x1FC00] =	vst v63  }
0x4a: {  	_ =	swait.ge [sflag:s26], $0x4000  }
0x4b: {  	[sflag:s26] =	ssyncset.done $0x0  }
0x4c: {  	s1 =	simm.s32 $0x100;
	[sflag:s26] =	ssyncadd.s32 $0xFFFFC000  }
0x4d: {  	[tilespmem:s20], [sflag:$0x1] =	stream.indirect.gather [hbm4b:s4+s19], $0x80, s1, s19, $0xb8;
	[tilespmem:$0x1FC00] =	vst v63  }
0x4e: {  	_ =	swait.ge [sflag:s28], $0x4000  }
0x4f: {  	[sflag:s28] =	ssyncset.done $0x0  }
0x50: {  	s31 =	simm.s32 $0x400;
	s0 =	simm.s32 $0x180;
	[sflag:s28] =	ssyncadd.s32 $0xFFFFC000  }
.LBB2_8:
0x51: {  	[tilespmem:s21], [sflag:$0x2] =	stream.indirect.gather [hbm4b:s4+s19], $0x80, s0, s19, $0xb8;
	[tilespmem:$0x1FC00] =	vst v63  }
0x52: {  	s0 =	smov.u32 s31  }
0x53: {  	p2 =	sne.s32 s31, $0x3800;
	s31 =	sadd.s32 $0x400, s31;
	_ =	swait.ge [sflag:s22], $0x4000  }
0x54: {  	s0 =	sshra.s32 s0, $0x2;
	[sflag:s22] =	ssyncset.done $0x0  }
0x55: {  	s1 =	sadd.s32 $0x2000, s0;
	[sflag:s22] =	ssyncadd.s32 $0xFFFFC000  }
0x56: {  	[spmem:s2] =	stream.indirect.scatter.add.f32 [tilespmem:s20], [sflag:$0x3], $0x80, s1, s19, $0xb8;
	[tilespmem:$0x1FC00] =	vst v63  }
0x57: {  	_ =	swait.ge [sflag:s23], $0x4000  }
0x58: {  	[sflag:s23] =	ssyncset.done $0x0  }
0x59: {  	s1 =	sadd.s32 $0x2080, s0;
	[sflag:s23] =	ssyncadd.s32 $0xFFFFC000  }
0x5a: {  	[spmem:s2] =	stream.indirect.scatter.add.f32 [tilespmem:s21], [sflag:$0x4], $0x80, s1, s19, $0xb8;
	[tilespmem:$0x1FC00] =	vst v63  }
0x5b: {  	_ =	swait.ge [sflag:s26], $0x4000  }
0x5c: {  	[sflag:s26] =	ssyncset.done $0x0  }
.Ltmp3:
0x5d: {  	s1 =	sadd.s32 $0x100, s0;
	[sflag:s26] =	ssyncadd.s32 $0xFFFFC000;
	(pc) =	sbr.rel @p2 .LBB2_8-.Ltmp3, $4  }
0x5e: {  	[tilespmem:s20], [sflag:$0x1] =	stream.indirect.gather [hbm4b:s4+s19], $0x80, s1, s19, $0xb8;
	[tilespmem:$0x1FC00] =	vst v63  }
0x5f: {  	_ =	swait.ge [sflag:s28], $0x4000  }
0x60: {  	[sflag:s28] =	ssyncset.done $0x0  }
0x61: {  	s0 =	sadd.s32 $0x180, s0;
	[sflag:s28] =	ssyncadd.s32 $0xFFFFC000  }
.Ltmp4:
0x62: {  	(pc) =	sbr.rel .LBB2_10-.Ltmp4, $3  }
0x63: {  	_ =	sdelay $0x1  }
0x64: {  	[tilespmem:s21], [sflag:$0x2] =	stream.indirect.gather [hbm4b:s4+s19], $0x80, s0, s19, $0xb8;
	[tilespmem:$0x1FC00] =	vst v63  }
0x65: {  	s31 =	simm.s32 $0x2F80;
	s0 =	simm.s32 $0x2F00  }
.LBB2_2:
0x66: {  	[tilespmem:s0], [sflag:$0x5] =	stream.linear.gather [hbm4b:s7+s0], $0x2000, $0x38;
	[tilespmem:$0x1FC00] =	vst v63  }
0x67: {  	_ =	swait.ge [sflag:s17], $0x2000  }
0x68: {  	[sflag:s17] =	ssyncset.done $0x0  }
0x69: {  	[sflag:s17] =	ssyncadd.s32 $0xFFFFE000  }
0x6a: {  	[tilespmem:s18], [sflag:$0x5] =	stream.linear.gather [hbm4b:s8+s0], $0x2000, $0x38;
	[tilespmem:$0x1FC00] =	vst v63  }
0x6b: {  	_ =	swait.ge [sflag:s17], $0x2000  }
0x6c: {  	[sflag:s17] =	ssyncset.done $0x0  }
0x6d: {  	[sflag:s17] =	ssyncadd.s32 $0xFFFFE000  }
0x6e: {  	[tilespmem:s20], [sflag:$0x1] =	stream.indirect.gather [hbm4b:s4+s19], $0x80, s0, s19, $0xb8;
	[tilespmem:$0x1FC00] =	vst v63  }
0x6f: {  	_ = 	snop  }
0x70: {  	[tilespmem:s21], [sflag:$0x2] =	stream.indirect.gather [hbm4b:s4+s19], $0x80, s19, s19, $0xb8;
	[tilespmem:$0x1FC00] =	vst v63  }
0x71: {  	_ =	swait.ge [sflag:s22], $0x4000  }
0x72: {  	[sflag:s22] =	ssyncset.done $0x0  }
0x73: {  	s1 =	simm.s32 $0x2000;
	[sflag:s22] =	ssyncadd.s32 $0xFFFFC000  }
0x74: {  	[spmem:s2] =	stream.indirect.scatter.add.f32 [tilespmem:s20], [sflag:$0x3], $0x80, s1, s19, $0xb8;
	[tilespmem:$0x1FC00] =	vst v63  }
0x75: {  	_ =	swait.ge [sflag:s23], $0x4000  }
0x76: {  	[sflag:s23] =	ssyncset.done $0x0  }
0x77: {  	s1 =	simm.s32 $0x2080;
	[sflag:s23] =	ssyncadd.s32 $0xFFFFC000  }
0x78: {  	[spmem:s2] =	stream.indirect.scatter.add.f32 [tilespmem:s21], [sflag:$0x4], $0x80, s1, s19, $0xb8;
	[tilespmem:$0x1FC00] =	vst v63  }
0x79: {  	_ =	swait.ge [sflag:s26], $0x4000  }
0x7a: {  	[sflag:s26] =	ssyncset.done $0x0  }
0x7b: {  	s1 =	simm.s32 $0x100;
	[sflag:s26] =	ssyncadd.s32 $0xFFFFC000  }
0x7c: {  	[tilespmem:s20], [sflag:$0x1] =	stream.indirect.gather [hbm4b:s4+s19], $0x80, s1, s19, $0xb8;
	[tilespmem:$0x1FC00] =	vst v63  }
0x7d: {  	_ =	swait.ge [sflag:s28], $0x4000  }
0x7e: {  	[sflag:s28] =	ssyncset.done $0x0  }
0x7f: {  	s31 =	simm.s32 $0x400;
	s0 =	simm.s32 $0x180;
	[sflag:s28] =	ssyncadd.s32 $0xFFFFC000  }
.LBB2_3:
0x80: {  	[tilespmem:s21], [sflag:$0x2] =	stream.indirect.gather [hbm4b:s4+s19], $0x80, s0, s19, $0xb8;
	[tilespmem:$0x1FC00] =	vst v63  }
0x81: {  	s0 =	smov.u32 s31  }
0x82: {  	p2 =	sne.s32 s31, $0x7800;
	s31 =	sadd.s32 $0x400, s31;
	_ =	swait.ge [sflag:s22], $0x4000  }
0x83: {  	s0 =	sshra.s32 s0, $0x2;
	[sflag:s22] =	ssyncset.done $0x0  }
0x84: {  	s1 =	sadd.s32 $0x2000, s0;
	[sflag:s22] =	ssyncadd.s32 $0xFFFFC000  }
0x85: {  	[spmem:s2] =	stream.indirect.scatter.add.f32 [tilespmem:s20], [sflag:$0x3], $0x80, s1, s19, $0xb8;
	[tilespmem:$0x1FC00] =	vst v63  }
0x86: {  	_ =	swait.ge [sflag:s23], $0x4000  }
0x87: {  	[sflag:s23] =	ssyncset.done $0x0  }
0x88: {  	s1 =	sadd.s32 $0x2080, s0;
	[sflag:s23] =	ssyncadd.s32 $0xFFFFC000  }
0x89: {  	[spmem:s2] =	stream.indirect.scatter.add.f32 [tilespmem:s21], [sflag:$0x4], $0x80, s1, s19, $0xb8;
	[tilespmem:$0x1FC00] =	vst v63  }
0x8a: {  	_ =	swait.ge [sflag:s26], $0x4000  }
0x8b: {  	[sflag:s26] =	ssyncset.done $0x0  }
.Ltmp5:
0x8c: {  	s1 =	sadd.s32 $0x100, s0;
	[sflag:s26] =	ssyncadd.s32 $0xFFFFC000;
	(pc) =	sbr.rel @p2 .LBB2_3-.Ltmp5, $4  }
0x8d: {  	[tilespmem:s20], [sflag:$0x1] =	stream.indirect.gather [hbm4b:s4+s19], $0x80, s1, s19, $0xb8;
	[tilespmem:$0x1FC00] =	vst v63  }
0x8e: {  	_ =	swait.ge [sflag:s28], $0x4000  }
0x8f: {  	[sflag:s28] =	ssyncset.done $0x0  }
0x90: {  	s0 =	sadd.s32 $0x180, s0;
	[sflag:s28] =	ssyncadd.s32 $0xFFFFC000  }
0x91: {  	[tilespmem:s21], [sflag:$0x2] =	stream.indirect.gather [hbm4b:s4+s19], $0x80, s0, s19, $0xb8;
	[tilespmem:$0x1FC00] =	vst v63  }
0x92: {  	_ =	swait.ge [sflag:s22], $0x4000  }
0x93: {  	[sflag:s22] =	ssyncset.done $0x0  }
0x94: {  	[sflag:s22] =	ssyncadd.s32 $0xFFFFC000  }
0x95: {  	[spmem:s2] =	stream.indirect.scatter.add.f32 [tilespmem:s20], [sflag:$0x3], $0x80, s29, s19, $0xb8;
	[tilespmem:$0x1FC00] =	vst v63  }
0x96: {  	_ =	swait.ge [sflag:s23], $0x4000  }
0x97: {  	[sflag:s23] =	ssyncset.done $0x0  }
0x98: {  	[sflag:s23] =	ssyncadd.s32 $0xFFFFC000  }
0x99: {  	[spmem:s2] =	stream.indirect.scatter.add.f32 [tilespmem:s21], [sflag:$0x4], $0x80, s30, s19, $0xb8;
	[tilespmem:$0x1FC00] =	vst v63  }
0x9a: {  	_ =	swait.ge [sflag:s26], $0x4000  }
0x9b: {  	[sflag:s26] =	ssyncset.done $0x0  }
0x9c: {  	[sflag:s26] =	ssyncadd.s32 $0xFFFFC000  }
0x9d: {  	_ =	swait.ge [sflag:s28], $0x4000  }
0x9e: {  	[sflag:s28] =	ssyncset.done $0x0  }
0x9f: {  	s1 =	simm.s32 $0x0;
	[sflag:s28] =	ssyncadd.s32 $0xFFFFC000  }
0xa0: {  	[tilespmem:s1], [sflag:$0x5] =	stream.linear.gather [hbm4b:s9+s1], $0x2000, $0x38;
	[tilespmem:$0x1FC00] =	vst v63  }
0xa1: {  	_ =	swait.ge [sflag:s17], $0x2000  }
0xa2: {  	[sflag:s17] =	ssyncset.done $0x0  }
0xa3: {  	[sflag:s17] =	ssyncadd.s32 $0xFFFFE000  }
0xa4: {  	[tilespmem:s18], [sflag:$0x5] =	stream.linear.gather [hbm4b:s10+s1], $0x2000, $0x38;
	[tilespmem:$0x1FC00] =	vst v63  }
0xa5: {  	_ =	swait.ge [sflag:s17], $0x2000  }
0xa6: {  	[sflag:s17] =	ssyncset.done $0x0  }
0xa7: {  	[sflag:s17] =	ssyncadd.s32 $0xFFFFE000  }
0xa8: {  	[tilespmem:s20], [sflag:$0x1] =	stream.indirect.gather [hbm4b:s4+s19], $0x80, s1, s19, $0xb8;
	[tilespmem:$0x1FC00] =	vst v63  }
0xa9: {  	_ = 	snop  }
0xaa: {  	[tilespmem:s21], [sflag:$0x2] =	stream.indirect.gather [hbm4b:s4+s19], $0x80, s19, s19, $0xb8;
	[tilespmem:$0x1FC00] =	vst v63  }
0xab: {  	_ =	swait.ge [sflag:s22], $0x4000  }
0xac: {  	[sflag:s22] =	ssyncset.done $0x0  }
0xad: {  	s1 =	simm.s32 $0x2000;
	[sflag:s22] =	ssyncadd.s32 $0xFFFFC000  }
0xae: {  	[spmem:s2] =	stream.indirect.scatter.add.f32 [tilespmem:s20], [sflag:$0x3], $0x80, s1, s19, $0xb8;
	[tilespmem:$0x1FC00] =	vst v63  }
0xaf: {  	_ =	swait.ge [sflag:s23], $0x4000  }
0xb0: {  	[sflag:s23] =	ssyncset.done $0x0  }
0xb1: {  	s1 =	simm.s32 $0x2080;
	[sflag:s23] =	ssyncadd.s32 $0xFFFFC000  }
0xb2: {  	[spmem:s2] =	stream.indirect.scatter.add.f32 [tilespmem:s21], [sflag:$0x4], $0x80, s1, s19, $0xb8;
	[tilespmem:$0x1FC00] =	vst v63  }
0xb3: {  	_ =	swait.ge [sflag:s26], $0x4000  }
0xb4: {  	p2 =	por $0x0, $0x0;
	[sflag:s26] =	ssyncset.done $0x0  }
.Ltmp6:
0xb5: {  	s1 =	simm.s32 $0x100;
	[sflag:s26] =	ssyncadd.s32 $0xFFFFC000;
	(pc) =	sbr.rel @p2 .LBB2_6-.Ltmp6, $4  }
0xb6: {  	[tilespmem:s20], [sflag:$0x1] =	stream.indirect.gather [hbm4b:s4+s19], $0x80, s1, s19, $0xb8;
	[tilespmem:$0x1FC00] =	vst v63  }
0xb7: {  	_ =	swait.ge [sflag:s28], $0x4000  }
0xb8: {  	[sflag:s28] =	ssyncset.done $0x0  }
0xb9: {  	s31 =	simm.s32 $0x400;
	s0 =	simm.s32 $0x180;
	[sflag:s28] =	ssyncadd.s32 $0xFFFFC000  }
.LBB2_5:
0xba: {  	[tilespmem:s21], [sflag:$0x2] =	stream.indirect.gather [hbm4b:s4+s19], $0x80, s0, s19, $0xb8;
	[tilespmem:$0x1FC00] =	vst v63  }
0xbb: {  	s0 =	smov.u32 s31  }
0xbc: {  	p2 =	seq.s32 s31, $0x7800;
	s31 =	sadd.s32 $0x400, s31;
	_ =	swait.ge [sflag:s22], $0x4000  }
0xbd: {  	s0 =	sshra.s32 s0, $0x2;
	[sflag:s22] =	ssyncset.done $0x0  }
0xbe: {  	s1 =	sadd.s32 $0x2000, s0;
	[sflag:s22] =	ssyncadd.s32 $0xFFFFC000  }
0xbf: {  	[spmem:s2] =	stream.indirect.scatter.add.f32 [tilespmem:s20], [sflag:$0x3], $0x80, s1, s19, $0xb8;
	[tilespmem:$0x1FC00] =	vst v63  }
0xc0: {  	_ =	swait.ge [sflag:s23], $0x4000  }
0xc1: {  	[sflag:s23] =	ssyncset.done $0x0  }
0xc2: {  	s1 =	sadd.s32 $0x2080, s0;
	[sflag:s23] =	ssyncadd.s32 $0xFFFFC000  }
0xc3: {  	[spmem:s2] =	stream.indirect.scatter.add.f32 [tilespmem:s21], [sflag:$0x4], $0x80, s1, s19, $0xb8;
	[tilespmem:$0x1FC00] =	vst v63  }
0xc4: {  	_ =	swait.ge [sflag:s26], $0x4000  }
0xc5: {  	[sflag:s26] =	ssyncset.done $0x0  }
.Ltmp7:
0xc6: {  	s1 =	sadd.s32 $0x100, s0;
	[sflag:s26] =	ssyncadd.s32 $0xFFFFC000;
	(pc) =	sbr.rel @!p2 .LBB2_5-.Ltmp7, $4  }
0xc7: {  	[tilespmem:s20], [sflag:$0x1] =	stream.indirect.gather [hbm4b:s4+s19], $0x80, s1, s19, $0xb8;
	[tilespmem:$0x1FC00] =	vst v63  }
0xc8: {  	_ =	swait.ge [sflag:s28], $0x4000  }
0xc9: {  	[sflag:s28] =	ssyncset.done $0x0  }
0xca: {  	s0 =	sadd.s32 $0x180, s0;
	[sflag:s28] =	ssyncadd.s32 $0xFFFFC000  }
.Ltmp8:
0xcb: {  	_ = 	snop;
	(pc) =	sbr.rel .LBB2_6-.Ltmp8, $1  }
0xcc: {  	_ =	sdelay $0x3  }
.LBB2_11:
0xcd: {  	_ =	sfence.sel $0x180000  }
0xce: {  	[bflag:$0x0] =	sbarrier.arrive $0xFFFF  }
0xcf: {  	_ =	strace $0x9000004D  }
0xd0: {  	s0 =	stileid.u32;
	[bflag:$0x2] =	sbarrier.arrive $0xFFFF  }
0xd1: {  	p0 =	sne.s32 s0, $0x0;
	s0 =	rddreg [dreg:$0x3]  }
0xd2: {  	s0 =	sadd.s32 @!p0 $0x100000, s0  }
0xd3: {  	[sflag:s0] =	ssyncadd.tile.s32 @!p0 $0x1;
	_ =	shalt  }
.Lfunc_end2:
_tile_overlayer_lowered:
.L_overlay_start_2:
0xd4: {  	(tag) =	ssettag $0x2  }
0xd5: {  	s0 =	rddreg [dreg:$0x0];
	s2 =	stileid.u32  }
0xd6: {  	s1 =	rddreg [dreg:$0x1];
	p0 =	sne.s32 s2, $0x0  }
0xd7: {  	s3 =	rddreg [dreg:$0x2];
	[bflag:$0x3] =	sbarrier.arrive $0xFFFF;
	s2 =	simm.s32 @!p0 $0x1C05  }
0xd8: {  	[timem:s3], [sflag:s2] =	dma.local @!p0 [hbm:s0], s1  }
0xd9: {  	s0 =	simm.s32 @!p0 $0x5  }
0xda: {  	_ =	swait.ge @!p0 [sflag:s0], s1  }
0xdb: {  	s1 =	ssub.s32 @!p0 $0x0, s1;
	[sflag:s0] =	ssyncset.done @!p0 $0x0  }
0xdc: {  	[sflag:s0] =	ssyncadd.s32 @!p0 s1  }
0xdd: {  	[bflag:$0x3] =	sbarrier.arrive $0xFFFF  }
0xde: {  	_ =	shalt  }

// kernel: kernel.7.cloned.1.call-start
scs
__scs_entry_jumppad:
0x0: {  	(pc) =	sbr.rel $0x88, $3  }
0x1: {  	(tag) =	ssettag $0x0;
	lr =	simm.s32 $0x1  }
0x2: {  	[smem:$0x3F97] =	sst lr;
	_ =	strace $0xD0000000  }
0x3: {  	_ = 	snop  }
0x4: {  	_ = 	snop  }
0x5: {  	_ = 	snop  }
0x6: {  	_ = 	snop  }
0x7: {  	_ = 	snop  }
__scs_overlays_trampoline_lowered:
0x8: {  	[smem:$0x3FA6] =	sst s0  }
0x9: {  	[smem:$0x3FA7] =	sst s1  }
0xa: {  	[smem:$0x3FA8] =	sst s2  }
0xb: {  	[smem:$0x3FA9] =	sst s3  }
0xc: {  	[smem:$0x3FAA] =	sst s4  }
0xd: {  	[smem:$0x3FAB] =	sst s5  }
0xe: {  	[smem:$0x3FAC] =	sst s6  }
0xf: {  	[smem:$0x3FAD] =	sst s7  }
0x10: {  	[smem:$0x3FAE] =	sst s8  }
0x11: {  	[smem:$0x3FAF] =	sst s9;
	s0 =	simm.s32 @!p0 $0x0  }
0x12: {  	s1 =	sld [smem:$0x3F95];
	s0 =	simm.s32 @p0 $0x1  }
0x13: {  	[smem:$0x3FB0] =	sst s0;
	s0 =	simm.s32 @!p1 $0x0  }
0x14: {  	s2 =	sld [smem:$0x3F94];
	s0 =	simm.s32 @p1 $0x1  }
0x15: {  	[smem:$0x3FB1] =	sst s0;
	s0 =	simm.s32 @!p2 $0x0  }
0x16: {  	s3 =	sld [smem:$0x3FDB];
	s0 =	simm.s32 @p2 $0x1  }
0x17: {  	s4 =	simm.s32 $0x1BF5;
	[smem:$0x3FB3] =	sst s0  }
0x18: {  	s0 =	sld [smem:$0x3F96];
	_ =	swait.ge [sflag:s4], $0x0  }
0x19: {  	s7 =	sld [smem:$0x3F97]  }
0x1a: {  	s8 =	sadd.s32 $0xFFFFE003, lr  }
0x1b: {  	s9 =	sadd.s32 $0xFFFFFEF7, lr;
	s5 =	simm.s32 $0xFFFFFFFF;
	p2 =	slt.u32 s8, $0xFFFFF086  }
0x1c: {  	p1 =	slt.u32 s9, $0xF7A;
	s5 =	simm.s32 @!p2 $0x0  }
0x1d: {  	s5 =	simm.s32 @p1 $0x1;
	p0 =	seq.s32 s7, s2  }
0x1e: {  	s7 =	smul.u32 @!p0 $0xF7A, s2;
	p2 =	seq.s32 @!p0 s5, $0x0  }
0x1f: {  	s9 =	smul.u32 $0xF7A, s1;
	s8 =	simm.s32 @!p0 $0x1BF5;
	p2 =	por !p2, p0  }
0x20: {  	[sflag:s8] =	ssyncset.s32 @!p0 $0xFFFFF086;
	s6 =	sadd.s32 @!p0 s3, s7;
	s7 =	simm.s32 @!p0 $0x108  }
0x21: {  	s3 =	sadd.s32 s3, s9;
	s6 =	sadd.s32 @!p0 $0x88, s6;
	s7 =	simm.s32 @p2 $0x1082  }
0x22: {  	[simem:s7], [sflag:s8] =	dma.local @!p0 [hbm:s6], $0xF7A  }
0x23: {  	s9 =	sor.u32 $0xD0000000, s2;
	s6 =	simm.s32 $0x108;
	_ =	swait.ge @!p0 [sflag:s8], $0x0  }
0x24: {  	s3 =	sadd.s32 $0x88, s3;
	s6 =	simm.s32 @!p1 $0x1082;
	[sflag:s4] =	ssyncset.s32 $0xFFFFF086  }
0x25: {  	[simem:s6], [sflag:s4] =	dma.local [hbm:s3], $0xF7A  }
0x26: {  	[smem:$0x3F97] =	sst s1;
	(tag) =	ssettag s2;
	_ =	strace s9  }
0x27: {  	s1 =	sld [smem:$0x3FA7]  }
0x28: {  	s2 =	sld [smem:$0x3FA8]  }
0x29: {  	s4 =	sld [smem:$0x3FAA]  }
0x2a: {  	p0 =	seq.s32 s5, $0x0;
	s5 =	sld [smem:$0x3FAB]  }
0x2b: {  	s6 =	sld [smem:$0x3FAC]  }
0x2c: {  	s7 =	sld [smem:$0x3FAD]  }
0x2d: {  	s3 =	simm.s32 $0x108;
	s8 =	sld [smem:$0x3FAE]  }
0x2e: {  	s3 =	simm.s32 @!p0 $0x1082;
	s9 =	sld [smem:$0x3FAF]  }
0x2f: {  	lr =	sadd.s32 s0, s3;
	s0 =	sld [smem:$0x3FA6]  }
0x30: {  	s3 =	sld [smem:$0x3FA9]  }
0x31: {  	[smem:$0x3FB2] =	sst s10  }
0x32: {  	s10 =	sld [smem:$0x3FB0];
	_ =	sdelay $0x3  }
0x33: {  	p0 =	seq.s32 s10, $0x1;
	s10 =	sld [smem:$0x3FB2];
	_ =	sdelay $0x3  }
0x34: {  	[smem:$0x3FB2] =	sst s10  }
0x35: {  	s10 =	sld [smem:$0x3FB1];
	_ =	sdelay $0x3  }
0x36: {  	p1 =	seq.s32 s10, $0x1;
	s10 =	sld [smem:$0x3FB2];
	_ =	sdelay $0x3  }
0x37: {  	[smem:$0x3FB2] =	sst s10  }
0x38: {  	s10 =	sld [smem:$0x3FB3]  }
0x39: {  	_ = 	snop;
	(pc) =	sbr.ind lr, $3  }
0x3a: {  	_ = 	snop  }
0x3b: {  	_ = 	snop  }
0x3c: {  	p2 =	seq.s32 s10, $0x1;
	s10 =	sld [smem:$0x3FB2]  }
0x3d: {  	_ =	shalt  }
0x3e: {  	_ =	shalt  }
0x3f: {  	_ =	shalt  }
0x40: {  	_ =	shalt  }
0x41: {  	_ =	shalt  }
0x42: {  	_ =	shalt  }
0x43: {  	_ =	shalt  }
0x44: {  	_ =	shalt  }
0x45: {  	_ =	shalt  }
0x46: {  	_ =	shalt  }
0x47: {  	_ =	shalt  }
0x48: {  	_ =	shalt  }
0x49: {  	_ =	shalt  }
0x4a: {  	_ =	shalt  }
0x4b: {  	_ =	shalt  }
0x4c: {  	_ =	shalt  }
0x4d: {  	_ =	shalt  }
0x4e: {  	_ =	shalt  }
0x4f: {  	_ =	shalt  }
0x50: {  	_ =	shalt  }
0x51: {  	_ =	shalt  }
0x52: {  	_ =	shalt  }
0x53: {  	_ =	shalt  }
0x54: {  	_ =	shalt  }
0x55: {  	_ =	shalt  }
0x56: {  	_ =	shalt  }
0x57: {  	_ =	shalt  }
0x58: {  	_ =	shalt  }
0x59: {  	_ =	shalt  }
0x5a: {  	_ =	shalt  }
0x5b: {  	_ =	shalt  }
0x5c: {  	_ =	shalt  }
0x5d: {  	_ =	shalt  }
0x5e: {  	_ =	shalt  }
0x5f: {  	_ =	shalt  }
0x60: {  	_ =	shalt  }
0x61: {  	_ =	shalt  }
0x62: {  	_ =	shalt  }
0x63: {  	_ =	shalt  }
0x64: {  	_ =	shalt  }
0x65: {  	_ =	shalt  }
0x66: {  	_ =	shalt  }
0x67: {  	_ =	shalt  }
0x68: {  	_ =	shalt  }
0x69: {  	_ =	shalt  }
0x6a: {  	_ =	shalt  }
0x6b: {  	_ =	shalt  }
0x6c: {  	_ =	shalt  }
0x6d: {  	_ =	shalt  }
0x6e: {  	_ =	shalt  }
0x6f: {  	_ =	shalt  }
0x70: {  	_ =	shalt  }
0x71: {  	_ =	shalt  }
0x72: {  	_ =	shalt  }
0x73: {  	_ =	shalt  }
0x74: {  	_ =	shalt  }
0x75: {  	_ =	shalt  }
0x76: {  	_ =	shalt  }
0x77: {  	_ =	shalt  }
0x78: {  	_ =	shalt  }
0x79: {  	_ =	shalt  }
0x7a: {  	_ =	shalt  }
0x7b: {  	_ =	shalt  }
0x7c: {  	_ =	shalt  }
0x7d: {  	_ =	shalt  }
0x7e: {  	_ =	shalt  }
0x7f: {  	_ =	shalt  }
0x80: {  	_ =	shalt  }
0x81: {  	_ =	shalt  }
0x82: {  	_ =	shalt  }
0x83: {  	_ =	shalt  }
0x84: {  	_ =	shalt  }
0x85: {  	_ =	shalt  }
0x86: {  	_ =	shalt  }
0x87: {  	_ =	shalt  }
.Lfunc_end0:
.L_simem_size_0:
called_computation_lowered:
.L_overlay_start_0:
0x88: {  	s2 =	sld [smem:$0x3FD9]  }
0x89: {  	s3 =	sld [smem:$0x3FFE];
	_ =	sdelay $0x1  }
0x8a: {  	s1 =	srdreg.scid  }
0x8b: {  	s0 =	sand.u32 $0x1, s1  }
0x8c: {  	s17 =	sshll.u32 s0, $0xA;
	s2 =	sadd.s32 s3, s2  }
0x8d: {  	s2 =	sadd.s32 s2, s17  }
0x8e: {  	[smem:$0x3FBE] =	sst s2  }
0x8f: {  	_ = 	snop  }
0x90: {  	s2 =	sld [smem:$0x3FD0];
	(tm) =	ssettm $0x1  }
0x91: {  	s18 =	sld [smem:$0x3FFB];
	_ =	sdelay $0x3  }
0x92: {  	_ =	strace s18  }
0x93: {  	s3 =	sld [smem:$0x3FFC];
	_ =	sdelay $0x3  }
0x94: {  	_ =	strace s3  }
0x95: {  	s3 =	sld [smem:$0x3FFD];
	_ =	sdelay $0x3  }
0x96: {  	_ =	strace s3  }
0x97: {  	_ =	strace $0x8FFFFFFF  }
0x98: {  	s19 =	sld [smem:$0x3FDB];
	_ =	sdelay $0x1  }
0x99: {  	s4 =	simm.s32 $_scs_section_size  }
0x9a: {  	s5 =	simm.s32 $_size__tile_overlayer_lowered;
	s6 =	simm.s32 $_tile_overlayer_lowered  }
0x9b: {  	s22 =	simm.s32 $0x1BFF;
	s21 =	sshll.u32 s6, $0x1;
	s3 =	sadd.s32 s4, s19  }
0x9c: {  	s7 =	simm.s32 $0x0;
	s20 =	sshll.u32 s5, $0x1;
	s5 =	sadd.s32 s21, s3  }
0x9d: {  	[timem:s7], [sflag:s22] =	dma.local [hbm:s5], s20  }
0x9e: {  	_ =	swait.ge [sflag:s22], s20  }
0x9f: {  	s4 =	ssub.s32 $0x0, s20;
	[sflag:s22] =	ssyncset.done $0x0  }
0xa0: {  	[sflag:s22] =	ssyncadd.s32 s4;
	_ =	sdelay $0x1  }
0xa1: {  	s23 =	simm.s32 $0x1B8B  }
0xa2: {  	_ =	swait.ge [sflag:s23], $0x1  }
0xa3: {  	[sflag:s23] =	ssyncset.done $0x0  }
0xa4: {  	s25 =	simm.s32 $0x1B8E;
	s24 =	sld [smem:$0x3FFE];
	[sflag:s23] =	ssyncadd.s32 $0xFFFFFFFF  }
0xa5: {  	s26 =	simm.s32 $execute0_lowered;
	[smem:$0x3FD2] =	sst s25  }
0xa6: {  	s5 =	sshll.u32 s26, $0x1;
	_ =	strace $0x80000046;
	[dreg:$0x1] =	wrdreg $0xFFFFFFFF  }
0xa7: {  	s28 =	simm.s32 $_size_execute0_lowered;
	s3 =	sadd.s32 s3, s5;
	[dreg:$0x0] =	wrdreg $0x0  }
0xa8: {  	s5 =	sshll.u32 s28, $0x1;
	[dreg:$0x2] =	wrdreg s3  }
0xa9: {  	[dreg:$0x3] =	wrdreg s5  }
0xaa: {  	[dreg:$0x4] =	wrdreg $0xC0  }
0xab: {  	_ =	task [dreg:s7], $0x5FFFF  }
0xac: {  	[dreg:$0x1] =	wrdreg $0xFFFFFFFF  }
0xad: {  	[dreg:$0x0] =	wrdreg $0x60  }
0xae: {  	[dreg:$0x2] =	wrdreg s2  }
0xaf: {  	[dreg:$0x3] =	wrdreg s24  }
0xb0: {  	[dreg:$0x4] =	wrdreg $0x60000  }
0xb1: {  	[dreg:$0x5] =	wrdreg $0x9  }
0xb2: {  	_ =	task.clear_ibuf [dreg:s7], $0x6FFFF;
	_ =	strace $0x90000046  }
0xb3: {  	s29 =	simm.s32 $0x9;
	_ =	strace $0x80000048  }
0xb4: {  	_ =	swait.ge [sflag:s29], $0x1  }
0xb5: {  	[sflag:s29] =	ssyncadd.s32 $0xFFFFFFFF  }
0xb6: {  	_ =	strace $0x90000048  }
0xb7: {  	_ =	sfence  }
0xb8: {  	s30 =	sld [smem:$0x0];
	_ =	sdelay $0x2  }
0xb9: {  	s31 =	sshll.u32 s1, $0xD;
	s1 =	sshrl.u32 s1, $0x2  }
0xba: {  	s3 =	sand.u32 $0x4000, s31;
	s1 =	sadd.s32 s1, s30  }
0xbb: {  	s0 =	sor.u32 s3, s0;
	s1 =	sshll.u32 s1, $0x11  }
0xbc: {  	s0 =	sor.u32 s1, s0  }
0xbd: {  	s0 =	sadd.s32 $0x8F2B, s0  }
0xbe: {  	[sflag:s0] =	ssyncadd.remote.s32 $0x1  }
0xbf: {  	_ =	sfence.sel $0xFFFF  }
0xc0: {  	[dreg:$0x0] =	wrdreg $0xFFFFFFFF;
	(pc) =	sbr.abs _section_cstart, $3  }
0xc1: {  	[dreg:$0x1] =	wrdreg $0xFFFFFFFF  }
0xc2: {  	_ =	task.clear_ibuf [dreg:s7], $0x2FFFF;
	_ =	strace $0x9FFFFFFF  }
0xc3: {  	(tm) =	ssettm $0x7FFFFFFF  }
tec
execute0_lowered:
.L_overlay_start_1:
0x0: {  	(tag) =	ssettag $0x1  }
0x1: {  	s0 =	rddreg [dreg:$0x0]  }
0x2: {  	s1 =	rddreg [dreg:$0x1]  }
0x3: {  	s2 =	rddreg [dreg:$0x2];
	s3 =	simm.s32 $0x0;
	s17 =	stileid.u32  }
0x4: {  	s4 =	srdreg.scid;
	s15 =	simm.s32 $0x2000;
	s16 =	simm.s32 $0x80  }
0x5: {  	s28 =	simm.s32 $0xC00;
	s29 =	simm.s32 $0xC80;
	s30 =	simm.s32 $0xD00  }
0x6: {  	s31 =	simm.s32 $0xD80;
	s18 =	simm.s32 $0xF80;
	s19 =	simm.s32 $0x1  }
0x7: {  	[smem:$0x7FF] =	sst s3;
	s5 =	smul.u32 $0x2780, s17;
	s7 =	sand.u32 $0x1, s4  }
0x8: {  	s8 =	smul.u32 $0x4F000, s17;
	s4 =	sadd.s32 $0xC600, s1;
	s21 =	sshll.u32 s17, $0x6  }
0x9: {  	s22 =	sshll.u32 s17, $0xB;
	s23 =	sshll.u32 s17, $0x9;
	s11 =	smul.u32 $0x13800, s17  }
0xa: {  	s14 =	smul.u32 $0x4E000, s17;
	p1 =	seq.s32 s17, $0xF;
	s17 =	simm.s32 $0xF00  }
0xb: {  	_ =	strace $0x80000047;
	s6 =	ssub.s32 $0x2, s7;
	p0 =	seq.s32 s7, $0x1  }
0xc: {  	s10 =	smul.u32 $0x138800, s7;
	s7 =	sadd.s32 s0, s22;
	s0 =	sadd.s32 s23, s0  }
0xd: {  	s23 =	simm.s32 $0xB00;
	s5 =	sadd.s32 s5, s1;
	s9 =	sshrl.u32 s6, $0x1  }
0xe: {  	s1 =	sadd.s32 $0x34600, s1;
	s20 =	sshrl.u32 s8, $0x2;
	s8 =	sadd.s32 $0x400, s7  }
0xf: {  	s25 =	sshrl.u32 s14, $0x2;
	s14 =	simm.s32 $0x2;
	s12 =	ssub.s32 s6, s9  }
0x10: {  	s13 =	sadd.s32 s20, s2;
	s5 =	sadd.s32 $0xCE00, s5;
	s6 =	sor.u32 $0x1C02, s21  }
0x11: {  	s9 =	sadd.s32 $0x8000, s0;
	s24 =	sadd.s32 s11, s10;
	s26 =	sshrl.u32 s10, $0x3  }
.Ltmp0:
0x12: {  	s20 =	simm.s32 $0x0;
	s0 =	sshrl.u32 s24, $0x3;
	(pc) =	sbr.rel .LBB2_1-.Ltmp0, $4  }
0x13: {  	s12 =	smax.u32 s12, $0x1;
	s13 =	sshrl.u32 s13, $0x3;
	s10 =	sadd.s32 s1, s0  }
0x14: {  	s0 =	sadd.s32 s25, s2;
	s1 =	sadd.s32 s1, s26;
	s26 =	simm.s32 $0xB80  }
0x15: {  	s11 =	sadd.s32 $0x24900, s1;
	s1 =	sadd.s32 $0x124800, s2;
	s25 =	sshrl.u32 @!p1 s0, $0x3  }
0x16: {  	s0 =	simm.s32 $0xE00;
	s24 =	sshrl.u32 @p1 s1, $0x3;
	s1 =	simm.s32 $0xE80  }
.LBB2_11:
0x17: {  	[tilespmem:s3], [sflag:$0x2] =	stream.linear.gather [hbm4b:s9+s3], $0x1000, $0x38;
	[tilespmem:$0x19C00] =	vst v63  }
0x18: {  	_ =	swait.ge [sflag:s14], $0x1000  }
0x19: {  	[sflag:s14] =	ssyncset.done $0x0  }
0x1a: {  	[sflag:s14] =	ssyncadd.s32 $0xFFFFF000  }
0x1b: {  	[spmem:s2] =	stream.indirect.scatter.add.f32 [tilespmem:s15], [sflag:$0x1], $0x80, s3, s16, $0xb8;
	[tilespmem:$0x19C00] =	vst v63  }
0x1c: {  	_ = 	snop  }
0x1d: {  	[spmem:s2] =	stream.indirect.scatter.add.f32 [tilespmem:s15], [sflag:$0x1], $0x80, s16, s16, $0xb8;
	[tilespmem:$0x19C00] =	vst v63  }
0x1e: {  	s21 =	simm.s32 $0x100  }
0x1f: {  	[spmem:s2] =	stream.indirect.scatter.add.f32 [tilespmem:s15], [sflag:$0x1], $0x80, s21, s16, $0xb8;
	[tilespmem:$0x19C00] =	vst v63  }
0x20: {  	s22 =	simm.s32 $0x180  }
0x21: {  	[spmem:s2] =	stream.indirect.scatter.add.f32 [tilespmem:s15], [sflag:$0x1], $0x80, s22, s16, $0xb8;
	[tilespmem:$0x19C00] =	vst v63  }
0x22: {  	s22 =	simm.s32 $0x200  }
0x23: {  	[spmem:s2] =	stream.indirect.scatter.add.f32 [tilespmem:s15], [sflag:$0x1], $0x80, s22, s16, $0xb8;
	[tilespmem:$0x19C00] =	vst v63  }
0x24: {  	s22 =	simm.s32 $0x280  }
0x25: {  	[spmem:s2] =	stream.indirect.scatter.add.f32 [tilespmem:s15], [sflag:$0x1], $0x80, s22, s16, $0xb8;
	[tilespmem:$0x19C00] =	vst v63  }
0x26: {  	s22 =	simm.s32 $0x300  }
0x27: {  	[spmem:s2] =	stream.indirect.scatter.add.f32 [tilespmem:s15], [sflag:$0x1], $0x80, s22, s16, $0xb8;
	[tilespmem:$0x19C00] =	vst v63  }
0x28: {  	s22 =	simm.s32 $0x380  }
0x29: {  	[spmem:s2] =	stream.indirect.scatter.add.f32 [tilespmem:s15], [sflag:$0x1], $0x80, s22, s16, $0xb8;
	[tilespmem:$0x19C00] =	vst v63  }
0x2a: {  	s22 =	simm.s32 $0x400  }
0x2b: {  	[spmem:s2] =	stream.indirect.scatter.add.f32 [tilespmem:s15], [sflag:$0x1], $0x80, s22, s16, $0xb8;
	[tilespmem:$0x19C00] =	vst v63  }
0x2c: {  	s22 =	simm.s32 $0x480  }
0x2d: {  	[spmem:s2] =	stream.indirect.scatter.add.f32 [tilespmem:s15], [sflag:$0x1], $0x80, s22, s16, $0xb8;
	[tilespmem:$0x19C00] =	vst v63  }
0x2e: {  	s22 =	simm.s32 $0x500  }
0x2f: {  	[spmem:s2] =	stream.indirect.scatter.add.f32 [tilespmem:s15], [sflag:$0x1], $0x80, s22, s16, $0xb8;
	[tilespmem:$0x19C00] =	vst v63  }
0x30: {  	s22 =	simm.s32 $0x580  }
0x31: {  	[spmem:s2] =	stream.indirect.scatter.add.f32 [tilespmem:s15], [sflag:$0x1], $0x80, s22, s16, $0xb8;
	[tilespmem:$0x19C00] =	vst v63  }
0x32: {  	s22 =	simm.s32 $0x600  }
0x33: {  	[spmem:s2] =	stream.indirect.scatter.add.f32 [tilespmem:s15], [sflag:$0x1], $0x80, s22, s16, $0xb8;
	[tilespmem:$0x19C00] =	vst v63  }
0x34: {  	s22 =	simm.s32 $0x680  }
0x35: {  	[spmem:s2] =	stream.indirect.scatter.add.f32 [tilespmem:s15], [sflag:$0x1], $0x80, s22, s16, $0xb8;
	[tilespmem:$0x19C00] =	vst v63  }
0x36: {  	s22 =	simm.s32 $0x700  }
0x37: {  	[spmem:s2] =	stream.indirect.scatter.add.f32 [tilespmem:s15], [sflag:$0x1], $0x80, s22, s16, $0xb8;
	[tilespmem:$0x19C00] =	vst v63  }
0x38: {  	s22 =	simm.s32 $0x780  }
0x39: {  	[spmem:s2] =	stream.indirect.scatter.add.f32 [tilespmem:s15], [sflag:$0x1], $0x80, s22, s16, $0xb8;
	[tilespmem:$0x19C00] =	vst v63  }
0x3a: {  	s22 =	simm.s32 $0x800  }
0x3b: {  	[spmem:s2] =	stream.indirect.scatter.add.f32 [tilespmem:s15], [sflag:$0x1], $0x80, s22, s16, $0xb8;
	[tilespmem:$0x19C00] =	vst v63  }
0x3c: {  	s22 =	simm.s32 $0x880  }
0x3d: {  	[spmem:s2] =	stream.indirect.scatter.add.f32 [tilespmem:s15], [sflag:$0x1], $0x80, s22, s16, $0xb8;
	[tilespmem:$0x19C00] =	vst v63  }
0x3e: {  	s22 =	simm.s32 $0x900  }
0x3f: {  	[spmem:s2] =	stream.indirect.scatter.add.f32 [tilespmem:s15], [sflag:$0x1], $0x80, s22, s16, $0xb8;
	[tilespmem:$0x19C00] =	vst v63  }
0x40: {  	s22 =	simm.s32 $0x980  }
0x41: {  	[spmem:s2] =	stream.indirect.scatter.add.f32 [tilespmem:s15], [sflag:$0x1], $0x80, s22, s16, $0xb8;
	[tilespmem:$0x19C00] =	vst v63  }
0x42: {  	s22 =	simm.s32 $0xA00  }
0x43: {  	[spmem:s2] =	stream.indirect.scatter.add.f32 [tilespmem:s15], [sflag:$0x1], $0x80, s22, s16, $0xb8;
	[tilespmem:$0x19C00] =	vst v63  }
0x44: {  	s22 =	simm.s32 $0xA80  }
0x45: {  	[spmem:s2] =	stream.indirect.scatter.add.f32 [tilespmem:s15], [sflag:$0x1], $0x80, s22, s16, $0xb8;
	[tilespmem:$0x19C00] =	vst v63  }
0x46: {  	_ = 	snop  }
0x47: {  	[spmem:s2] =	stream.indirect.scatter.add.f32 [tilespmem:s15], [sflag:$0x1], $0x80, s23, s16, $0xb8;
	[tilespmem:$0x19C00] =	vst v63  }
0x48: {  	_ = 	snop  }
0x49: {  	[spmem:s2] =	stream.indirect.scatter.add.f32 [tilespmem:s15], [sflag:$0x1], $0x80, s26, s16, $0xb8;
	[tilespmem:$0x19C00] =	vst v63  }
0x4a: {  	_ = 	snop  }
0x4b: {  	[spmem:s2] =	stream.indirect.scatter.add.f32 [tilespmem:s15], [sflag:$0x1], $0x80, s28, s16, $0xb8;
	[tilespmem:$0x19C00] =	vst v63  }
0x4c: {  	_ = 	snop  }
0x4d: {  	[spmem:s2] =	stream.indirect.scatter.add.f32 [tilespmem:s15], [sflag:$0x1], $0x80, s29, s16, $0xb8;
	[tilespmem:$0x19C00] =	vst v63  }
0x4e: {  	_ = 	snop  }
0x4f: {  	[spmem:s2] =	stream.indirect.scatter.add.f32 [tilespmem:s15], [sflag:$0x1], $0x80, s30, s16, $0xb8;
	[tilespmem:$0x19C00] =	vst v63  }
0x50: {  	_ = 	snop  }
0x51: {  	[spmem:s2] =	stream.indirect.scatter.add.f32 [tilespmem:s15], [sflag:$0x1], $0x80, s31, s16, $0xb8;
	[tilespmem:$0x19C00] =	vst v63  }
0x52: {  	_ = 	snop  }
0x53: {  	[spmem:s2] =	stream.indirect.scatter.add.f32 [tilespmem:s15], [sflag:$0x1], $0x80, s0, s16, $0xb8;
	[tilespmem:$0x19C00] =	vst v63  }
0x54: {  	_ = 	snop  }
0x55: {  	[spmem:s2] =	stream.indirect.scatter.add.f32 [tilespmem:s15], [sflag:$0x1], $0x80, s1, s16, $0xb8;
	[tilespmem:$0x19C00] =	vst v63  }
0x56: {  	_ = 	snop  }
0x57: {  	[spmem:s2] =	stream.indirect.scatter.add.f32 [tilespmem:s15], [sflag:$0x1], $0x80, s17, s16, $0xb8;
	[tilespmem:$0x19C00] =	vst v63  }
0x58: {  	_ = 	snop  }
0x59: {  	[spmem:s2] =	stream.indirect.scatter.add.f32 [tilespmem:s15], [sflag:$0x1], $0x80, s18, s16, $0xb8;
	[tilespmem:$0x19C00] =	vst v63  }
0x5a: {  	_ =	swait.ge [sflag:s19], $0x4000  }
0x5b: {  	[sflag:s19] =	ssyncset.done $0x0  }
0x5c: {  	[sflag:s19] =	ssyncadd.s32 $0xFFFFC000  }
0x5d: {  	_ =	swait.ge [sflag:s19], $0x4000  }
0x5e: {  	[sflag:s19] =	ssyncset.done $0x0  }
0x5f: {  	[sflag:s19] =	ssyncadd.s32 $0xFFFFC000  }
0x60: {  	_ =	swait.ge [sflag:s19], $0x4000  }
0x61: {  	[sflag:s19] =	ssyncset.done $0x0  }
0x62: {  	[sflag:s19] =	ssyncadd.s32 $0xFFFFC000  }
0x63: {  	_ =	swait.ge [sflag:s19], $0x4000  }
0x64: {  	[sflag:s19] =	ssyncset.done $0x0  }
0x65: {  	[sflag:s19] =	ssyncadd.s32 $0xFFFFC000  }
0x66: {  	_ =	swait.ge [sflag:s19], $0x4000  }
0x67: {  	[sflag:s19] =	ssyncset.done $0x0  }
0x68: {  	[sflag:s19] =	ssyncadd.s32 $0xFFFFC000  }
0x69: {  	_ =	swait.ge [sflag:s19], $0x4000  }
0x6a: {  	[sflag:s19] =	ssyncset.done $0x0  }
0x6b: {  	[sflag:s19] =	ssyncadd.s32 $0xFFFFC000  }
0x6c: {  	_ =	swait.ge [sflag:s19], $0x4000  }
0x6d: {  	[sflag:s19] =	ssyncset.done $0x0  }
0x6e: {  	[sflag:s19] =	ssyncadd.s32 $0xFFFFC000  }
0x6f: {  	_ =	swait.ge [sflag:s19], $0x4000  }
0x70: {  	[sflag:s19] =	ssyncset.done $0x0  }
0x71: {  	[sflag:s19] =	ssyncadd.s32 $0xFFFFC000  }
0x72: {  	_ =	swait.ge [sflag:s19], $0x4000  }
0x73: {  	[sflag:s19] =	ssyncset.done $0x0  }
0x74: {  	[sflag:s19] =	ssyncadd.s32 $0xFFFFC000  }
0x75: {  	_ =	swait.ge [sflag:s19], $0x4000  }
0x76: {  	[sflag:s19] =	ssyncset.done $0x0  }
0x77: {  	[sflag:s19] =	ssyncadd.s32 $0xFFFFC000  }
0x78: {  	_ =	swait.ge [sflag:s19], $0x4000  }
0x79: {  	[sflag:s19] =	ssyncset.done $0x0  }
0x7a: {  	[sflag:s19] =	ssyncadd.s32 $0xFFFFC000  }
0x7b: {  	_ =	swait.ge [sflag:s19], $0x4000  }
0x7c: {  	[sflag:s19] =	ssyncset.done $0x0  }
0x7d: {  	[sflag:s19] =	ssyncadd.s32 $0xFFFFC000  }
0x7e: {  	_ =	swait.ge [sflag:s19], $0x4000  }
0x7f: {  	[sflag:s19] =	ssyncset.done $0x0  }
0x80: {  	[sflag:s19] =	ssyncadd.s32 $0xFFFFC000  }
0x81: {  	_ =	swait.ge [sflag:s19], $0x4000  }
0x82: {  	[sflag:s19] =	ssyncset.done $0x0  }
0x83: {  	[sflag:s19] =	ssyncadd.s32 $0xFFFFC000  }
0x84: {  	_ =	swait.ge [sflag:s19], $0x4000  }
0x85: {  	[sflag:s19] =	ssyncset.done $0x0  }
0x86: {  	[sflag:s19] =	ssyncadd.s32 $0xFFFFC000  }
0x87: {  	_ =	swait.ge [sflag:s19], $0x4000  }
0x88: {  	[sflag:s19] =	ssyncset.done $0x0  }
0x89: {  	[sflag:s19] =	ssyncadd.s32 $0xFFFFC000  }
0x8a: {  	_ =	swait.ge [sflag:s19], $0x4000  }
0x8b: {  	[sflag:s19] =	ssyncset.done $0x0  }
0x8c: {  	[sflag:s19] =	ssyncadd.s32 $0xFFFFC000  }
0x8d: {  	_ =	swait.ge [sflag:s19], $0x4000  }
0x8e: {  	[sflag:s19] =	ssyncset.done $0x0  }
0x8f: {  	[sflag:s19] =	ssyncadd.s32 $0xFFFFC000  }
0x90: {  	_ =	swait.ge [sflag:s19], $0x4000  }
0x91: {  	[sflag:s19] =	ssyncset.done $0x0  }
0x92: {  	[sflag:s19] =	ssyncadd.s32 $0xFFFFC000  }
0x93: {  	_ =	swait.ge [sflag:s19], $0x4000  }
0x94: {  	[sflag:s19] =	ssyncset.done $0x0  }
0x95: {  	[sflag:s19] =	ssyncadd.s32 $0xFFFFC000  }
0x96: {  	_ =	swait.ge [sflag:s19], $0x4000  }
0x97: {  	[sflag:s19] =	ssyncset.done $0x0  }
0x98: {  	[sflag:s19] =	ssyncadd.s32 $0xFFFFC000  }
0x99: {  	_ =	swait.ge [sflag:s19], $0x4000  }
0x9a: {  	[sflag:s19] =	ssyncset.done $0x0  }
0x9b: {  	[sflag:s19] =	ssyncadd.s32 $0xFFFFC000  }
0x9c: {  	_ =	swait.ge [sflag:s19], $0x4000  }
0x9d: {  	[sflag:s19] =	ssyncset.done $0x0  }
0x9e: {  	[sflag:s19] =	ssyncadd.s32 $0xFFFFC000  }
0x9f: {  	_ =	swait.ge [sflag:s19], $0x4000  }
0xa0: {  	[sflag:s19] =	ssyncset.done $0x0  }
0xa1: {  	[sflag:s19] =	ssyncadd.s32 $0xFFFFC000  }
0xa2: {  	_ =	swait.ge [sflag:s19], $0x4000  }
0xa3: {  	[sflag:s19] =	ssyncset.done $0x0  }
0xa4: {  	[sflag:s19] =	ssyncadd.s32 $0xFFFFC000  }
0xa5: {  	_ =	swait.ge [sflag:s19], $0x4000  }
0xa6: {  	[sflag:s19] =	ssyncset.done $0x0  }
0xa7: {  	[sflag:s19] =	ssyncadd.s32 $0xFFFFC000  }
0xa8: {  	_ =	swait.ge [sflag:s19], $0x4000  }
0xa9: {  	[sflag:s19] =	ssyncset.done $0x0  }
0xaa: {  	[sflag:s19] =	ssyncadd.s32 $0xFFFFC000  }
0xab: {  	_ =	swait.ge [sflag:s19], $0x4000  }
0xac: {  	[sflag:s19] =	ssyncset.done $0x0  }
0xad: {  	[sflag:s19] =	ssyncadd.s32 $0xFFFFC000  }
0xae: {  	_ =	swait.ge [sflag:s19], $0x4000  }
0xaf: {  	[sflag:s19] =	ssyncset.done $0x0  }
0xb0: {  	[sflag:s19] =	ssyncadd.s32 $0xFFFFC000  }
0xb1: {  	_ =	swait.ge [sflag:s19], $0x4000  }
0xb2: {  	[sflag:s19] =	ssyncset.done $0x0  }
0xb3: {  	[sflag:s19] =	ssyncadd.s32 $0xFFFFC000  }
0xb4: {  	_ =	swait.ge [sflag:s19], $0x4000  }
0xb5: {  	[sflag:s19] =	ssyncset.done $0x0  }
0xb6: {  	[sflag:s19] =	ssyncadd.s32 $0xFFFFC000  }
0xb7: {  	_ =	swait.ge [sflag:s19], $0x4000  }
0xb8: {  	[sflag:s19] =	ssyncset.done $0x0  }
0xb9: {  	[sflag:s19] =	ssyncadd.s32 $0xFFFFC000  }
.LBB2_12:
0xba: {  	[bflag:$0x0] =	sbarrier.arrive $0xFFFF;
	s21 =	simm.s32 @p1 $0x2  }
0xbb: {  	[hbm:s11], [sflag:s6] =	dma.local @p1 [spmem:s24], $0x2800  }
0xbc: {  	s20 =	sadd.s32 $0x1, s20;
	_ =	swait.ge @p1 [sflag:s21], $0x2800  }
0xbd: {  	p2 =	sne.s32 s20, s12;
	[sflag:s21] =	ssyncset.done @p1 $0x0  }
.Ltmp1:
0xbe: {  	[sflag:s21] =	ssyncadd.s32 @p1 $0xFFFFD800;
	s21 =	simm.s32 @!p1 $0x2;
	(pc) =	sbr.rel @!p2 .LBB2_13-.Ltmp1, $4  }
0xbf: {  	[hbm:s10], [sflag:s6] =	dma.local @!p1 [spmem:s25], $0x2700  }
0xc0: {  	_ =	swait.ge @!p1 [sflag:s21], $0x2700  }
0xc1: {  	[sflag:s21] =	ssyncset.done @!p1 $0x0  }
0xc2: {  	[sflag:s21] =	ssyncadd.s32 @!p1 $0xFFFFD900  }
.LBB2_1:
0xc3: {  	[spmem:s13], [sflag:s6] =	dma.local [hbm:s5], $0x2780  }
0xc4: {  	_ =	swait.ge [sflag:s14], $0x2780  }
0xc5: {  	[sflag:s14] =	ssyncset.done $0x0  }
0xc6: {  	[sflag:s14] =	ssyncadd.s32 $0xFFFFD880  }
0xc7: {  	[tilespmem:s15], [sflag:$0x2] =	stream.linear.gather [hbm4b:s4+s3], $0x4000, $0x38;
	[tilespmem:$0x19C00] =	vst v63  }
.Ltmp2:
0xc8: {  	_ =	swait.ge [sflag:s14], $0x4000;
	(pc) =	sbr.rel @p0 .LBB2_11-.Ltmp2, $3  }
0xc9: {  	[sflag:s14] =	ssyncset.done $0x0  }
0xca: {  	[sflag:s14] =	ssyncadd.s32 $0xFFFFC000  }
0xcb: {  	[bflag:$0x0] =	sbarrier.arrive $0xFFFF;
	_ =	sdelay $0x1  }
0xcc: {  	s21 =	simm.s32 $0x0  }
0xcd: {  	[tilespmem:s21], [sflag:$0x2] =	stream.linear.gather [hbm4b:s7+s21], $0x2000, $0x38;
	[tilespmem:$0x19C00] =	vst v63  }
0xce: {  	_ =	swait.ge [sflag:s14], $0x2000  }
0xcf: {  	[sflag:s14] =	ssyncset.done $0x0  }
0xd0: {  	[sflag:s14] =	ssyncadd.s32 $0xFFFFE000  }
.LBB2_3:
0xd1: {  	p2 =	sne.s32 s21, $0x7E00  }
.Ltmp3:
0xd2: {  	_ = 	snop;
	(pc) =	sbr.rel @p2 .LBB2_3-.Ltmp3, $3  }
0xd3: {  	_ =	sdelay $0x1  }
0xd4: {  	s22 =	sshra.s32 s21, $0x2;
	s21 =	sadd.s32 $0x200, s21  }
0xd5: {  	[spmem:s2] =	stream.indirect.scatter.add.f32 [tilespmem:s15], [sflag:$0x1], $0x80, s22, s16, $0xb8;
	[tilespmem:$0x19C00] =	vst v63  }
0xd6: {  	_ =	swait.ge [sflag:s19], $0x4000  }
0xd7: {  	s21 =	simm.s32 $0x3F;
	[sflag:s19] =	ssyncset.done $0x0  }
.LBB2_5:
0xd8: {  	p2 =	sne.s32 s21, $0x1;
	s21 =	sadd.s32 $0xFFFFFFFF, s21;
	[sflag:s19] =	ssyncadd.s32 $0xFFFFC000  }
.Ltmp4:
0xd9: {  	(pc) =	sbr.rel @p2 .LBB2_5-.Ltmp4, $3  }
0xda: {  	_ =	sdelay $0x1  }
0xdb: {  	_ =	swait.ge [sflag:s19], $0x4000  }
0xdc: {  	[sflag:s19] =	ssyncset.done $0x0  }
0xdd: {  	[sflag:s19] =	ssyncadd.s32 $0xFFFFC000;
	s21 =	simm.s32 $0x0  }
0xde: {  	[tilespmem:s21], [sflag:$0x2] =	stream.linear.gather [hbm4b:s8+s21], $0x2000, $0x38;
	[tilespmem:$0x19C00] =	vst v63  }
0xdf: {  	_ =	swait.ge [sflag:s14], $0x2000  }
0xe0: {  	[sflag:s14] =	ssyncset.done $0x0  }
0xe1: {  	[sflag:s14] =	ssyncadd.s32 $0xFFFFE000  }
.LBB2_7:
0xe2: {  	p2 =	sne.s32 s21, $0x7E00  }
.Ltmp5:
0xe3: {  	_ = 	snop;
	(pc) =	sbr.rel @p2 .LBB2_7-.Ltmp5, $3  }
0xe4: {  	_ =	sdelay $0x1  }
0xe5: {  	s22 =	sshra.s32 s21, $0x2;
	s21 =	sadd.s32 $0x200, s21  }
0xe6: {  	[spmem:s2] =	stream.indirect.scatter.add.f32 [tilespmem:s15], [sflag:$0x1], $0x80, s22, s16, $0xb8;
	[tilespmem:$0x19C00] =	vst v63  }
0xe7: {  	_ =	swait.ge [sflag:s19], $0x4000  }
0xe8: {  	s21 =	simm.s32 $0x3F;
	[sflag:s19] =	ssyncset.done $0x0  }
.LBB2_9:
0xe9: {  	p2 =	seq.s32 s21, $0x1;
	s21 =	sadd.s32 $0xFFFFFFFF, s21;
	[sflag:s19] =	ssyncadd.s32 $0xFFFFC000  }
.Ltmp6:
0xea: {  	(pc) =	sbr.rel @!p2 .LBB2_9-.Ltmp6, $3  }
0xeb: {  	_ =	sdelay $0x1  }
0xec: {  	_ =	swait.ge [sflag:s19], $0x4000  }
0xed: {  	[sflag:s19] =	ssyncset.done $0x0  }
.Ltmp7:
0xee: {  	(pc) =	sbr.rel .LBB2_12-.Ltmp7, $2  }
0xef: {  	_ =	sdelay $0x2  }
0xf0: {  	[sflag:s19] =	ssyncadd.s32 $0xFFFFC000  }
.LBB2_13:
0xf1: {  	_ =	sfence.sel $0x180000  }
0xf2: {  	[bflag:$0x0] =	sbarrier.arrive $0xFFFF  }
0xf3: {  	_ =	strace $0x90000047  }
0xf4: {  	s0 =	stileid.u32;
	[bflag:$0x2] =	sbarrier.arrive $0xFFFF  }
0xf5: {  	p0 =	sne.s32 s0, $0x0;
	s0 =	rddreg [dreg:$0x3]  }
0xf6: {  	s0 =	sadd.s32 @!p0 $0x100000, s0  }
0xf7: {  	[sflag:s0] =	ssyncadd.tile.s32 @!p0 $0x1;
	_ =	shalt  }
.Lfunc_end2:
_tile_overlayer_lowered:
.L_overlay_start_2:
0xf8: {  	(tag) =	ssettag $0x2  }
0xf9: {  	s0 =	rddreg [dreg:$0x0];
	s2 =	stileid.u32  }
0xfa: {  	s1 =	rddreg [dreg:$0x1];
	p0 =	sne.s32 s2, $0x0  }
0xfb: {  	s3 =	rddreg [dreg:$0x2];
	[bflag:$0x3] =	sbarrier.arrive $0xFFFF;
	s2 =	simm.s32 @!p0 $0x1C02  }
0xfc: {  	[timem:s3], [sflag:s2] =	dma.local @!p0 [hbm:s0], s1  }
0xfd: {  	s0 =	simm.s32 @!p0 $0x2  }
0xfe: {  	_ =	swait.ge @!p0 [sflag:s0], s1  }
0xff: {  	s1 =	ssub.s32 @!p0 $0x0, s1;
	[sflag:s0] =	ssyncset.done @!p0 $0x0  }
0x100: {  	[sflag:s0] =	ssyncadd.s32 @!p0 s1  }
0x101: {  	[bflag:$0x3] =	sbarrier.arrive $0xFFFF  }
0x102: {  	_ =	shalt  }

</sc_bundles>
